<compile_context>
chip_gen: v7x
topology: tpu7x:2x2x1
jax: 0.10.2.dev20260603
libtpu: 0.0.44.dev20260713+nightly
codegen_flags: <defaults>
</compile_context>

<pallas_src>
import functools

import jax
import jax.numpy as jnp
from jax import lax
from jax.experimental import pallas as pl
from jax.experimental.pallas import tpu as pltpu
from jax.experimental.pallas import tpu_sc as plsc

N = 4096
E = 16384
NNZ = 131072
D = 128
NPOS = N * N
NC = 2
NS = 16
NW = NC * NS
L = 16

f32 = jnp.float32
i32 = jnp.int32

_MESH = plsc.VectorSubcoreMesh(core_axis_name="c", subcore_axis_name="s")


def _zero_vmem(ref, n):
    def body(i, _):
        ref[pl.ds(i * L, L)] = jnp.zeros((L,), ref.dtype)
        return 0
    lax.fori_loop(0, n // L, body, 0)


def _edge_mlp_body(v_ref, w1_ref, b1_ref, w2_ref, b2_ref, out_ref):
    x = v_ref[...]
    h = jnp.dot(x, w1_ref[...], preferred_element_type=f32) + b1_ref[...]
    h = jnp.maximum(h, 0.0)
    out_ref[...] = jnp.dot(h, w2_ref[...], preferred_element_type=f32) + b2_ref[0, 0]


def _edge_mlp(v_col, w1, b1, w2, b2):
    BM = 4096
    return pl.pallas_call(
        _edge_mlp_body,
        grid=(NNZ // BM,),
        in_specs=[
            pl.BlockSpec((BM, 1), lambda i: (i, 0)),
            pl.BlockSpec((1, D), lambda i: (0, 0)),
            pl.BlockSpec((1, D), lambda i: (0, 0)),
            pl.BlockSpec((D, 1), lambda i: (0, 0)),
            pl.BlockSpec((1, 1), lambda i: (0, 0)),
        ],
        out_specs=pl.BlockSpec((BM, 1), lambda i: (i, 0)),
        out_shape=jax.ShapeDtypeStruct((NNZ, 1), f32),
    )(v_col, w1, b1, w2, b2)


def _node_mlp_body(s_ref, w1_ref, b1_ref, w2_ref, b2_ref, s2_ref):
    x = s_ref[...]
    h = jnp.dot(x, w1_ref[...], preferred_element_type=f32) + b1_ref[...]
    h = jnp.maximum(h, 0.0)
    st = jnp.dot(h, w2_ref[...], preferred_element_type=f32) + b2_ref[0, 0]
    s2_ref[...] = st * st


def _node_mlp_sq(s_col, w1, b1, w2, b2):
    return pl.pallas_call(
        _node_mlp_body,
        out_shape=jax.ShapeDtypeStruct((N, 1), f32),
    )(s_col, w1, b1, w2, b2)


def _edge_dot_body(hs_ref, hd_ref, al_ref, hc_ref, a0_ref):
    ex = jnp.exp(al_ref[...])
    ea0 = ex[0, 0]
    ea1 = ex[0, 1]
    denom = ea0 + ea1
    a1 = ea1 / denom
    dot = jnp.sum(hs_ref[...] * hd_ref[...], axis=1, keepdims=True)
    hc_ref[...] = a1 / (1.0 + jnp.exp(-dot)) + 1e-15
    a0_ref[...] = jnp.full((1, L), ea0 / denom, f32)


def _edge_dot(hs, hd, alpha_pad):
    BE = 2048
    return pl.pallas_call(
        _edge_dot_body,
        grid=(E // BE,),
        in_specs=[
            pl.BlockSpec((BE, D), lambda i: (i, 0)),
            pl.BlockSpec((BE, D), lambda i: (i, 0)),
            pl.BlockSpec((1, D), lambda i: (0, 0)),
        ],
        out_specs=[
            pl.BlockSpec((BE, 1), lambda i: (i, 0)),
            pl.BlockSpec((1, L), lambda i: (0, 0)),
        ],
        out_shape=[
            jax.ShapeDtypeStruct((E, 1), f32),
            jax.ShapeDtypeStruct((1, L), f32),
        ],
    )(hs, hd, alpha_pad)


CH_B = NNZ // NW
EC_B = E // NW


def _sc_scatter_gather_body(row_h, col_h, src_h, dst_h, H_h,
                            T_h, Hs_h, Hd_h,
                            rbuf, cbuf, pbuf, kbuf, sibuf, dibuf, hbuf, hbuf2,
                            sem, sem2):
    c = lax.axis_index("c")
    s = lax.axis_index("s")
    wid = s * NC + c
    base = wid * CH_B
    pltpu.sync_copy(row_h.at[pl.ds(base, CH_B)], rbuf)
    pltpu.sync_copy(col_h.at[pl.ds(base, CH_B)], cbuf)

    def body(i, _):
        rr = rbuf[pl.ds(i * L, L)]
        cc = cbuf[pl.ds(i * L, L)]
        pbuf[pl.ds(i * L, L)] = rr * N + cc
        kbuf[pl.ds(i * L, L)] = lax.iota(i32, L) + (base + i * L)
        return 0

    lax.fori_loop(0, CH_B // L, body, 0)
    pltpu.sync_copy(kbuf, T_h.at[pbuf])

    EH = EC_B // 2
    ebase = wid * EC_B
    pltpu.sync_copy(src_h.at[pl.ds(ebase, EC_B)], sibuf)
    pltpu.sync_copy(dst_h.at[pl.ds(ebase, EC_B)], dibuf)
    for idxbuf, out_h in ((sibuf, Hs_h), (dibuf, Hd_h)):
        g1 = pltpu.async_copy(H_h.at[idxbuf.at[pl.ds(0, EH)]], hbuf, sem)
        g2 = pltpu.async_copy(H_h.at[idxbuf.at[pl.ds(EH, EH)]], hbuf2, sem2)
        g1.wait()
        pltpu.sync_copy(hbuf, out_h.at[pl.ds(ebase, EH)])
        g2.wait()
        pltpu.sync_copy(hbuf2, out_h.at[pl.ds(ebase + EH, EH)])


def _sc_scatter_gather(row, col, src, dst, H):
    return pl.kernel(
        _sc_scatter_gather_body,
        out_type=(
            jax.ShapeDtypeStruct((NPOS,), i32),
            jax.ShapeDtypeStruct((E, D), f32),
            jax.ShapeDtypeStruct((E, D), f32),
        ),
        mesh=_MESH,
        name="sc1_scatter_gather",
        scratch_types=[
            pltpu.VMEM((CH_B,), i32),
            pltpu.VMEM((CH_B,), i32),
            pltpu.VMEM((CH_B,), i32),
            pltpu.VMEM((CH_B,), i32),
            pltpu.VMEM((EC_B,), i32),
            pltpu.VMEM((EC_B,), i32),
            pltpu.VMEM((EC_B // 2, D), f32),
            pltpu.VMEM((EC_B // 2, D), f32),
            pltpu.SemaphoreType.DMA,
            pltpu.SemaphoreType.DMA,
        ],
    )(row, col, src, dst, H)


CH_D = NNZ // NS
ZB = 2048
NPS = N // NS


def _sc_dedup_body(row_h, col_h, v_h, e_h, T_h,
                   u_h, s_h,
                   rbuf, cbuf, pbuf, wbuf, vbuf, ubuf, zbuf, acc, sacc, sem):
    c = lax.axis_index("c")
    sid = lax.axis_index("s")
    base = sid * CH_D
    _zero_vmem(zbuf, ZB)

    @pl.when(c == 0)
    def _():
        for j in range(CH_D // ZB):
            pltpu.sync_copy(zbuf, acc.at[pl.ds(base + j * ZB, ZB)])
        pltpu.sync_copy(row_h.at[pl.ds(base, CH_D)], rbuf)
        pltpu.sync_copy(col_h.at[pl.ds(base, CH_D)], cbuf)

        def body(i, _):
            pbuf[pl.ds(i * L, L)] = rbuf[pl.ds(i * L, L)] * N + cbuf[pl.ds(i * L, L)]
            return 0

        lax.fori_loop(0, CH_D // L, body, 0)
        pltpu.async_copy(T_h.at[pbuf], wbuf, sem).wait()
        pltpu.sync_copy(v_h.at[pl.ds(base, CH_D)], vbuf)

    @pl.when(c == 1)
    def _():
        pltpu.sync_copy(zbuf.at[pl.ds(0, NPS)], sacc.at[pl.ds(sid * NPS, NPS)])
        pltpu.sync_copy(e_h.at[pl.ds(base, CH_D)], vbuf)
        pltpu.sync_copy(col_h.at[pl.ds(base, CH_D)], cbuf)

    plsc.subcore_barrier()

    @pl.when(c == 0)
    def _():
        pltpu.sync_copy(vbuf, acc.at[wbuf], add=True)

    @pl.when(c == 1)
    def _():
        pltpu.sync_copy(vbuf, sacc.at[cbuf], add=True)

    plsc.subcore_barrier()

    @pl.when(c == 0)
    def _():
        pltpu.async_copy(acc.at[wbuf], ubuf, sem).wait()
        pltpu.sync_copy(ubuf, u_h.at[pl.ds(base, CH_D)])

    @pl.when(c == 1)
    def _():
        pltpu.sync_copy(sacc.at[pl.ds(sid * NPS, NPS)], s_h.at[pl.ds(sid * NPS, NPS)])


def _sc_dedup(row, col, v, e_flat, T):
    return pl.kernel(
        _sc_dedup_body,
        out_type=(
            jax.ShapeDtypeStruct((NNZ,), f32),
            jax.ShapeDtypeStruct((N,), f32),
        ),
        mesh=_MESH,
        name="sc2_dedup",
        scratch_types=[
            pltpu.VMEM((CH_D,), i32),
            pltpu.VMEM((CH_D,), i32),
            pltpu.VMEM((CH_D,), i32),
            pltpu.VMEM((CH_D,), i32),
            pltpu.VMEM((CH_D,), f32),
            pltpu.VMEM((CH_D,), f32),
            pltpu.VMEM((ZB,), f32),
            pltpu.VMEM_SHARED((NNZ,), f32),
            pltpu.VMEM_SHARED((N,), f32),
            pltpu.SemaphoreType.DMA,
        ],
    )(row, col, v, e_flat, T)


EPT = E // NS
NG = NPS // L


def _sc_final_body(row_h, col_h, v_h, u_h, s2_h, src_h, hc_h, a0_h,
                   pw1_h, pb1_h, pw2_h, pb2_h,
                   out_h,
                   rbuf, cbuf, vbuf, ubuf, dbuf, s2gbuf, zerobuf,
                   tbuf, znbuf, w1buf, b1buf, w2buf, b2buf, a0buf,
                   sbuf, hcbuf, obuf, zgbuf, s2sp, tacc, zsp, sem):
    c = lax.axis_index("c")
    sid = lax.axis_index("s")
    base = sid * CH_D
    _zero_vmem(zerobuf, ZB)

    @pl.when(c == 0)
    def _():
        pltpu.sync_copy(zerobuf.at[pl.ds(0, NPS)], tacc.at[pl.ds(sid * NPS, NPS)])
        pltpu.sync_copy(s2_h.at[pl.ds(sid * NPS, NPS)], s2sp.at[pl.ds(sid * NPS, NPS)])
        pltpu.sync_copy(row_h.at[pl.ds(base, CH_D)], rbuf)
        pltpu.sync_copy(col_h.at[pl.ds(base, CH_D)], cbuf)
        pltpu.sync_copy(v_h.at[pl.ds(base, CH_D)], vbuf)
        pltpu.sync_copy(u_h.at[pl.ds(base, CH_D)], ubuf)

    plsc.subcore_barrier()

    @pl.when(c == 0)
    def _():
        pltpu.async_copy(s2sp.at[cbuf], s2gbuf, sem).wait()

        def body(i, _):
            sl = pl.ds(i * L, L)
            dbuf[sl] = vbuf[sl] * ubuf[sl] * s2gbuf[sl]
            return 0

        lax.fori_loop(0, CH_D // L, body, 0)
        pltpu.sync_copy(dbuf, tacc.at[rbuf], add=True)

    plsc.subcore_barrier()

    @pl.when(c == 0)
    def _():
        pltpu.sync_copy(tacc.at[pl.ds(sid * NPS, NPS)], tbuf)
        pltpu.sync_copy(pw1_h, w1buf)
        pltpu.sync_copy(pb1_h, b1buf)
        pltpu.sync_copy(pw2_h, w2buf)
        pltpu.sync_copy(pb2_h, b2buf)
        tv = [tbuf[pl.ds(g * L, L)] for g in range(NG)]
        accs = [jnp.zeros((L,), f32) for _ in range(NG)]

        def hbody(h, accs):
            w1h = w1buf[pl.ds(h, L)][0]
            b1h = b1buf[pl.ds(h, L)][0]
            w2h = w2buf[pl.ds(h, L)][0]
            return tuple(
                a + jnp.maximum(t * w1h + b1h, 0.0) * w2h
                for a, t in zip(accs, tv)
            )

        accs = lax.fori_loop(0, D, hbody, tuple(accs))
        b2v = b2buf[...]
        for g in range(NG):
            z = 1.0 / (1.0 + jnp.exp(-(accs[g] + b2v)))
            znbuf[pl.ds(g * L, L)] = z
        pltpu.sync_copy(znbuf, zsp.at[pl.ds(sid * NPS, NPS)])

    plsc.subcore_barrier()

    @pl.when(c == 0)
    def _():
        ebase = sid * EPT
        pltpu.sync_copy(src_h.at[pl.ds(ebase, EPT)], sbuf)
        pltpu.sync_copy(hc_h.at[pl.ds(ebase, EPT)], hcbuf)
        pltpu.sync_copy(a0_h, a0buf)
        pltpu.async_copy(zsp.at[sbuf], zgbuf, sem).wait()
        a0v = a0buf[...]

        def ebody(i, _):
            sl = pl.ds(i * L, L)
            obuf[sl] = a0v * zgbuf[sl] + hcbuf[sl]
            return 0

        lax.fori_loop(0, EPT // L, ebody, 0)
        pltpu.sync_copy(obuf, out_h.at[pl.ds(ebase, EPT)])


def _sc_final(row, col, v, u, s2, src, hc, a0vec, pw1, pb1, pw2, pb2):
    return pl.kernel(
        _sc_final_body,
        out_type=jax.ShapeDtypeStruct((E,), f32),
        mesh=_MESH,
        name="sc3_final",
        scratch_types=[
            pltpu.VMEM((CH_D,), i32),
            pltpu.VMEM((CH_D,), i32),
            pltpu.VMEM((CH_D,), f32),
            pltpu.VMEM((CH_D,), f32),
            pltpu.VMEM((CH_D,), f32),
            pltpu.VMEM((CH_D,), f32),
            pltpu.VMEM((ZB,), f32),
            pltpu.VMEM((NPS,), f32),
            pltpu.VMEM((NPS,), f32),
            pltpu.VMEM((D + L,), f32),
            pltpu.VMEM((D + L,), f32),
            pltpu.VMEM((D + L,), f32),
            pltpu.VMEM((L,), f32),
            pltpu.VMEM((L,), f32),
            pltpu.VMEM((EPT,), i32),
            pltpu.VMEM((EPT,), f32),
            pltpu.VMEM((EPT,), f32),
            pltpu.VMEM((EPT,), f32),
            pltpu.VMEM_SHARED((N,), f32),
            pltpu.VMEM_SHARED((N,), f32),
            pltpu.VMEM_SHARED((N,), f32),
            pltpu.SemaphoreType.DMA,
        ],
    )(row, col, v, u, s2, src, hc, a0vec, pw1, pb1, pw2, pb2)


def kernel(edges, H, overlap_row, overlap_col, overlap_values,
           f_edge_w1, f_edge_b1, f_edge_w2, f_edge_b2,
           f_node_w1, f_node_b1, f_node_w2, f_node_b2,
           psi3_w1, psi3_b1, psi3_w2, psi3_b2, alpha):
    src = edges[:, 0].astype(i32)
    dst = edges[:, 1].astype(i32)
    row = overlap_row.astype(i32)
    col = overlap_col.astype(i32)
    v = overlap_values.astype(f32)

    e = _edge_mlp(v[:, None], f_edge_w1, f_edge_b1[None, :], f_edge_w2,
                  f_edge_b2[None, :])[:, 0]

    T, hs, hd = _sc_scatter_gather(row, col, src, dst, H)

    u, s = _sc_dedup(row, col, v, e, T)

    alpha_pad = jnp.zeros((1, D), f32).at[0, :2].set(alpha.astype(f32))
    hc2, a0vec2 = _edge_dot(hs, hd, alpha_pad)
    hc = hc2[:, 0]
    a0vec = a0vec2[0]

    s2 = _node_mlp_sq(s[:, None], f_node_w1, f_node_b1[None, :], f_node_w2,
                      f_node_b2[None, :])[:, 0]

    pad = lambda x: jnp.pad(x.reshape(D), (0, L))
    out = _sc_final(row, col, v, u, s2, src, hc, a0vec,
                    pad(psi3_w1), pad(psi3_b1), pad(psi3_w2),
                    jnp.broadcast_to(psi3_b2, (L,)))

    return out[:, None]

# --- scband reference (transcript-rebuilt; emitter-appended) ---
"""Pipeline reference for scband-link-pred-27092653703582 (READ-ONLY COPY).

The authoritative reference and input builder live on the scoring server;
editing this copy changes nothing except your own understanding.
"""

import jax, jax.numpy as jnp
import numpy as np

N = 4096
E = 16384
NNZ = 131072
D = 128
P1 = 128
P2 = 128
P3 = 128


def _mlp(x, w1, b1, w2, b2):
    return jax.nn.relu(x @ w1 + b1) @ w2 + b2


def setup_inputs(seed: int = 0) -> dict:
    key = jax.random.key(seed)
    ks = jax.random.split(key, 16)

    def lin(k, fi, fo):
        lim = 1.0 / np.sqrt(fi)
        return jax.random.uniform(k, (fi, fo), minval=-lim, maxval=lim, dtype=jnp.float32)

    edges = jax.random.randint(ks[0], (E, 2), 0, N)
    H = jax.random.normal(ks[1], (N, D), dtype=jnp.float32)
    overlap_row = jax.random.randint(ks[2], (NNZ,), 0, N)
    overlap_col = jax.random.randint(ks[3], (NNZ,), 0, N)
    overlap_values = jax.random.uniform(ks[4], (NNZ,), dtype=jnp.float32)
    return {
        "edges": edges,
        "H": H,
        "overlap_row": overlap_row,
        "overlap_col": overlap_col,
        "overlap_values": overlap_values,
        "f_edge_w1": lin(ks[5], 1, P1), "f_edge_b1": jnp.zeros((P1,), jnp.float32),
        "f_edge_w2": lin(ks[6], P1, 1), "f_edge_b2": jnp.zeros((1,), jnp.float32),
        "f_node_w1": lin(ks[7], 1, P2), "f_node_b1": jnp.zeros((P2,), jnp.float32),
        "f_node_w2": lin(ks[8], P2, 1), "f_node_b2": jnp.zeros((1,), jnp.float32),
        "psi3_w1": lin(ks[9], 1, P3), "psi3_b1": jnp.zeros((P3,), jnp.float32),
        "psi3_w2": lin(ks[10], P3, 1), "psi3_b2": jnp.zeros((1,), jnp.float32),
        "alpha": jnp.zeros((2,), jnp.float32),
    }


def reference(edges, H, overlap_row, overlap_col, overlap_values,
              f_edge_w1, f_edge_b1, f_edge_w2, f_edge_b2,
              f_node_w1, f_node_b1, f_node_w2, f_node_b2,
              psi3_w1, psi3_b1, psi3_w2, psi3_b2, alpha):
    n = H.shape[0]
    src = edges[:, 0]
    dst = edges[:, 1]
    # BatchDotPred: per-edge dot product of gathered node features
    h_link = jax.nn.sigmoid(jnp.sum(H[src] * H[dst], axis=1)[:, None])
    # MultiHopAggregator
    e = _mlp(overlap_values[:, None], f_edge_w1, f_edge_b1, f_edge_w2, f_edge_b2)  # [nnz, 1]
    s = jnp.zeros((n, 1), dtype=e.dtype).at[overlap_col].add(e)  # scatter_add over col
    struct = _mlp(s, f_node_w1, f_node_b1, f_node_w2, f_node_b2)[:, 0]  # [N]
    # coo_matrix.todense(): duplicates sum
    dense = jnp.zeros((n, n), dtype=overlap_values.dtype).at[overlap_row, overlap_col].add(overlap_values)
    src_nb = dense[src]  # [E, N]
    struct_src = src_nb * struct
    struct_dst = src_nb * struct  # faithful to original (uses src_nodes twice)
    agg = jnp.sum(struct_src * struct_dst, axis=1)[:, None]  # [E, 1]
    z_link = jax.nn.sigmoid(_mlp(agg, psi3_w1, psi3_b1, psi3_w2, psi3_b2))
    a = jax.nn.softmax(alpha, axis=0)
    return a[0] * z_link + a[1] * h_link + 1e-15

if __name__ == "__main__":
    import jax
    _d = setup_inputs()
    print(jax.jit(kernel)(*tuple(_d.values())))

</pallas_src>

<mosaic_0001>
#map = affine_map<(d0, d1) -> (0)>
#map1 = affine_map<(d0, d1) -> (0, 0)>
module attributes {stable_mosaic.version = 14 : i64} {
  func.func @sc1_scatter_gather(%arg0: i32, %arg1: i32, %arg2: memref<131072xi32, #tpu.memory_space<hbm>>, %arg3: memref<131072xi32, #tpu.memory_space<hbm>>, %arg4: memref<16384xi32, #tpu.memory_space<hbm>>, %arg5: memref<16384xi32, #tpu.memory_space<hbm>>, %arg6: memref<4096x128xf32, #tpu.memory_space<hbm>>, %arg7: memref<16777216xi32, #tpu.memory_space<hbm>>, %arg8: memref<16384x128xf32, #tpu.memory_space<hbm>>, %arg9: memref<16384x128xf32, #tpu.memory_space<hbm>>, %arg10: memref<4096xi32, #tpu.memory_space<vmem>>, %arg11: memref<4096xi32, #tpu.memory_space<vmem>>, %arg12: memref<4096xi32, #tpu.memory_space<vmem>>, %arg13: memref<4096xi32, #tpu.memory_space<vmem>>, %arg14: memref<512xi32, #tpu.memory_space<vmem>>, %arg15: memref<512xi32, #tpu.memory_space<vmem>>, %arg16: memref<256x128xf32, #tpu.memory_space<vmem>>, %arg17: memref<256x128xf32, #tpu.memory_space<vmem>>, %arg18: memref<!tpu.dma_semaphore, #tpu.memory_space<semaphore_mem>>, %arg19: memref<!tpu.dma_semaphore, #tpu.memory_space<semaphore_mem>>) attributes {dimension_semantics = [#tpu.dimension_semantics<core_parallel>, #tpu.dimension_semantics<subcore_parallel>], iteration_bounds = array<i64: 2, 16>, scalar_prefetch = 0 : i64, scratch_operands = 10 : i64, tpu.core_type = #tpu.core_type<sc_vector_subcore>, window_params = [{transform_indices = #map}, {transform_indices = #map}, {transform_indices = #map}, {transform_indices = #map}, {transform_indices = #map1}, {transform_indices = #map}, {transform_indices = #map1}, {transform_indices = #map1}]} {
    %mul3A = arith.constant 2 : i32
    %mul3A_0 = arith.muli %arg1, %mul3A : i32
    %add3A = arith.addi %mul3A_0, %arg0 : i32
    %mul3A_1 = arith.constant 4096 : i32
    %mul3A_2 = arith.muli %add3A, %mul3A_1 : i32
    "tpu.region"() ({
      %run_scoped3A = tpu.sem_alloc : memref<!tpu.dma_semaphore, #tpu.memory_space<semaphore_mem>>
      %dma_start3A_53 = tpu.memref_slice %arg2[%mul3A_2] : memref<131072xi32, #tpu.memory_space<hbm>> -> memref<4096xi32, #tpu.memory_space<hbm>>
      %dma_start3A_54 = tpu.memref_slice %arg2[%mul3A_2] : memref<131072xi32, #tpu.memory_space<hbm>> -> memref<4096xi32, #tpu.memory_space<hbm>>
      tpu.enqueue_dma source(%dma_start3A_54 : memref<4096xi32, #tpu.memory_space<hbm>>) target(%arg10 : memref<4096xi32, #tpu.memory_space<vmem>>) target_semaphore(%run_scoped3A : memref<!tpu.dma_semaphore, #tpu.memory_space<semaphore_mem>>)
      %dma_wait3A_55 = tpu.memref_slice %arg2[%mul3A_2] : memref<131072xi32, #tpu.memory_space<hbm>> -> memref<4096xi32, #tpu.memory_space<hbm>>
      %dma_wait3A_56 = tpu.memref_slice %arg2[%mul3A_2] : memref<131072xi32, #tpu.memory_space<hbm>> -> memref<4096xi32, #tpu.memory_space<hbm>>
      tpu.wait_dma2 semaphore(%run_scoped3A : memref<!tpu.dma_semaphore, #tpu.memory_space<semaphore_mem>>) src(%dma_wait3A_56 : memref<4096xi32, #tpu.memory_space<hbm>>) dst(%arg10 : memref<4096xi32, #tpu.memory_space<vmem>>)
      tpu.yield
    }) : () -> ()
    "tpu.region"() ({
      %run_scoped3A = tpu.sem_alloc : memref<!tpu.dma_semaphore, #tpu.memory_space<semaphore_mem>>
      %dma_start3A_53 = tpu.memref_slice %arg3[%mul3A_2] : memref<131072xi32, #tpu.memory_space<hbm>> -> memref<4096xi32, #tpu.memory_space<hbm>>
      %dma_start3A_54 = tpu.memref_slice %arg3[%mul3A_2] : memref<131072xi32, #tpu.memory_space<hbm>> -> memref<4096xi32, #tpu.memory_space<hbm>>
      tpu.enqueue_dma source(%dma_start3A_54 : memref<4096xi32, #tpu.memory_space<hbm>>) target(%arg11 : memref<4096xi32, #tpu.memory_space<vmem>>) target_semaphore(%run_scoped3A : memref<!tpu.dma_semaphore, #tpu.memory_space<semaphore_mem>>)
      %dma_wait3A_55 = tpu.memref_slice %arg3[%mul3A_2] : memref<131072xi32, #tpu.memory_space<hbm>> -> memref<4096xi32, #tpu.memory_space<hbm>>
      %dma_wait3A_56 = tpu.memref_slice %arg3[%mul3A_2] : memref<131072xi32, #tpu.memory_space<hbm>> -> memref<4096xi32, #tpu.memory_space<hbm>>
      tpu.wait_dma2 semaphore(%run_scoped3A : memref<!tpu.dma_semaphore, #tpu.memory_space<semaphore_mem>>) src(%dma_wait3A_56 : memref<4096xi32, #tpu.memory_space<hbm>>) dst(%arg11 : memref<4096xi32, #tpu.memory_space<vmem>>)
      tpu.yield
    }) : () -> ()
    %scan3A = arith.constant 0 : i32
    %scan3A_3 = arith.constant 0 : i32
    %scan3A_4 = arith.constant 256 : i32
    %scan3A_5 = arith.addi %scan3A_3, %scan3A_4 : i32
    %scan3A_6 = arith.constant 1 : i32
    %scan3A_7 = scf.for %scan3A_53 = %scan3A_3 to %scan3A_5 step %scan3A_6 iter_args(%scan3A_54 = %scan3A) -> (i32)  : i32 {
      %mul3A_55 = arith.constant 16 : i32
      %mul3A_56 = arith.muli %scan3A_53, %mul3A_55 : i32
      %get3A = arith.index_cast %mul3A_56 : i32 to index
      %get3A_57 = tpu.vector_load %arg10[%get3A] {strides = array<i32>} : memref<4096xi32, #tpu.memory_space<vmem>>, vector<16xi32>,
      %get3A_58 = vector.shape_cast %get3A_57 : vector<16xi32> to vector<16xi32>
      %mul3A_59 = arith.constant 16 : i32
      %mul3A_60 = arith.muli %scan3A_53, %mul3A_59 : i32
      %get3A_61 = arith.index_cast %mul3A_60 : i32 to index
      %get3A_62 = tpu.vector_load %arg11[%get3A_61] {strides = array<i32>} : memref<4096xi32, #tpu.memory_space<vmem>>, vector<16xi32>,
      %get3A_63 = vector.shape_cast %get3A_62 : vector<16xi32> to vector<16xi32>
      %mul3A_64 = arith.constant 4096 : i32
      %mul3A_65 = vector.broadcast %mul3A_64 : i32 to vector<16xi32>
      %mul3A_66 = arith.muli %get3A_58, %mul3A_65 : vector<16xi32>
      %add3A_67 = arith.addi %mul3A_66, %get3A_63 : vector<16xi32>
      %mul3A_68 = arith.constant 16 : i32
      %mul3A_69 = arith.muli %scan3A_53, %mul3A_68 : i32
      %swap3A = arith.index_cast %mul3A_69 : i32 to index
      %swap3A_70 = tpu.vector_load %arg12[%swap3A] {strides = array<i32>} : memref<4096xi32, #tpu.memory_space<vmem>>, vector<16xi32>,
      %swap3A_71 = vector.shape_cast %swap3A_70 : vector<16xi32> to vector<16xi32>
      %swap3A_72 = vector.shape_cast %add3A_67 : vector<16xi32> to vector<16xi32>
      tpu.vector_store %arg12[%swap3A], %swap3A_72 {strides = array<i32>} : memref<4096xi32, #tpu.memory_space<vmem>>, vector<16xi32>,
      %iota3A = tpu.iota {dimensions = array<i32: 0>} : vector<16xi32>
      %mul3A_73 = arith.constant 16 : i32
      %mul3A_74 = arith.muli %scan3A_53, %mul3A_73 : i32
      %add3A_75 = arith.addi %mul3A_2, %mul3A_74 : i32
      %add3A_76 = vector.broadcast %add3A_75 : i32 to vector<16xi32>
      %add3A_77 = arith.addi %iota3A, %add3A_76 : vector<16xi32>
      %mul3A_78 = arith.constant 16 : i32
      %mul3A_79 = arith.muli %scan3A_53, %mul3A_78 : i32
      %swap3A_80 = arith.index_cast %mul3A_79 : i32 to index
      %swap3A_81 = tpu.vector_load %arg13[%swap3A_80] {strides = array<i32>} : memref<4096xi32, #tpu.memory_space<vmem>>, vector<16xi32>,
      %swap3A_82 = vector.shape_cast %swap3A_81 : vector<16xi32> to vector<16xi32>
      %swap3A_83 = vector.shape_cast %add3A_77 : vector<16xi32> to vector<16xi32>
      tpu.vector_store %arg13[%swap3A_80], %swap3A_83 {strides = array<i32>} : memref<4096xi32, #tpu.memory_space<vmem>>, vector<16xi32>,
      %scan3A_84 = arith.constant 0 : i32
      scf.yield %scan3A_84 : i32
    }
    %scan3A_8 = arith.constant 256 : i32
    "tpu.region"() ({
      %run_scoped3A = tpu.sem_alloc : memref<!tpu.dma_semaphore, #tpu.memory_space<semaphore_mem>>
      %dma_start3A_53 = arith.constant 0 : i32
      %dma_start3A_54 = tpu.memref_slice %arg7[%dma_start3A_53] : memref<16777216xi32, #tpu.memory_space<hbm>> -> memref<16777216xi32, #tpu.memory_space<hbm>>
      tpu.enqueue_indirect_dma source(%arg13 : memref<4096xi32, #tpu.memory_space<vmem>>) target(%dma_start3A_54 : memref<16777216xi32, #tpu.memory_space<hbm>>) offsets(%arg12 : memref<4096xi32, #tpu.memory_space<vmem>>) semaphore(%run_scoped3A : memref<!tpu.dma_semaphore, #tpu.memory_space<semaphore_mem>>)
      %dma_wait3A_55 = arith.constant 0 : i32
      %dma_wait3A_56 = tpu.memref_slice %arg7[%dma_wait3A_55] : memref<16777216xi32, #tpu.memory_space<hbm>> -> memref<16777216xi32, #tpu.memory_space<hbm>>
      tpu.wait_indirect_dma semaphore(%run_scoped3A : memref<!tpu.dma_semaphore, #tpu.memory_space<semaphore_mem>>) src(%arg13 : memref<4096xi32, #tpu.memory_space<vmem>>) dst(%dma_wait3A_56 : memref<16777216xi32, #tpu.memory_space<hbm>>)
      tpu.yield
    }) : () -> ()
    %mul3A_9 = arith.constant 512 : i32
    %mul3A_10 = arith.muli %add3A, %mul3A_9 : i32
    "tpu.region"() ({
      %run_scoped3A = tpu.sem_alloc : memref<!tpu.dma_semaphore, #tpu.memory_space<semaphore_mem>>
      %dma_start3A_53 = tpu.memref_slice %arg4[%mul3A_10] : memref<16384xi32, #tpu.memory_space<hbm>> -> memref<512xi32, #tpu.memory_space<hbm>>
      %dma_start3A_54 = tpu.memref_slice %arg4[%mul3A_10] : memref<16384xi32, #tpu.memory_space<hbm>> -> memref<512xi32, #tpu.memory_space<hbm>>
      tpu.enqueue_dma source(%dma_start3A_54 : memref<512xi32, #tpu.memory_space<hbm>>) target(%arg14 : memref<512xi32, #tpu.memory_space<vmem>>) target_semaphore(%run_scoped3A : memref<!tpu.dma_semaphore, #tpu.memory_space<semaphore_mem>>)
      %dma_wait3A_55 = tpu.memref_slice %arg4[%mul3A_10] : memref<16384xi32, #tpu.memory_space<hbm>> -> memref<512xi32, #tpu.memory_space<hbm>>
      %dma_wait3A_56 = tpu.memref_slice %arg4[%mul3A_10] : memref<16384xi32, #tpu.memory_space<hbm>> -> memref<512xi32, #tpu.memory_space<hbm>>
      tpu.wait_dma2 semaphore(%run_scoped3A : memref<!tpu.dma_semaphore, #tpu.memory_space<semaphore_mem>>) src(%dma_wait3A_56 : memref<512xi32, #tpu.memory_space<hbm>>) dst(%arg14 : memref<512xi32, #tpu.memory_space<vmem>>)
      tpu.yield
    }) : () -> ()
    "tpu.region"() ({
      %run_scoped3A = tpu.sem_alloc : memref<!tpu.dma_semaphore, #tpu.memory_space<semaphore_mem>>
      %dma_start3A_53 = tpu.memref_slice %arg5[%mul3A_10] : memref<16384xi32, #tpu.memory_space<hbm>> -> memref<512xi32, #tpu.memory_space<hbm>>
      %dma_start3A_54 = tpu.memref_slice %arg5[%mul3A_10] : memref<16384xi32, #tpu.memory_space<hbm>> -> memref<512xi32, #tpu.memory_space<hbm>>
      tpu.enqueue_dma source(%dma_start3A_54 : memref<512xi32, #tpu.memory_space<hbm>>) target(%arg15 : memref<512xi32, #tpu.memory_space<vmem>>) target_semaphore(%run_scoped3A : memref<!tpu.dma_semaphore, #tpu.memory_space<semaphore_mem>>)
      %dma_wait3A_55 = tpu.memref_slice %arg5[%mul3A_10] : memref<16384xi32, #tpu.memory_space<hbm>> -> memref<512xi32, #tpu.memory_space<hbm>>
      %dma_wait3A_56 = tpu.memref_slice %arg5[%mul3A_10] : memref<16384xi32, #tpu.memory_space<hbm>> -> memref<512xi32, #tpu.memory_space<hbm>>
      tpu.wait_dma2 semaphore(%run_scoped3A : memref<!tpu.dma_semaphore, #tpu.memory_space<semaphore_mem>>) src(%dma_wait3A_56 : memref<512xi32, #tpu.memory_space<hbm>>) dst(%arg15 : memref<512xi32, #tpu.memory_space<vmem>>)
      tpu.yield
    }) : () -> ()
    %dma_start3A = arith.constant 0 : i32
    %dma_start3A_11 = tpu.memref_slice %arg14[%dma_start3A] : memref<512xi32, #tpu.memory_space<vmem>> -> memref<256xi32, #tpu.memory_space<vmem>>
    %dma_start3A_12 = arith.constant 0 : i32
    %dma_start3A_13 = arith.constant 0 : i32
    %dma_start3A_14 = tpu.memref_slice %arg6[%dma_start3A_12, %dma_start3A_13] : memref<4096x128xf32, #tpu.memory_space<hbm>> -> memref<4096x128xf32, #tpu.memory_space<hbm>>
    tpu.enqueue_indirect_dma source(%dma_start3A_14 : memref<4096x128xf32, #tpu.memory_space<hbm>>) target(%arg16 : memref<256x128xf32, #tpu.memory_space<vmem>>) offsets(%dma_start3A_11 : memref<256xi32, #tpu.memory_space<vmem>>) semaphore(%arg18 : memref<!tpu.dma_semaphore, #tpu.memory_space<semaphore_mem>>)
    %dma_start3A_15 = arith.constant 256 : i32
    %dma_start3A_16 = tpu.memref_slice %arg14[%dma_start3A_15] : memref<512xi32, #tpu.memory_space<vmem>> -> memref<256xi32, #tpu.memory_space<vmem>>
    %dma_start3A_17 = arith.constant 0 : i32
    %dma_start3A_18 = arith.constant 0 : i32
    %dma_start3A_19 = tpu.memref_slice %arg6[%dma_start3A_17, %dma_start3A_18] : memref<4096x128xf32, #tpu.memory_space<hbm>> -> memref<4096x128xf32, #tpu.memory_space<hbm>>
    tpu.enqueue_indirect_dma source(%dma_start3A_19 : memref<4096x128xf32, #tpu.memory_space<hbm>>) target(%arg17 : memref<256x128xf32, #tpu.memory_space<vmem>>) offsets(%dma_start3A_16 : memref<256xi32, #tpu.memory_space<vmem>>) semaphore(%arg19 : memref<!tpu.dma_semaphore, #tpu.memory_space<semaphore_mem>>)
    %dma_wait3A = arith.constant 0 : i32
    %dma_wait3A_20 = tpu.memref_slice %arg14[%dma_wait3A] : memref<512xi32, #tpu.memory_space<vmem>> -> memref<256xi32, #tpu.memory_space<vmem>>
    %dma_wait3A_21 = arith.constant 0 : i32
    %dma_wait3A_22 = arith.constant 0 : i32
    %dma_wait3A_23 = tpu.memref_slice %arg6[%dma_wait3A_21, %dma_wait3A_22] : memref<4096x128xf32, #tpu.memory_space<hbm>> -> memref<4096x128xf32, #tpu.memory_space<hbm>>
    tpu.wait_indirect_dma semaphore(%arg18 : memref<!tpu.dma_semaphore, #tpu.memory_space<semaphore_mem>>) src(%dma_wait3A_23 : memref<4096x128xf32, #tpu.memory_space<hbm>>) dst(%arg16 : memref<256x128xf32, #tpu.memory_space<vmem>>)
    "tpu.region"() ({
      %run_scoped3A = tpu.sem_alloc : memref<!tpu.dma_semaphore, #tpu.memory_space<semaphore_mem>>
      %dma_start3A_53 = arith.constant 0 : i32
      %dma_start3A_54 = tpu.memref_slice %arg8[%mul3A_10, %dma_start3A_53] : memref<16384x128xf32, #tpu.memory_space<hbm>> -> memref<256x128xf32, #tpu.memory_space<hbm>>
      %dma_start3A_55 = arith.constant 0 : i32
      %dma_start3A_56 = tpu.memref_slice %arg8[%mul3A_10, %dma_start3A_55] : memref<16384x128xf32, #tpu.memory_space<hbm>> -> memref<256x128xf32, #tpu.memory_space<hbm>>
      tpu.enqueue_dma source(%arg16 : memref<256x128xf32, #tpu.memory_space<vmem>>) target(%dma_start3A_56 : memref<256x128xf32, #tpu.memory_space<hbm>>) target_semaphore(%run_scoped3A : memref<!tpu.dma_semaphore, #tpu.memory_space<semaphore_mem>>)
      %dma_wait3A_57 = arith.constant 0 : i32
      %dma_wait3A_58 = tpu.memref_slice %arg8[%mul3A_10, %dma_wait3A_57] : memref<16384x128xf32, #tpu.memory_space<hbm>> -> memref<256x128xf32, #tpu.memory_space<hbm>>
      %dma_wait3A_59 = arith.constant 0 : i32
      %dma_wait3A_60 = tpu.memref_slice %arg8[%mul3A_10, %dma_wait3A_59] : memref<16384x128xf32, #tpu.memory_space<hbm>> -> memref<256x128xf32, #tpu.memory_space<hbm>>
      tpu.wait_dma2 semaphore(%run_scoped3A : memref<!tpu.dma_semaphore, #tpu.memory_space<semaphore_mem>>) src(%arg16 : memref<256x128xf32, #tpu.memory_space<vmem>>) dst(%dma_wait3A_60 : memref<256x128xf32, #tpu.memory_space<hbm>>)
      tpu.yield
    }) : () -> ()
    %dma_wait3A_24 = arith.constant 256 : i32
    %dma_wait3A_25 = tpu.memref_slice %arg14[%dma_wait3A_24] : memref<512xi32, #tpu.memory_space<vmem>> -> memref<256xi32, #tpu.memory_space<vmem>>
    %dma_wait3A_26 = arith.constant 0 : i32
    %dma_wait3A_27 = arith.constant 0 : i32
    %dma_wait3A_28 = tpu.memref_slice %arg6[%dma_wait3A_26, %dma_wait3A_27] : memref<4096x128xf32, #tpu.memory_space<hbm>> -> memref<4096x128xf32, #tpu.memory_space<hbm>>
    tpu.wait_indirect_dma semaphore(%arg19 : memref<!tpu.dma_semaphore, #tpu.memory_space<semaphore_mem>>) src(%dma_wait3A_28 : memref<4096x128xf32, #tpu.memory_space<hbm>>) dst(%arg17 : memref<256x128xf32, #tpu.memory_space<vmem>>)
    %add3A_29 = arith.constant 256 : i32
    %add3A_30 = arith.addi %mul3A_10, %add3A_29 : i32
    "tpu.region"() ({
      %run_scoped3A = tpu.sem_alloc : memref<!tpu.dma_semaphore, #tpu.memory_space<semaphore_mem>>
      %dma_start3A_53 = arith.constant 0 : i32
      %dma_start3A_54 = tpu.memref_slice %arg8[%add3A_30, %dma_start3A_53] : memref<16384x128xf32, #tpu.memory_space<hbm>> -> memref<256x128xf32, #tpu.memory_space<hbm>>
      %dma_start3A_55 = arith.constant 0 : i32
      %dma_start3A_56 = tpu.memref_slice %arg8[%add3A_30, %dma_start3A_55] : memref<16384x128xf32, #tpu.memory_space<hbm>> -> memref<256x128xf32, #tpu.memory_space<hbm>>
      tpu.enqueue_dma source(%arg17 : memref<256x128xf32, #tpu.memory_space<vmem>>) target(%dma_start3A_56 : memref<256x128xf32, #tpu.memory_space<hbm>>) target_semaphore(%run_scoped3A : memref<!tpu.dma_semaphore, #tpu.memory_space<semaphore_mem>>)
      %dma_wait3A_57 = arith.constant 0 : i32
      %dma_wait3A_58 = tpu.memref_slice %arg8[%add3A_30, %dma_wait3A_57] : memref<16384x128xf32, #tpu.memory_space<hbm>> -> memref<256x128xf32, #tpu.memory_space<hbm>>
      %dma_wait3A_59 = arith.constant 0 : i32
      %dma_wait3A_60 = tpu.memref_slice %arg8[%add3A_30, %dma_wait3A_59] : memref<16384x128xf32, #tpu.memory_space<hbm>> -> memref<256x128xf32, #tpu.memory_space<hbm>>
      tpu.wait_dma2 semaphore(%run_scoped3A : memref<!tpu.dma_semaphore, #tpu.memory_space<semaphore_mem>>) src(%arg17 : memref<256x128xf32, #tpu.memory_space<vmem>>) dst(%dma_wait3A_60 : memref<256x128xf32, #tpu.memory_space<hbm>>)
      tpu.yield
    }) : () -> ()
    %dma_start3A_31 = arith.constant 0 : i32
    %dma_start3A_32 = tpu.memref_slice %arg15[%dma_start3A_31] : memref<512xi32, #tpu.memory_space<vmem>> -> memref<256xi32, #tpu.memory_space<vmem>>
    %dma_start3A_33 = arith.constant 0 : i32
    %dma_start3A_34 = arith.constant 0 : i32
    %dma_start3A_35 = tpu.memref_slice %arg6[%dma_start3A_33, %dma_start3A_34] : memref<4096x128xf32, #tpu.memory_space<hbm>> -> memref<4096x128xf32, #tpu.memory_space<hbm>>
    tpu.enqueue_indirect_dma source(%dma_start3A_35 : memref<4096x128xf32, #tpu.memory_space<hbm>>) target(%arg16 : memref<256x128xf32, #tpu.memory_space<vmem>>) offsets(%dma_start3A_32 : memref<256xi32, #tpu.memory_space<vmem>>) semaphore(%arg18 : memref<!tpu.dma_semaphore, #tpu.memory_space<semaphore_mem>>)
    %dma_start3A_36 = arith.constant 256 : i32
    %dma_start3A_37 = tpu.memref_slice %arg15[%dma_start3A_36] : memref<512xi32, #tpu.memory_space<vmem>> -> memref<256xi32, #tpu.memory_space<vmem>>
    %dma_start3A_38 = arith.constant 0 : i32
    %dma_start3A_39 = arith.constant 0 : i32
    %dma_start3A_40 = tpu.memref_slice %arg6[%dma_start3A_38, %dma_start3A_39] : memref<4096x128xf32, #tpu.memory_space<hbm>> -> memref<4096x128xf32, #tpu.memory_space<hbm>>
    tpu.enqueue_indirect_dma source(%dma_start3A_40 : memref<4096x128xf32, #tpu.memory_space<hbm>>) target(%arg17 : memref<256x128xf32, #tpu.memory_space<vmem>>) offsets(%dma_start3A_37 : memref<256xi32, #tpu.memory_space<vmem>>) semaphore(%arg19 : memref<!tpu.dma_semaphore, #tpu.memory_space<semaphore_mem>>)
    %dma_wait3A_41 = arith.constant 0 : i32
    %dma_wait3A_42 = tpu.memref_slice %arg15[%dma_wait3A_41] : memref<512xi32, #tpu.memory_space<vmem>> -> memref<256xi32, #tpu.memory_space<vmem>>
    %dma_wait3A_43 = arith.constant 0 : i32
    %dma_wait3A_44 = arith.constant 0 : i32
    %dma_wait3A_45 = tpu.memref_slice %arg6[%dma_wait3A_43, %dma_wait3A_44] : memref<4096x128xf32, #tpu.memory_space<hbm>> -> memref<4096x128xf32, #tpu.memory_space<hbm>>
    tpu.wait_indirect_dma semaphore(%arg18 : memref<!tpu.dma_semaphore, #tpu.memory_space<semaphore_mem>>) src(%dma_wait3A_45 : memref<4096x128xf32, #tpu.memory_space<hbm>>) dst(%arg16 : memref<256x128xf32, #tpu.memory_space<vmem>>)
    "tpu.region"() ({
      %run_scoped3A = tpu.sem_alloc : memref<!tpu.dma_semaphore, #tpu.memory_space<semaphore_mem>>
      %dma_start3A_53 = arith.constant 0 : i32
      %dma_start3A_54 = tpu.memref_slice %arg9[%mul3A_10, %dma_start3A_53] : memref<16384x128xf32, #tpu.memory_space<hbm>> -> memref<256x128xf32, #tpu.memory_space<hbm>>
      %dma_start3A_55 = arith.constant 0 : i32
      %dma_start3A_56 = tpu.memref_slice %arg9[%mul3A_10, %dma_start3A_55] : memref<16384x128xf32, #tpu.memory_space<hbm>> -> memref<256x128xf32, #tpu.memory_space<hbm>>
      tpu.enqueue_dma source(%arg16 : memref<256x128xf32, #tpu.memory_space<vmem>>) target(%dma_start3A_56 : memref<256x128xf32, #tpu.memory_space<hbm>>) target_semaphore(%run_scoped3A : memref<!tpu.dma_semaphore, #tpu.memory_space<semaphore_mem>>)
      %dma_wait3A_57 = arith.constant 0 : i32
      %dma_wait3A_58 = tpu.memref_slice %arg9[%mul3A_10, %dma_wait3A_57] : memref<16384x128xf32, #tpu.memory_space<hbm>> -> memref<256x128xf32, #tpu.memory_space<hbm>>
      %dma_wait3A_59 = arith.constant 0 : i32
      %dma_wait3A_60 = tpu.memref_slice %arg9[%mul3A_10, %dma_wait3A_59] : memref<16384x128xf32, #tpu.memory_space<hbm>> -> memref<256x128xf32, #tpu.memory_space<hbm>>
      tpu.wait_dma2 semaphore(%run_scoped3A : memref<!tpu.dma_semaphore, #tpu.memory_space<semaphore_mem>>) src(%arg16 : memref<256x128xf32, #tpu.memory_space<vmem>>) dst(%dma_wait3A_60 : memref<256x128xf32, #tpu.memory_space<hbm>>)
      tpu.yield
    }) : () -> ()
    %dma_wait3A_46 = arith.constant 256 : i32
    %dma_wait3A_47 = tpu.memref_slice %arg15[%dma_wait3A_46] : memref<512xi32, #tpu.memory_space<vmem>> -> memref<256xi32, #tpu.memory_space<vmem>>
    %dma_wait3A_48 = arith.constant 0 : i32
    %dma_wait3A_49 = arith.constant 0 : i32
    %dma_wait3A_50 = tpu.memref_slice %arg6[%dma_wait3A_48, %dma_wait3A_49] : memref<4096x128xf32, #tpu.memory_space<hbm>> -> memref<4096x128xf32, #tpu.memory_space<hbm>>
    tpu.wait_indirect_dma semaphore(%arg19 : memref<!tpu.dma_semaphore, #tpu.memory_space<semaphore_mem>>) src(%dma_wait3A_50 : memref<4096x128xf32, #tpu.memory_space<hbm>>) dst(%arg17 : memref<256x128xf32, #tpu.memory_space<vmem>>)
    %add3A_51 = arith.constant 256 : i32
    %add3A_52 = arith.addi %mul3A_10, %add3A_51 : i32
    "tpu.region"() ({
      %run_scoped3A = tpu.sem_alloc : memref<!tpu.dma_semaphore, #tpu.memory_space<semaphore_mem>>
      %dma_start3A_53 = arith.constant 0 : i32
      %dma_start3A_54 = tpu.memref_slice %arg9[%add3A_52, %dma_start3A_53] : memref<16384x128xf32, #tpu.memory_space<hbm>> -> memref<256x128xf32, #tpu.memory_space<hbm>>
      %dma_start3A_55 = arith.constant 0 : i32
      %dma_start3A_56 = tpu.memref_slice %arg9[%add3A_52, %dma_start3A_55] : memref<16384x128xf32, #tpu.memory_space<hbm>> -> memref<256x128xf32, #tpu.memory_space<hbm>>
      tpu.enqueue_dma source(%arg17 : memref<256x128xf32, #tpu.memory_space<vmem>>) target(%dma_start3A_56 : memref<256x128xf32, #tpu.memory_space<hbm>>) target_semaphore(%run_scoped3A : memref<!tpu.dma_semaphore, #tpu.memory_space<semaphore_mem>>)
      %dma_wait3A_57 = arith.constant 0 : i32
      %dma_wait3A_58 = tpu.memref_slice %arg9[%add3A_52, %dma_wait3A_57] : memref<16384x128xf32, #tpu.memory_space<hbm>> -> memref<256x128xf32, #tpu.memory_space<hbm>>
      %dma_wait3A_59 = arith.constant 0 : i32
      %dma_wait3A_60 = tpu.memref_slice %arg9[%add3A_52, %dma_wait3A_59] : memref<16384x128xf32, #tpu.memory_space<hbm>> -> memref<256x128xf32, #tpu.memory_space<hbm>>
      tpu.wait_dma2 semaphore(%run_scoped3A : memref<!tpu.dma_semaphore, #tpu.memory_space<semaphore_mem>>) src(%arg17 : memref<256x128xf32, #tpu.memory_space<vmem>>) dst(%dma_wait3A_60 : memref<256x128xf32, #tpu.memory_space<hbm>>)
      tpu.yield
    }) : () -> ()
    return
  }
}

#map = affine_map<(d0, d1) -> (0)>
module attributes {stable_mosaic.version = 14 : i64} {
  func.func @sc2_dedup(%arg0: i32, %arg1: i32, %arg2: memref<131072xi32, #tpu.memory_space<hbm>>, %arg3: memref<131072xi32, #tpu.memory_space<hbm>>, %arg4: memref<131072xf32, #tpu.memory_space<hbm>>, %arg5: memref<131072xf32, #tpu.memory_space<hbm>>, %arg6: memref<16777216xi32, #tpu.memory_space<hbm>>, %arg7: memref<131072xf32, #tpu.memory_space<hbm>>, %arg8: memref<4096xf32, #tpu.memory_space<hbm>>, %arg9: memref<8192xi32, #tpu.memory_space<vmem>>, %arg10: memref<8192xi32, #tpu.memory_space<vmem>>, %arg11: memref<8192xi32, #tpu.memory_space<vmem>>, %arg12: memref<8192xi32, #tpu.memory_space<vmem>>, %arg13: memref<8192xf32, #tpu.memory_space<vmem>>, %arg14: memref<8192xf32, #tpu.memory_space<vmem>>, %arg15: memref<2048xf32, #tpu.memory_space<vmem>>, %arg16: memref<131072xf32, #tpu.memory_space<vmem_shared>>, %arg17: memref<4096xf32, #tpu.memory_space<vmem_shared>>, %arg18: memref<!tpu.dma_semaphore, #tpu.memory_space<semaphore_mem>>) attributes {dimension_semantics = [#tpu.dimension_semantics<core_parallel>, #tpu.dimension_semantics<subcore_parallel>], iteration_bounds = array<i64: 2, 16>, scalar_prefetch = 0 : i64, scratch_operands = 10 : i64, tpu.core_type = #tpu.core_type<sc_vector_subcore>, window_params = [{transform_indices = #map}, {transform_indices = #map}, {transform_indices = #map}, {transform_indices = #map}, {transform_indices = #map}, {transform_indices = #map}, {transform_indices = #map}]} {
    %mul3A = arith.constant 8192 : i32
    %mul3A_0 = arith.muli %arg1, %mul3A : i32
    %scan3A = arith.constant 0 : i32
    %scan3A_1 = arith.constant 0 : i32
    %scan3A_2 = arith.constant 128 : i32
    %scan3A_3 = arith.addi %scan3A_1, %scan3A_2 : i32
    %scan3A_4 = arith.constant 1 : i32
    %scan3A_5 = scf.for %scan3A_35 = %scan3A_1 to %scan3A_3 step %scan3A_4 iter_args(%scan3A_36 = %scan3A) -> (i32)  : i32 {
      %broadcast_in_dim3A = arith.constant 0.000000e+00 : f32
      %broadcast_in_dim3A_37 = vector.broadcast %broadcast_in_dim3A : f32 to vector<16xf32>
      %mul3A_38 = arith.constant 16 : i32
      %mul3A_39 = arith.muli %scan3A_35, %mul3A_38 : i32
      %swap3A = arith.index_cast %mul3A_39 : i32 to index
      %swap3A_40 = tpu.vector_load %arg15[%swap3A] {strides = array<i32>} : memref<2048xf32, #tpu.memory_space<vmem>>, vector<16xf32>,
      %swap3A_41 = vector.shape_cast %swap3A_40 : vector<16xf32> to vector<16xf32>
      %swap3A_42 = vector.shape_cast %broadcast_in_dim3A_37 : vector<16xf32> to vector<16xf32>
      tpu.vector_store %arg15[%swap3A], %swap3A_42 {strides = array<i32>} : memref<2048xf32, #tpu.memory_space<vmem>>, vector<16xf32>,
      %scan3A_43 = arith.constant 0 : i32
      scf.yield %scan3A_43 : i32
    }
    %scan3A_6 = arith.constant 128 : i32
    %eq3A = arith.constant 0 : i32
    %eq3A_7 = arith.cmpi eq, %arg0, %eq3A : i32
    %convert_element_type3A = arith.extui %eq3A_7 : i1 to i32
    %cond3A = arith.constant 0 : i32
    %cond3A_8 = arith.cmpi ne, %convert_element_type3A, %cond3A : i32
    scf.if %cond3A_8 {
      %add3A = arith.constant 0 : i32
      %add3A_35 = arith.addi %mul3A_0, %add3A : i32
      "tpu.region"() ({
        %run_scoped3A = tpu.sem_alloc : memref<!tpu.dma_semaphore, #tpu.memory_space<semaphore_mem>>
        %dma_start3A_51 = tpu.memref_slice %arg16[%add3A_35] : memref<131072xf32, #tpu.memory_space<vmem_shared>> -> memref<2048xf32, #tpu.memory_space<vmem_shared>>
        %dma_start3A_52 = tpu.memref_slice %arg16[%add3A_35] : memref<131072xf32, #tpu.memory_space<vmem_shared>> -> memref<2048xf32, #tpu.memory_space<vmem_shared>>
        tpu.enqueue_dma source(%arg15 : memref<2048xf32, #tpu.memory_space<vmem>>) target(%dma_start3A_52 : memref<2048xf32, #tpu.memory_space<vmem_shared>>) target_semaphore(%run_scoped3A : memref<!tpu.dma_semaphore, #tpu.memory_space<semaphore_mem>>)
        %dma_wait3A_53 = tpu.memref_slice %arg16[%add3A_35] : memref<131072xf32, #tpu.memory_space<vmem_shared>> -> memref<2048xf32, #tpu.memory_space<vmem_shared>>
        %dma_wait3A_54 = tpu.memref_slice %arg16[%add3A_35] : memref<131072xf32, #tpu.memory_space<vmem_shared>> -> memref<2048xf32, #tpu.memory_space<vmem_shared>>
        tpu.wait_dma2 semaphore(%run_scoped3A : memref<!tpu.dma_semaphore, #tpu.memory_space<semaphore_mem>>) src(%arg15 : memref<2048xf32, #tpu.memory_space<vmem>>) dst(%dma_wait3A_54 : memref<2048xf32, #tpu.memory_space<vmem_shared>>)
        tpu.yield
      }) : () -> ()
      %add3A_36 = arith.constant 2048 : i32
      %add3A_37 = arith.addi %mul3A_0, %add3A_36 : i32
      "tpu.region"() ({
        %run_scoped3A = tpu.sem_alloc : memref<!tpu.dma_semaphore, #tpu.memory_space<semaphore_mem>>
        %dma_start3A_51 = tpu.memref_slice %arg16[%add3A_37] : memref<131072xf32, #tpu.memory_space<vmem_shared>> -> memref<2048xf32, #tpu.memory_space<vmem_shared>>
        %dma_start3A_52 = tpu.memref_slice %arg16[%add3A_37] : memref<131072xf32, #tpu.memory_space<vmem_shared>> -> memref<2048xf32, #tpu.memory_space<vmem_shared>>
        tpu.enqueue_dma source(%arg15 : memref<2048xf32, #tpu.memory_space<vmem>>) target(%dma_start3A_52 : memref<2048xf32, #tpu.memory_space<vmem_shared>>) target_semaphore(%run_scoped3A : memref<!tpu.dma_semaphore, #tpu.memory_space<semaphore_mem>>)
        %dma_wait3A_53 = tpu.memref_slice %arg16[%add3A_37] : memref<131072xf32, #tpu.memory_space<vmem_shared>> -> memref<2048xf32, #tpu.memory_space<vmem_shared>>
        %dma_wait3A_54 = tpu.memref_slice %arg16[%add3A_37] : memref<131072xf32, #tpu.memory_space<vmem_shared>> -> memref<2048xf32, #tpu.memory_space<vmem_shared>>
        tpu.wait_dma2 semaphore(%run_scoped3A : memref<!tpu.dma_semaphore, #tpu.memory_space<semaphore_mem>>) src(%arg15 : memref<2048xf32, #tpu.memory_space<vmem>>) dst(%dma_wait3A_54 : memref<2048xf32, #tpu.memory_space<vmem_shared>>)
        tpu.yield
      }) : () -> ()
      %add3A_38 = arith.constant 4096 : i32
      %add3A_39 = arith.addi %mul3A_0, %add3A_38 : i32
      "tpu.region"() ({
        %run_scoped3A = tpu.sem_alloc : memref<!tpu.dma_semaphore, #tpu.memory_space<semaphore_mem>>
        %dma_start3A_51 = tpu.memref_slice %arg16[%add3A_39] : memref<131072xf32, #tpu.memory_space<vmem_shared>> -> memref<2048xf32, #tpu.memory_space<vmem_shared>>
        %dma_start3A_52 = tpu.memref_slice %arg16[%add3A_39] : memref<131072xf32, #tpu.memory_space<vmem_shared>> -> memref<2048xf32, #tpu.memory_space<vmem_shared>>
        tpu.enqueue_dma source(%arg15 : memref<2048xf32, #tpu.memory_space<vmem>>) target(%dma_start3A_52 : memref<2048xf32, #tpu.memory_space<vmem_shared>>) target_semaphore(%run_scoped3A : memref<!tpu.dma_semaphore, #tpu.memory_space<semaphore_mem>>)
        %dma_wait3A_53 = tpu.memref_slice %arg16[%add3A_39] : memref<131072xf32, #tpu.memory_space<vmem_shared>> -> memref<2048xf32, #tpu.memory_space<vmem_shared>>
        %dma_wait3A_54 = tpu.memref_slice %arg16[%add3A_39] : memref<131072xf32, #tpu.memory_space<vmem_shared>> -> memref<2048xf32, #tpu.memory_space<vmem_shared>>
        tpu.wait_dma2 semaphore(%run_scoped3A : memref<!tpu.dma_semaphore, #tpu.memory_space<semaphore_mem>>) src(%arg15 : memref<2048xf32, #tpu.memory_space<vmem>>) dst(%dma_wait3A_54 : memref<2048xf32, #tpu.memory_space<vmem_shared>>)
        tpu.yield
      }) : () -> ()
      %add3A_40 = arith.constant 6144 : i32
      %add3A_41 = arith.addi %mul3A_0, %add3A_40 : i32
      "tpu.region"() ({
        %run_scoped3A = tpu.sem_alloc : memref<!tpu.dma_semaphore, #tpu.memory_space<semaphore_mem>>
        %dma_start3A_51 = tpu.memref_slice %arg16[%add3A_41] : memref<131072xf32, #tpu.memory_space<vmem_shared>> -> memref<2048xf32, #tpu.memory_space<vmem_shared>>
        %dma_start3A_52 = tpu.memref_slice %arg16[%add3A_41] : memref<131072xf32, #tpu.memory_space<vmem_shared>> -> memref<2048xf32, #tpu.memory_space<vmem_shared>>
        tpu.enqueue_dma source(%arg15 : memref<2048xf32, #tpu.memory_space<vmem>>) target(%dma_start3A_52 : memref<2048xf32, #tpu.memory_space<vmem_shared>>) target_semaphore(%run_scoped3A : memref<!tpu.dma_semaphore, #tpu.memory_space<semaphore_mem>>)
        %dma_wait3A_53 = tpu.memref_slice %arg16[%add3A_41] : memref<131072xf32, #tpu.memory_space<vmem_shared>> -> memref<2048xf32, #tpu.memory_space<vmem_shared>>
        %dma_wait3A_54 = tpu.memref_slice %arg16[%add3A_41] : memref<131072xf32, #tpu.memory_space<vmem_shared>> -> memref<2048xf32, #tpu.memory_space<vmem_shared>>
        tpu.wait_dma2 semaphore(%run_scoped3A : memref<!tpu.dma_semaphore, #tpu.memory_space<semaphore_mem>>) src(%arg15 : memref<2048xf32, #tpu.memory_space<vmem>>) dst(%dma_wait3A_54 : memref<2048xf32, #tpu.memory_space<vmem_shared>>)
        tpu.yield
      }) : () -> ()
      "tpu.region"() ({
        %run_scoped3A = tpu.sem_alloc : memref<!tpu.dma_semaphore, #tpu.memory_space<semaphore_mem>>
        %dma_start3A_51 = tpu.memref_slice %arg2[%mul3A_0] : memref<131072xi32, #tpu.memory_space<hbm>> -> memref<8192xi32, #tpu.memory_space<hbm>>
        %dma_start3A_52 = tpu.memref_slice %arg2[%mul3A_0] : memref<131072xi32, #tpu.memory_space<hbm>> -> memref<8192xi32, #tpu.memory_space<hbm>>
        tpu.enqueue_dma source(%dma_start3A_52 : memref<8192xi32, #tpu.memory_space<hbm>>) target(%arg9 : memref<8192xi32, #tpu.memory_space<vmem>>) target_semaphore(%run_scoped3A : memref<!tpu.dma_semaphore, #tpu.memory_space<semaphore_mem>>)
        %dma_wait3A_53 = tpu.memref_slice %arg2[%mul3A_0] : memref<131072xi32, #tpu.memory_space<hbm>> -> memref<8192xi32, #tpu.memory_space<hbm>>
        %dma_wait3A_54 = tpu.memref_slice %arg2[%mul3A_0] : memref<131072xi32, #tpu.memory_space<hbm>> -> memref<8192xi32, #tpu.memory_space<hbm>>
        tpu.wait_dma2 semaphore(%run_scoped3A : memref<!tpu.dma_semaphore, #tpu.memory_space<semaphore_mem>>) src(%dma_wait3A_54 : memref<8192xi32, #tpu.memory_space<hbm>>) dst(%arg9 : memref<8192xi32, #tpu.memory_space<vmem>>)
        tpu.yield
      }) : () -> ()
      "tpu.region"() ({
        %run_scoped3A = tpu.sem_alloc : memref<!tpu.dma_semaphore, #tpu.memory_space<semaphore_mem>>
        %dma_start3A_51 = tpu.memref_slice %arg3[%mul3A_0] : memref<131072xi32, #tpu.memory_space<hbm>> -> memref<8192xi32, #tpu.memory_space<hbm>>
        %dma_start3A_52 = tpu.memref_slice %arg3[%mul3A_0] : memref<131072xi32, #tpu.memory_space<hbm>> -> memref<8192xi32, #tpu.memory_space<hbm>>
        tpu.enqueue_dma source(%dma_start3A_52 : memref<8192xi32, #tpu.memory_space<hbm>>) target(%arg10 : memref<8192xi32, #tpu.memory_space<vmem>>) target_semaphore(%run_scoped3A : memref<!tpu.dma_semaphore, #tpu.memory_space<semaphore_mem>>)
        %dma_wait3A_53 = tpu.memref_slice %arg3[%mul3A_0] : memref<131072xi32, #tpu.memory_space<hbm>> -> memref<8192xi32, #tpu.memory_space<hbm>>
        %dma_wait3A_54 = tpu.memref_slice %arg3[%mul3A_0] : memref<131072xi32, #tpu.memory_space<hbm>> -> memref<8192xi32, #tpu.memory_space<hbm>>
        tpu.wait_dma2 semaphore(%run_scoped3A : memref<!tpu.dma_semaphore, #tpu.memory_space<semaphore_mem>>) src(%dma_wait3A_54 : memref<8192xi32, #tpu.memory_space<hbm>>) dst(%arg10 : memref<8192xi32, #tpu.memory_space<vmem>>)
        tpu.yield
      }) : () -> ()
      %scan3A_42 = arith.constant 0 : i32
      %scan3A_43 = arith.constant 0 : i32
      %scan3A_44 = arith.constant 512 : i32
      %scan3A_45 = arith.addi %scan3A_43, %scan3A_44 : i32
      %scan3A_46 = arith.constant 1 : i32
      %scan3A_47 = scf.for %scan3A_51 = %scan3A_43 to %scan3A_45 step %scan3A_46 iter_args(%scan3A_52 = %scan3A_42) -> (i32)  : i32 {
        %mul3A_53 = arith.constant 16 : i32
        %mul3A_54 = arith.muli %scan3A_51, %mul3A_53 : i32
        %get3A = arith.index_cast %mul3A_54 : i32 to index
        %get3A_55 = tpu.vector_load %arg9[%get3A] {strides = array<i32>} : memref<8192xi32, #tpu.memory_space<vmem>>, vector<16xi32>,
        %get3A_56 = vector.shape_cast %get3A_55 : vector<16xi32> to vector<16xi32>
        %mul3A_57 = arith.constant 4096 : i32
        %mul3A_58 = vector.broadcast %mul3A_57 : i32 to vector<16xi32>
        %mul3A_59 = arith.muli %get3A_56, %mul3A_58 : vector<16xi32>
        %mul3A_60 = arith.constant 16 : i32
        %mul3A_61 = arith.muli %scan3A_51, %mul3A_60 : i32
        %get3A_62 = arith.index_cast %mul3A_61 : i32 to index
        %get3A_63 = tpu.vector_load %arg10[%get3A_62] {strides = array<i32>} : memref<8192xi32, #tpu.memory_space<vmem>>, vector<16xi32>,
        %get3A_64 = vector.shape_cast %get3A_63 : vector<16xi32> to vector<16xi32>
        %add3A_65 = arith.addi %mul3A_59, %get3A_64 : vector<16xi32>
        %mul3A_66 = arith.constant 16 : i32
        %mul3A_67 = arith.muli %scan3A_51, %mul3A_66 : i32
        %swap3A = arith.index_cast %mul3A_67 : i32 to index
        %swap3A_68 = tpu.vector_load %arg11[%swap3A] {strides = array<i32>} : memref<8192xi32, #tpu.memory_space<vmem>>, vector<16xi32>,
        %swap3A_69 = vector.shape_cast %swap3A_68 : vector<16xi32> to vector<16xi32>
        %swap3A_70 = vector.shape_cast %add3A_65 : vector<16xi32> to vector<16xi32>
        tpu.vector_store %arg11[%swap3A], %swap3A_70 {strides = array<i32>} : memref<8192xi32, #tpu.memory_space<vmem>>, vector<16xi32>,
        %scan3A_71 = arith.constant 0 : i32
        scf.yield %scan3A_71 : i32
      }
      %scan3A_48 = arith.constant 512 : i32
      %dma_start3A = arith.constant 0 : i32
      %dma_start3A_49 = tpu.memref_slice %arg6[%dma_start3A] : memref<16777216xi32, #tpu.memory_space<hbm>> -> memref<16777216xi32, #tpu.memory_space<hbm>>
      tpu.enqueue_indirect_dma source(%dma_start3A_49 : memref<16777216xi32, #tpu.memory_space<hbm>>) target(%arg12 : memref<8192xi32, #tpu.memory_space<vmem>>) offsets(%arg11 : memref<8192xi32, #tpu.memory_space<vmem>>) semaphore(%arg18 : memref<!tpu.dma_semaphore, #tpu.memory_space<semaphore_mem>>)
      %dma_wait3A = arith.constant 0 : i32
      %dma_wait3A_50 = tpu.memref_slice %arg6[%dma_wait3A] : memref<16777216xi32, #tpu.memory_space<hbm>> -> memref<16777216xi32, #tpu.memory_space<hbm>>
      tpu.wait_indirect_dma semaphore(%arg18 : memref<!tpu.dma_semaphore, #tpu.memory_space<semaphore_mem>>) src(%dma_wait3A_50 : memref<16777216xi32, #tpu.memory_space<hbm>>) dst(%arg12 : memref<8192xi32, #tpu.memory_space<vmem>>)
      "tpu.region"() ({
        %run_scoped3A = tpu.sem_alloc : memref<!tpu.dma_semaphore, #tpu.memory_space<semaphore_mem>>
        %dma_start3A_51 = tpu.memref_slice %arg4[%mul3A_0] : memref<131072xf32, #tpu.memory_space<hbm>> -> memref<8192xf32, #tpu.memory_space<hbm>>
        %dma_start3A_52 = tpu.memref_slice %arg4[%mul3A_0] : memref<131072xf32, #tpu.memory_space<hbm>> -> memref<8192xf32, #tpu.memory_space<hbm>>
        tpu.enqueue_dma source(%dma_start3A_52 : memref<8192xf32, #tpu.memory_space<hbm>>) target(%arg13 : memref<8192xf32, #tpu.memory_space<vmem>>) target_semaphore(%run_scoped3A : memref<!tpu.dma_semaphore, #tpu.memory_space<semaphore_mem>>)
        %dma_wait3A_53 = tpu.memref_slice %arg4[%mul3A_0] : memref<131072xf32, #tpu.memory_space<hbm>> -> memref<8192xf32, #tpu.memory_space<hbm>>
        %dma_wait3A_54 = tpu.memref_slice %arg4[%mul3A_0] : memref<131072xf32, #tpu.memory_space<hbm>> -> memref<8192xf32, #tpu.memory_space<hbm>>
        tpu.wait_dma2 semaphore(%run_scoped3A : memref<!tpu.dma_semaphore, #tpu.memory_space<semaphore_mem>>) src(%dma_wait3A_54 : memref<8192xf32, #tpu.memory_space<hbm>>) dst(%arg13 : memref<8192xf32, #tpu.memory_space<vmem>>)
        tpu.yield
      }) : () -> ()
    } else {
    }
    %eq3A_9 = arith.constant 1 : i32
    %eq3A_10 = arith.cmpi eq, %arg0, %eq3A_9 : i32
    %convert_element_type3A_11 = arith.extui %eq3A_10 : i1 to i32
    %cond3A_12 = arith.constant 0 : i32
    %cond3A_13 = arith.cmpi ne, %convert_element_type3A_11, %cond3A_12 : i32
    scf.if %cond3A_13 {
      %mul3A_35 = arith.constant 256 : i32
      %mul3A_36 = arith.muli %arg1, %mul3A_35 : i32
      "tpu.region"() ({
        %run_scoped3A = tpu.sem_alloc : memref<!tpu.dma_semaphore, #tpu.memory_space<semaphore_mem>>
        %dma_start3A = arith.constant 0 : i32
        %dma_start3A_37 = tpu.memref_slice %arg15[%dma_start3A] : memref<2048xf32, #tpu.memory_space<vmem>> -> memref<256xf32, #tpu.memory_space<vmem>>
        %dma_start3A_38 = tpu.memref_slice %arg17[%mul3A_36] : memref<4096xf32, #tpu.memory_space<vmem_shared>> -> memref<256xf32, #tpu.memory_space<vmem_shared>>
        %dma_start3A_39 = tpu.memref_slice %arg17[%mul3A_36] : memref<4096xf32, #tpu.memory_space<vmem_shared>> -> memref<256xf32, #tpu.memory_space<vmem_shared>>
        %dma_start3A_40 = arith.constant 0 : i32
        %dma_start3A_41 = tpu.memref_slice %arg15[%dma_start3A_40] : memref<2048xf32, #tpu.memory_space<vmem>> -> memref<256xf32, #tpu.memory_space<vmem>>
        tpu.enqueue_dma source(%dma_start3A_41 : memref<256xf32, #tpu.memory_space<vmem>>) target(%dma_start3A_39 : memref<256xf32, #tpu.memory_space<vmem_shared>>) target_semaphore(%run_scoped3A : memref<!tpu.dma_semaphore, #tpu.memory_space<semaphore_mem>>)
        %dma_wait3A = arith.constant 0 : i32
        %dma_wait3A_42 = tpu.memref_slice %arg15[%dma_wait3A] : memref<2048xf32, #tpu.memory_space<vmem>> -> memref<256xf32, #tpu.memory_space<vmem>>
        %dma_wait3A_43 = tpu.memref_slice %arg17[%mul3A_36] : memref<4096xf32, #tpu.memory_space<vmem_shared>> -> memref<256xf32, #tpu.memory_space<vmem_shared>>
        %dma_wait3A_44 = tpu.memref_slice %arg17[%mul3A_36] : memref<4096xf32, #tpu.memory_space<vmem_shared>> -> memref<256xf32, #tpu.memory_space<vmem_shared>>
        %dma_wait3A_45 = arith.constant 0 : i32
        %dma_wait3A_46 = tpu.memref_slice %arg15[%dma_wait3A_45] : memref<2048xf32, #tpu.memory_space<vmem>> -> memref<256xf32, #tpu.memory_space<vmem>>
        tpu.wait_dma2 semaphore(%run_scoped3A : memref<!tpu.dma_semaphore, #tpu.memory_space<semaphore_mem>>) src(%dma_wait3A_46 : memref<256xf32, #tpu.memory_space<vmem>>) dst(%dma_wait3A_44 : memref<256xf32, #tpu.memory_space<vmem_shared>>)
        tpu.yield
      }) : () -> ()
      "tpu.region"() ({
        %run_scoped3A = tpu.sem_alloc : memref<!tpu.dma_semaphore, #tpu.memory_space<semaphore_mem>>
        %dma_start3A = tpu.memref_slice %arg5[%mul3A_0] : memref<131072xf32, #tpu.memory_space<hbm>> -> memref<8192xf32, #tpu.memory_space<hbm>>
        %dma_start3A_37 = tpu.memref_slice %arg5[%mul3A_0] : memref<131072xf32, #tpu.memory_space<hbm>> -> memref<8192xf32, #tpu.memory_space<hbm>>
        tpu.enqueue_dma source(%dma_start3A_37 : memref<8192xf32, #tpu.memory_space<hbm>>) target(%arg13 : memref<8192xf32, #tpu.memory_space<vmem>>) target_semaphore(%run_scoped3A : memref<!tpu.dma_semaphore, #tpu.memory_space<semaphore_mem>>)
        %dma_wait3A = tpu.memref_slice %arg5[%mul3A_0] : memref<131072xf32, #tpu.memory_space<hbm>> -> memref<8192xf32, #tpu.memory_space<hbm>>
        %dma_wait3A_38 = tpu.memref_slice %arg5[%mul3A_0] : memref<131072xf32, #tpu.memory_space<hbm>> -> memref<8192xf32, #tpu.memory_space<hbm>>
        tpu.wait_dma2 semaphore(%run_scoped3A : memref<!tpu.dma_semaphore, #tpu.memory_space<semaphore_mem>>) src(%dma_wait3A_38 : memref<8192xf32, #tpu.memory_space<hbm>>) dst(%arg13 : memref<8192xf32, #tpu.memory_space<vmem>>)
        tpu.yield
      }) : () -> ()
      "tpu.region"() ({
        %run_scoped3A = tpu.sem_alloc : memref<!tpu.dma_semaphore, #tpu.memory_space<semaphore_mem>>
        %dma_start3A = tpu.memref_slice %arg3[%mul3A_0] : memref<131072xi32, #tpu.memory_space<hbm>> -> memref<8192xi32, #tpu.memory_space<hbm>>
        %dma_start3A_37 = tpu.memref_slice %arg3[%mul3A_0] : memref<131072xi32, #tpu.memory_space<hbm>> -> memref<8192xi32, #tpu.memory_space<hbm>>
        tpu.enqueue_dma source(%dma_start3A_37 : memref<8192xi32, #tpu.memory_space<hbm>>) target(%arg10 : memref<8192xi32, #tpu.memory_space<vmem>>) target_semaphore(%run_scoped3A : memref<!tpu.dma_semaphore, #tpu.memory_space<semaphore_mem>>)
        %dma_wait3A = tpu.memref_slice %arg3[%mul3A_0] : memref<131072xi32, #tpu.memory_space<hbm>> -> memref<8192xi32, #tpu.memory_space<hbm>>
        %dma_wait3A_38 = tpu.memref_slice %arg3[%mul3A_0] : memref<131072xi32, #tpu.memory_space<hbm>> -> memref<8192xi32, #tpu.memory_space<hbm>>
        tpu.wait_dma2 semaphore(%run_scoped3A : memref<!tpu.dma_semaphore, #tpu.memory_space<semaphore_mem>>) src(%dma_wait3A_38 : memref<8192xi32, #tpu.memory_space<hbm>>) dst(%arg10 : memref<8192xi32, #tpu.memory_space<vmem>>)
        tpu.yield
      }) : () -> ()
    } else {
    }
    %barrier3A = arith.constant 0 : index
    tpu.barrier barrier_id(%barrier3A)
    %eq3A_14 = arith.constant 0 : i32
    %eq3A_15 = arith.cmpi eq, %arg0, %eq3A_14 : i32
    %convert_element_type3A_16 = arith.extui %eq3A_15 : i1 to i32
    %cond3A_17 = arith.constant 0 : i32
    %cond3A_18 = arith.cmpi ne, %convert_element_type3A_16, %cond3A_17 : i32
    scf.if %cond3A_18 {
      "tpu.region"() ({
        %run_scoped3A = tpu.sem_alloc : memref<!tpu.dma_semaphore, #tpu.memory_space<semaphore_mem>>
        %dma_start3A = arith.constant 0 : i32
        %dma_start3A_35 = tpu.memref_slice %arg16[%dma_start3A] : memref<131072xf32, #tpu.memory_space<vmem_shared>> -> memref<131072xf32, #tpu.memory_space<vmem_shared>>
        tpu.enqueue_indirect_dma source(%arg13 : memref<8192xf32, #tpu.memory_space<vmem>>) target(%dma_start3A_35 : memref<131072xf32, #tpu.memory_space<vmem_shared>>) offsets(%arg12 : memref<8192xi32, #tpu.memory_space<vmem>>) semaphore(%run_scoped3A : memref<!tpu.dma_semaphore, #tpu.memory_space<semaphore_mem>>) {add = true}
        %dma_wait3A = arith.constant 0 : i32
        %dma_wait3A_36 = tpu.memref_slice %arg16[%dma_wait3A] : memref<131072xf32, #tpu.memory_space<vmem_shared>> -> memref<131072xf32, #tpu.memory_space<vmem_shared>>
        tpu.wait_indirect_dma semaphore(%run_scoped3A : memref<!tpu.dma_semaphore, #tpu.memory_space<semaphore_mem>>) src(%arg13 : memref<8192xf32, #tpu.memory_space<vmem>>) dst(%dma_wait3A_36 : memref<131072xf32, #tpu.memory_space<vmem_shared>>)
        tpu.yield
      }) : () -> ()
    } else {
    }
    %eq3A_19 = arith.constant 1 : i32
    %eq3A_20 = arith.cmpi eq, %arg0, %eq3A_19 : i32
    %convert_element_type3A_21 = arith.extui %eq3A_20 : i1 to i32
    %cond3A_22 = arith.constant 0 : i32
    %cond3A_23 = arith.cmpi ne, %convert_element_type3A_21, %cond3A_22 : i32
    scf.if %cond3A_23 {
      "tpu.region"() ({
        %run_scoped3A = tpu.sem_alloc : memref<!tpu.dma_semaphore, #tpu.memory_space<semaphore_mem>>
        %dma_start3A = arith.constant 0 : i32
        %dma_start3A_35 = tpu.memref_slice %arg17[%dma_start3A] : memref<4096xf32, #tpu.memory_space<vmem_shared>> -> memref<4096xf32, #tpu.memory_space<vmem_shared>>
        tpu.enqueue_indirect_dma source(%arg13 : memref<8192xf32, #tpu.memory_space<vmem>>) target(%dma_start3A_35 : memref<4096xf32, #tpu.memory_space<vmem_shared>>) offsets(%arg10 : memref<8192xi32, #tpu.memory_space<vmem>>) semaphore(%run_scoped3A : memref<!tpu.dma_semaphore, #tpu.memory_space<semaphore_mem>>) {add = true}
        %dma_wait3A = arith.constant 0 : i32
        %dma_wait3A_36 = tpu.memref_slice %arg17[%dma_wait3A] : memref<4096xf32, #tpu.memory_space<vmem_shared>> -> memref<4096xf32, #tpu.memory_space<vmem_shared>>
        tpu.wait_indirect_dma semaphore(%run_scoped3A : memref<!tpu.dma_semaphore, #tpu.memory_space<semaphore_mem>>) src(%arg13 : memref<8192xf32, #tpu.memory_space<vmem>>) dst(%dma_wait3A_36 : memref<4096xf32, #tpu.memory_space<vmem_shared>>)
        tpu.yield
      }) : () -> ()
    } else {
    }
    %barrier3A_24 = arith.constant 0 : index
    tpu.barrier barrier_id(%barrier3A_24)
    %eq3A_25 = arith.constant 0 : i32
    %eq3A_26 = arith.cmpi eq, %arg0, %eq3A_25 : i32
    %convert_element_type3A_27 = arith.extui %eq3A_26 : i1 to i32
    %cond3A_28 = arith.constant 0 : i32
    %cond3A_29 = arith.cmpi ne, %convert_element_type3A_27, %cond3A_28 : i32
    scf.if %cond3A_29 {
      %dma_start3A = arith.constant 0 : i32
      %dma_start3A_35 = tpu.memref_slice %arg16[%dma_start3A] : memref<131072xf32, #tpu.memory_space<vmem_shared>> -> memref<131072xf32, #tpu.memory_space<vmem_shared>>
      tpu.enqueue_indirect_dma source(%dma_start3A_35 : memref<131072xf32, #tpu.memory_space<vmem_shared>>) target(%arg14 : memref<8192xf32, #tpu.memory_space<vmem>>) offsets(%arg12 : memref<8192xi32, #tpu.memory_space<vmem>>) semaphore(%arg18 : memref<!tpu.dma_semaphore, #tpu.memory_space<semaphore_mem>>)
      %dma_wait3A = arith.constant 0 : i32
      %dma_wait3A_36 = tpu.memref_slice %arg16[%dma_wait3A] : memref<131072xf32, #tpu.memory_space<vmem_shared>> -> memref<131072xf32, #tpu.memory_space<vmem_shared>>
      tpu.wait_indirect_dma semaphore(%arg18 : memref<!tpu.dma_semaphore, #tpu.memory_space<semaphore_mem>>) src(%dma_wait3A_36 : memref<131072xf32, #tpu.memory_space<vmem_shared>>) dst(%arg14 : memref<8192xf32, #tpu.memory_space<vmem>>)
      "tpu.region"() ({
        %run_scoped3A = tpu.sem_alloc : memref<!tpu.dma_semaphore, #tpu.memory_space<semaphore_mem>>
        %dma_start3A_37 = tpu.memref_slice %arg7[%mul3A_0] : memref<131072xf32, #tpu.memory_space<hbm>> -> memref<8192xf32, #tpu.memory_space<hbm>>
        %dma_start3A_38 = tpu.memref_slice %arg7[%mul3A_0] : memref<131072xf32, #tpu.memory_space<hbm>> -> memref<8192xf32, #tpu.memory_space<hbm>>
        tpu.enqueue_dma source(%arg14 : memref<8192xf32, #tpu.memory_space<vmem>>) target(%dma_start3A_38 : memref<8192xf32, #tpu.memory_space<hbm>>) target_semaphore(%run_scoped3A : memref<!tpu.dma_semaphore, #tpu.memory_space<semaphore_mem>>)
        %dma_wait3A_39 = tpu.memref_slice %arg7[%mul3A_0] : memref<131072xf32, #tpu.memory_space<hbm>> -> memref<8192xf32, #tpu.memory_space<hbm>>
        %dma_wait3A_40 = tpu.memref_slice %arg7[%mul3A_0] : memref<131072xf32, #tpu.memory_space<hbm>> -> memref<8192xf32, #tpu.memory_space<hbm>>
        tpu.wait_dma2 semaphore(%run_scoped3A : memref<!tpu.dma_semaphore, #tpu.memory_space<semaphore_mem>>) src(%arg14 : memref<8192xf32, #tpu.memory_space<vmem>>) dst(%dma_wait3A_40 : memref<8192xf32, #tpu.memory_space<hbm>>)
        tpu.yield
      }) : () -> ()
    } else {
    }
    %eq3A_30 = arith.constant 1 : i32
    %eq3A_31 = arith.cmpi eq, %arg0, %eq3A_30 : i32
    %convert_element_type3A_32 = arith.extui %eq3A_31 : i1 to i32
    %cond3A_33 = arith.constant 0 : i32
    %cond3A_34 = arith.cmpi ne, %convert_element_type3A_32, %cond3A_33 : i32
    scf.if %cond3A_34 {
      %mul3A_35 = arith.constant 256 : i32
      %mul3A_36 = arith.muli %arg1, %mul3A_35 : i32
      %mul3A_37 = arith.constant 256 : i32
      %mul3A_38 = arith.muli %arg1, %mul3A_37 : i32
      "tpu.region"() ({
        %run_scoped3A = tpu.sem_alloc : memref<!tpu.dma_semaphore, #tpu.memory_space<semaphore_mem>>
        %dma_start3A = tpu.memref_slice %arg8[%mul3A_38] : memref<4096xf32, #tpu.memory_space<hbm>> -> memref<256xf32, #tpu.memory_space<hbm>>
        %dma_start3A_39 = tpu.memref_slice %arg17[%mul3A_36] : memref<4096xf32, #tpu.memory_space<vmem_shared>> -> memref<256xf32, #tpu.memory_space<vmem_shared>>
        tpu.enqueue_dma source(%dma_start3A_39 : memref<256xf32, #tpu.memory_space<vmem_shared>>) target(%dma_start3A : memref<256xf32, #tpu.memory_space<hbm>>) target_semaphore(%run_scoped3A : memref<!tpu.dma_semaphore, #tpu.memory_space<semaphore_mem>>)
        %dma_wait3A = tpu.memref_slice %arg8[%mul3A_38] : memref<4096xf32, #tpu.memory_space<hbm>> -> memref<256xf32, #tpu.memory_space<hbm>>
        %dma_wait3A_40 = tpu.memref_slice %arg17[%mul3A_36] : memref<4096xf32, #tpu.memory_space<vmem_shared>> -> memref<256xf32, #tpu.memory_space<vmem_shared>>
        tpu.wait_dma2 semaphore(%run_scoped3A : memref<!tpu.dma_semaphore, #tpu.memory_space<semaphore_mem>>) src(%dma_wait3A_40 : memref<256xf32, #tpu.memory_space<vmem_shared>>) dst(%dma_wait3A : memref<256xf32, #tpu.memory_space<hbm>>)
        tpu.yield
      }) : () -> ()
    } else {
    }
    return
  }
}

#map = affine_map<(d0, d1) -> (0)>
module attributes {stable_mosaic.version = 14 : i64} {
  func.func @sc3_final(%arg0: i32, %arg1: i32, %arg2: memref<131072xi32, #tpu.memory_space<hbm>>, %arg3: memref<131072xi32, #tpu.memory_space<hbm>>, %arg4: memref<131072xf32, #tpu.memory_space<hbm>>, %arg5: memref<131072xf32, #tpu.memory_space<hbm>>, %arg6: memref<4096xf32, #tpu.memory_space<hbm>>, %arg7: memref<16384xi32, #tpu.memory_space<hbm>>, %arg8: memref<16384xf32, #tpu.memory_space<hbm>>, %arg9: memref<16xf32, #tpu.memory_space<hbm>>, %arg10: memref<144xf32, #tpu.memory_space<hbm>>, %arg11: memref<144xf32, #tpu.memory_space<hbm>>, %arg12: memref<144xf32, #tpu.memory_space<hbm>>, %arg13: memref<16xf32, #tpu.memory_space<hbm>>, %arg14: memref<16384xf32, #tpu.memory_space<hbm>>, %arg15: memref<8192xi32, #tpu.memory_space<vmem>>, %arg16: memref<8192xi32, #tpu.memory_space<vmem>>, %arg17: memref<8192xf32, #tpu.memory_space<vmem>>, %arg18: memref<8192xf32, #tpu.memory_space<vmem>>, %arg19: memref<8192xf32, #tpu.memory_space<vmem>>, %arg20: memref<8192xf32, #tpu.memory_space<vmem>>, %arg21: memref<2048xf32, #tpu.memory_space<vmem>>, %arg22: memref<256xf32, #tpu.memory_space<vmem>>, %arg23: memref<256xf32, #tpu.memory_space<vmem>>, %arg24: memref<144xf32, #tpu.memory_space<vmem>>, %arg25: memref<144xf32, #tpu.memory_space<vmem>>, %arg26: memref<144xf32, #tpu.memory_space<vmem>>, %arg27: memref<16xf32, #tpu.memory_space<vmem>>, %arg28: memref<16xf32, #tpu.memory_space<vmem>>, %arg29: memref<1024xi32, #tpu.memory_space<vmem>>, %arg30: memref<1024xf32, #tpu.memory_space<vmem>>, %arg31: memref<1024xf32, #tpu.memory_space<vmem>>, %arg32: memref<1024xf32, #tpu.memory_space<vmem>>, %arg33: memref<4096xf32, #tpu.memory_space<vmem_shared>>, %arg34: memref<4096xf32, #tpu.memory_space<vmem_shared>>, %arg35: memref<4096xf32, #tpu.memory_space<vmem_shared>>, %arg36: memref<!tpu.dma_semaphore, #tpu.memory_space<semaphore_mem>>) attributes {dimension_semantics = [#tpu.dimension_semantics<core_parallel>, #tpu.dimension_semantics<subcore_parallel>], iteration_bounds = array<i64: 2, 16>, scalar_prefetch = 0 : i64, scratch_operands = 22 : i64, tpu.core_type = #tpu.core_type<sc_vector_subcore>, window_params = [{transform_indices = #map}, {transform_indices = #map}, {transform_indices = #map}, {transform_indices = #map}, {transform_indices = #map}, {transform_indices = #map}, {transform_indices = #map}, {transform_indices = #map}, {transform_indices = #map}, {transform_indices = #map}, {transform_indices = #map}, {transform_indices = #map}, {transform_indices = #map}]} {
    %mul3A = arith.constant 8192 : i32
    %mul3A_0 = arith.muli %arg1, %mul3A : i32
    %scan3A = arith.constant 0 : i32
    %scan3A_1 = arith.constant 0 : i32
    %scan3A_2 = arith.constant 128 : i32
    %scan3A_3 = arith.addi %scan3A_1, %scan3A_2 : i32
    %scan3A_4 = arith.constant 1 : i32
    %scan3A_5 = scf.for %scan3A_26 = %scan3A_1 to %scan3A_3 step %scan3A_4 iter_args(%scan3A_27 = %scan3A) -> (i32)  : i32 {
      %broadcast_in_dim3A = arith.constant 0.000000e+00 : f32
      %broadcast_in_dim3A_28 = vector.broadcast %broadcast_in_dim3A : f32 to vector<16xf32>
      %mul3A_29 = arith.constant 16 : i32
      %mul3A_30 = arith.muli %scan3A_26, %mul3A_29 : i32
      %swap3A = arith.index_cast %mul3A_30 : i32 to index
      %swap3A_31 = tpu.vector_load %arg21[%swap3A] {strides = array<i32>} : memref<2048xf32, #tpu.memory_space<vmem>>, vector<16xf32>,
      %swap3A_32 = vector.shape_cast %swap3A_31 : vector<16xf32> to vector<16xf32>
      %swap3A_33 = vector.shape_cast %broadcast_in_dim3A_28 : vector<16xf32> to vector<16xf32>
      tpu.vector_store %arg21[%swap3A], %swap3A_33 {strides = array<i32>} : memref<2048xf32, #tpu.memory_space<vmem>>, vector<16xf32>,
      %scan3A_34 = arith.constant 0 : i32
      scf.yield %scan3A_34 : i32
    }
    %scan3A_6 = arith.constant 128 : i32
    %eq3A = arith.constant 0 : i32
    %eq3A_7 = arith.cmpi eq, %arg0, %eq3A : i32
    %convert_element_type3A = arith.extui %eq3A_7 : i1 to i32
    %cond3A = arith.constant 0 : i32
    %cond3A_8 = arith.cmpi ne, %convert_element_type3A, %cond3A : i32
    scf.if %cond3A_8 {
      %mul3A_26 = arith.constant 256 : i32
      %mul3A_27 = arith.muli %arg1, %mul3A_26 : i32
      "tpu.region"() ({
        %run_scoped3A = tpu.sem_alloc : memref<!tpu.dma_semaphore, #tpu.memory_space<semaphore_mem>>
        %dma_start3A = arith.constant 0 : i32
        %dma_start3A_32 = tpu.memref_slice %arg21[%dma_start3A] : memref<2048xf32, #tpu.memory_space<vmem>> -> memref<256xf32, #tpu.memory_space<vmem>>
        %dma_start3A_33 = tpu.memref_slice %arg34[%mul3A_27] : memref<4096xf32, #tpu.memory_space<vmem_shared>> -> memref<256xf32, #tpu.memory_space<vmem_shared>>
        %dma_start3A_34 = tpu.memref_slice %arg34[%mul3A_27] : memref<4096xf32, #tpu.memory_space<vmem_shared>> -> memref<256xf32, #tpu.memory_space<vmem_shared>>
        %dma_start3A_35 = arith.constant 0 : i32
        %dma_start3A_36 = tpu.memref_slice %arg21[%dma_start3A_35] : memref<2048xf32, #tpu.memory_space<vmem>> -> memref<256xf32, #tpu.memory_space<vmem>>
        tpu.enqueue_dma source(%dma_start3A_36 : memref<256xf32, #tpu.memory_space<vmem>>) target(%dma_start3A_34 : memref<256xf32, #tpu.memory_space<vmem_shared>>) target_semaphore(%run_scoped3A : memref<!tpu.dma_semaphore, #tpu.memory_space<semaphore_mem>>)
        %dma_wait3A = arith.constant 0 : i32
        %dma_wait3A_37 = tpu.memref_slice %arg21[%dma_wait3A] : memref<2048xf32, #tpu.memory_space<vmem>> -> memref<256xf32, #tpu.memory_space<vmem>>
        %dma_wait3A_38 = tpu.memref_slice %arg34[%mul3A_27] : memref<4096xf32, #tpu.memory_space<vmem_shared>> -> memref<256xf32, #tpu.memory_space<vmem_shared>>
        %dma_wait3A_39 = tpu.memref_slice %arg34[%mul3A_27] : memref<4096xf32, #tpu.memory_space<vmem_shared>> -> memref<256xf32, #tpu.memory_space<vmem_shared>>
        %dma_wait3A_40 = arith.constant 0 : i32
        %dma_wait3A_41 = tpu.memref_slice %arg21[%dma_wait3A_40] : memref<2048xf32, #tpu.memory_space<vmem>> -> memref<256xf32, #tpu.memory_space<vmem>>
        tpu.wait_dma2 semaphore(%run_scoped3A : memref<!tpu.dma_semaphore, #tpu.memory_space<semaphore_mem>>) src(%dma_wait3A_41 : memref<256xf32, #tpu.memory_space<vmem>>) dst(%dma_wait3A_39 : memref<256xf32, #tpu.memory_space<vmem_shared>>)
        tpu.yield
      }) : () -> ()
      %mul3A_28 = arith.constant 256 : i32
      %mul3A_29 = arith.muli %arg1, %mul3A_28 : i32
      %mul3A_30 = arith.constant 256 : i32
      %mul3A_31 = arith.muli %arg1, %mul3A_30 : i32
      "tpu.region"() ({
        %run_scoped3A = tpu.sem_alloc : memref<!tpu.dma_semaphore, #tpu.memory_space<semaphore_mem>>
        %dma_start3A = tpu.memref_slice %arg33[%mul3A_31] : memref<4096xf32, #tpu.memory_space<vmem_shared>> -> memref<256xf32, #tpu.memory_space<vmem_shared>>
        %dma_start3A_32 = tpu.memref_slice %arg6[%mul3A_29] : memref<4096xf32, #tpu.memory_space<hbm>> -> memref<256xf32, #tpu.memory_space<hbm>>
        tpu.enqueue_dma source(%dma_start3A_32 : memref<256xf32, #tpu.memory_space<hbm>>) target(%dma_start3A : memref<256xf32, #tpu.memory_space<vmem_shared>>) target_semaphore(%run_scoped3A : memref<!tpu.dma_semaphore, #tpu.memory_space<semaphore_mem>>)
        %dma_wait3A = tpu.memref_slice %arg33[%mul3A_31] : memref<4096xf32, #tpu.memory_space<vmem_shared>> -> memref<256xf32, #tpu.memory_space<vmem_shared>>
        %dma_wait3A_33 = tpu.memref_slice %arg6[%mul3A_29] : memref<4096xf32, #tpu.memory_space<hbm>> -> memref<256xf32, #tpu.memory_space<hbm>>
        tpu.wait_dma2 semaphore(%run_scoped3A : memref<!tpu.dma_semaphore, #tpu.memory_space<semaphore_mem>>) src(%dma_wait3A_33 : memref<256xf32, #tpu.memory_space<hbm>>) dst(%dma_wait3A : memref<256xf32, #tpu.memory_space<vmem_shared>>)
        tpu.yield
      }) : () -> ()
      "tpu.region"() ({
        %run_scoped3A = tpu.sem_alloc : memref<!tpu.dma_semaphore, #tpu.memory_space<semaphore_mem>>
        %dma_start3A = tpu.memref_slice %arg2[%mul3A_0] : memref<131072xi32, #tpu.memory_space<hbm>> -> memref<8192xi32, #tpu.memory_space<hbm>>
        %dma_start3A_32 = tpu.memref_slice %arg2[%mul3A_0] : memref<131072xi32, #tpu.memory_space<hbm>> -> memref<8192xi32, #tpu.memory_space<hbm>>
        tpu.enqueue_dma source(%dma_start3A_32 : memref<8192xi32, #tpu.memory_space<hbm>>) target(%arg15 : memref<8192xi32, #tpu.memory_space<vmem>>) target_semaphore(%run_scoped3A : memref<!tpu.dma_semaphore, #tpu.memory_space<semaphore_mem>>)
        %dma_wait3A = tpu.memref_slice %arg2[%mul3A_0] : memref<131072xi32, #tpu.memory_space<hbm>> -> memref<8192xi32, #tpu.memory_space<hbm>>
        %dma_wait3A_33 = tpu.memref_slice %arg2[%mul3A_0] : memref<131072xi32, #tpu.memory_space<hbm>> -> memref<8192xi32, #tpu.memory_space<hbm>>
        tpu.wait_dma2 semaphore(%run_scoped3A : memref<!tpu.dma_semaphore, #tpu.memory_space<semaphore_mem>>) src(%dma_wait3A_33 : memref<8192xi32, #tpu.memory_space<hbm>>) dst(%arg15 : memref<8192xi32, #tpu.memory_space<vmem>>)
        tpu.yield
      }) : () -> ()
      "tpu.region"() ({
        %run_scoped3A = tpu.sem_alloc : memref<!tpu.dma_semaphore, #tpu.memory_space<semaphore_mem>>
        %dma_start3A = tpu.memref_slice %arg3[%mul3A_0] : memref<131072xi32, #tpu.memory_space<hbm>> -> memref<8192xi32, #tpu.memory_space<hbm>>
        %dma_start3A_32 = tpu.memref_slice %arg3[%mul3A_0] : memref<131072xi32, #tpu.memory_space<hbm>> -> memref<8192xi32, #tpu.memory_space<hbm>>
        tpu.enqueue_dma source(%dma_start3A_32 : memref<8192xi32, #tpu.memory_space<hbm>>) target(%arg16 : memref<8192xi32, #tpu.memory_space<vmem>>) target_semaphore(%run_scoped3A : memref<!tpu.dma_semaphore, #tpu.memory_space<semaphore_mem>>)
        %dma_wait3A = tpu.memref_slice %arg3[%mul3A_0] : memref<131072xi32, #tpu.memory_space<hbm>> -> memref<8192xi32, #tpu.memory_space<hbm>>
        %dma_wait3A_33 = tpu.memref_slice %arg3[%mul3A_0] : memref<131072xi32, #tpu.memory_space<hbm>> -> memref<8192xi32, #tpu.memory_space<hbm>>
        tpu.wait_dma2 semaphore(%run_scoped3A : memref<!tpu.dma_semaphore, #tpu.memory_space<semaphore_mem>>) src(%dma_wait3A_33 : memref<8192xi32, #tpu.memory_space<hbm>>) dst(%arg16 : memref<8192xi32, #tpu.memory_space<vmem>>)
        tpu.yield
      }) : () -> ()
      "tpu.region"() ({
        %run_scoped3A = tpu.sem_alloc : memref<!tpu.dma_semaphore, #tpu.memory_space<semaphore_mem>>
        %dma_start3A = tpu.memref_slice %arg4[%mul3A_0] : memref<131072xf32, #tpu.memory_space<hbm>> -> memref<8192xf32, #tpu.memory_space<hbm>>
        %dma_start3A_32 = tpu.memref_slice %arg4[%mul3A_0] : memref<131072xf32, #tpu.memory_space<hbm>> -> memref<8192xf32, #tpu.memory_space<hbm>>
        tpu.enqueue_dma source(%dma_start3A_32 : memref<8192xf32, #tpu.memory_space<hbm>>) target(%arg17 : memref<8192xf32, #tpu.memory_space<vmem>>) target_semaphore(%run_scoped3A : memref<!tpu.dma_semaphore, #tpu.memory_space<semaphore_mem>>)
        %dma_wait3A = tpu.memref_slice %arg4[%mul3A_0] : memref<131072xf32, #tpu.memory_space<hbm>> -> memref<8192xf32, #tpu.memory_space<hbm>>
        %dma_wait3A_33 = tpu.memref_slice %arg4[%mul3A_0] : memref<131072xf32, #tpu.memory_space<hbm>> -> memref<8192xf32, #tpu.memory_space<hbm>>
        tpu.wait_dma2 semaphore(%run_scoped3A : memref<!tpu.dma_semaphore, #tpu.memory_space<semaphore_mem>>) src(%dma_wait3A_33 : memref<8192xf32, #tpu.memory_space<hbm>>) dst(%arg17 : memref<8192xf32, #tpu.memory_space<vmem>>)
        tpu.yield
      }) : () -> ()
      "tpu.region"() ({
        %run_scoped3A = tpu.sem_alloc : memref<!tpu.dma_semaphore, #tpu.memory_space<semaphore_mem>>
        %dma_start3A = tpu.memref_slice %arg5[%mul3A_0] : memref<131072xf32, #tpu.memory_space<hbm>> -> memref<8192xf32, #tpu.memory_space<hbm>>
        %dma_start3A_32 = tpu.memref_slice %arg5[%mul3A_0] : memref<131072xf32, #tpu.memory_space<hbm>> -> memref<8192xf32, #tpu.memory_space<hbm>>
        tpu.enqueue_dma source(%dma_start3A_32 : memref<8192xf32, #tpu.memory_space<hbm>>) target(%arg18 : memref<8192xf32, #tpu.memory_space<vmem>>) target_semaphore(%run_scoped3A : memref<!tpu.dma_semaphore, #tpu.memory_space<semaphore_mem>>)
        %dma_wait3A = tpu.memref_slice %arg5[%mul3A_0] : memref<131072xf32, #tpu.memory_space<hbm>> -> memref<8192xf32, #tpu.memory_space<hbm>>
        %dma_wait3A_33 = tpu.memref_slice %arg5[%mul3A_0] : memref<131072xf32, #tpu.memory_space<hbm>> -> memref<8192xf32, #tpu.memory_space<hbm>>
        tpu.wait_dma2 semaphore(%run_scoped3A : memref<!tpu.dma_semaphore, #tpu.memory_space<semaphore_mem>>) src(%dma_wait3A_33 : memref<8192xf32, #tpu.memory_space<hbm>>) dst(%arg18 : memref<8192xf32, #tpu.memory_space<vmem>>)
        tpu.yield
      }) : () -> ()
    } else {
    }
    %barrier3A = arith.constant 0 : index
    tpu.barrier barrier_id(%barrier3A)
    %eq3A_9 = arith.constant 0 : i32
    %eq3A_10 = arith.cmpi eq, %arg0, %eq3A_9 : i32
    %convert_element_type3A_11 = arith.extui %eq3A_10 : i1 to i32
    %cond3A_12 = arith.constant 0 : i32
    %cond3A_13 = arith.cmpi ne, %convert_element_type3A_11, %cond3A_12 : i32
    scf.if %cond3A_13 {
      %dma_start3A = arith.constant 0 : i32
      %dma_start3A_26 = tpu.memref_slice %arg33[%dma_start3A] : memref<4096xf32, #tpu.memory_space<vmem_shared>> -> memref<4096xf32, #tpu.memory_space<vmem_shared>>
      tpu.enqueue_indirect_dma source(%dma_start3A_26 : memref<4096xf32, #tpu.memory_space<vmem_shared>>) target(%arg20 : memref<8192xf32, #tpu.memory_space<vmem>>) offsets(%arg16 : memref<8192xi32, #tpu.memory_space<vmem>>) semaphore(%arg36 : memref<!tpu.dma_semaphore, #tpu.memory_space<semaphore_mem>>)
      %dma_wait3A = arith.constant 0 : i32
      %dma_wait3A_27 = tpu.memref_slice %arg33[%dma_wait3A] : memref<4096xf32, #tpu.memory_space<vmem_shared>> -> memref<4096xf32, #tpu.memory_space<vmem_shared>>
      tpu.wait_indirect_dma semaphore(%arg36 : memref<!tpu.dma_semaphore, #tpu.memory_space<semaphore_mem>>) src(%dma_wait3A_27 : memref<4096xf32, #tpu.memory_space<vmem_shared>>) dst(%arg20 : memref<8192xf32, #tpu.memory_space<vmem>>)
      %scan3A_28 = arith.constant 0 : i32
      %scan3A_29 = arith.constant 0 : i32
      %scan3A_30 = arith.constant 512 : i32
      %scan3A_31 = arith.addi %scan3A_29, %scan3A_30 : i32
      %scan3A_32 = arith.constant 1 : i32
      %scan3A_33 = scf.for %scan3A_35 = %scan3A_29 to %scan3A_31 step %scan3A_32 iter_args(%scan3A_36 = %scan3A_28) -> (i32)  : i32 {
        %mul3A_37 = arith.constant 16 : i32
        %mul3A_38 = arith.muli %scan3A_35, %mul3A_37 : i32
        %get3A = arith.index_cast %mul3A_38 : i32 to index
        %get3A_39 = tpu.vector_load %arg17[%get3A] {strides = array<i32>} : memref<8192xf32, #tpu.memory_space<vmem>>, vector<16xf32>,
        %get3A_40 = vector.shape_cast %get3A_39 : vector<16xf32> to vector<16xf32>
        %get3A_41 = arith.index_cast %mul3A_38 : i32 to index
        %get3A_42 = tpu.vector_load %arg18[%get3A_41] {strides = array<i32>} : memref<8192xf32, #tpu.memory_space<vmem>>, vector<16xf32>,
        %get3A_43 = vector.shape_cast %get3A_42 : vector<16xf32> to vector<16xf32>
        %mul3A_44 = arith.mulf %get3A_40, %get3A_43 : vector<16xf32>
        %get3A_45 = arith.index_cast %mul3A_38 : i32 to index
        %get3A_46 = tpu.vector_load %arg20[%get3A_45] {strides = array<i32>} : memref<8192xf32, #tpu.memory_space<vmem>>, vector<16xf32>,
        %get3A_47 = vector.shape_cast %get3A_46 : vector<16xf32> to vector<16xf32>
        %mul3A_48 = arith.mulf %mul3A_44, %get3A_47 : vector<16xf32>
        %swap3A = arith.index_cast %mul3A_38 : i32 to index
        %swap3A_49 = tpu.vector_load %arg19[%swap3A] {strides = array<i32>} : memref<8192xf32, #tpu.memory_space<vmem>>, vector<16xf32>,
        %swap3A_50 = vector.shape_cast %swap3A_49 : vector<16xf32> to vector<16xf32>
        %swap3A_51 = vector.shape_cast %mul3A_48 : vector<16xf32> to vector<16xf32>
        tpu.vector_store %arg19[%swap3A], %swap3A_51 {strides = array<i32>} : memref<8192xf32, #tpu.memory_space<vmem>>, vector<16xf32>,
        %scan3A_52 = arith.constant 0 : i32
        scf.yield %scan3A_52 : i32
      }
      %scan3A_34 = arith.constant 512 : i32
      "tpu.region"() ({
        %run_scoped3A = tpu.sem_alloc : memref<!tpu.dma_semaphore, #tpu.memory_space<semaphore_mem>>
        %dma_start3A_35 = arith.constant 0 : i32
        %dma_start3A_36 = tpu.memref_slice %arg34[%dma_start3A_35] : memref<4096xf32, #tpu.memory_space<vmem_shared>> -> memref<4096xf32, #tpu.memory_space<vmem_shared>>
        tpu.enqueue_indirect_dma source(%arg19 : memref<8192xf32, #tpu.memory_space<vmem>>) target(%dma_start3A_36 : memref<4096xf32, #tpu.memory_space<vmem_shared>>) offsets(%arg15 : memref<8192xi32, #tpu.memory_space<vmem>>) semaphore(%run_scoped3A : memref<!tpu.dma_semaphore, #tpu.memory_space<semaphore_mem>>) {add = true}
        %dma_wait3A_37 = arith.constant 0 : i32
        %dma_wait3A_38 = tpu.memref_slice %arg34[%dma_wait3A_37] : memref<4096xf32, #tpu.memory_space<vmem_shared>> -> memref<4096xf32, #tpu.memory_space<vmem_shared>>
        tpu.wait_indirect_dma semaphore(%run_scoped3A : memref<!tpu.dma_semaphore, #tpu.memory_space<semaphore_mem>>) src(%arg19 : memref<8192xf32, #tpu.memory_space<vmem>>) dst(%dma_wait3A_38 : memref<4096xf32, #tpu.memory_space<vmem_shared>>)
        tpu.yield
      }) : () -> ()
    } else {
    }
    %barrier3A_14 = arith.constant 0 : index
    tpu.barrier barrier_id(%barrier3A_14)
    %eq3A_15 = arith.constant 0 : i32
    %eq3A_16 = arith.cmpi eq, %arg0, %eq3A_15 : i32
    %convert_element_type3A_17 = arith.extui %eq3A_16 : i1 to i32
    %cond3A_18 = arith.constant 0 : i32
    %cond3A_19 = arith.cmpi ne, %convert_element_type3A_17, %cond3A_18 : i32
    scf.if %cond3A_19 {
      %mul3A_26 = arith.constant 256 : i32
      %mul3A_27 = arith.muli %arg1, %mul3A_26 : i32
      "tpu.region"() ({
        %run_scoped3A = tpu.sem_alloc : memref<!tpu.dma_semaphore, #tpu.memory_space<semaphore_mem>>
        %dma_start3A = tpu.memref_slice %arg34[%mul3A_27] : memref<4096xf32, #tpu.memory_space<vmem_shared>> -> memref<256xf32, #tpu.memory_space<vmem_shared>>
        %dma_start3A_352 = tpu.memref_slice %arg34[%mul3A_27] : memref<4096xf32, #tpu.memory_space<vmem_shared>> -> memref<256xf32, #tpu.memory_space<vmem_shared>>
        tpu.enqueue_dma source(%dma_start3A_352 : memref<256xf32, #tpu.memory_space<vmem_shared>>) target(%arg22 : memref<256xf32, #tpu.memory_space<vmem>>) target_semaphore(%run_scoped3A : memref<!tpu.dma_semaphore, #tpu.memory_space<semaphore_mem>>)
        %dma_wait3A = tpu.memref_slice %arg34[%mul3A_27] : memref<4096xf32, #tpu.memory_space<vmem_shared>> -> memref<256xf32, #tpu.memory_space<vmem_shared>>
        %dma_wait3A_353 = tpu.memref_slice %arg34[%mul3A_27] : memref<4096xf32, #tpu.memory_space<vmem_shared>> -> memref<256xf32, #tpu.memory_space<vmem_shared>>
        tpu.wait_dma2 semaphore(%run_scoped3A : memref<!tpu.dma_semaphore, #tpu.memory_space<semaphore_mem>>) src(%dma_wait3A_353 : memref<256xf32, #tpu.memory_space<vmem_shared>>) dst(%arg22 : memref<256xf32, #tpu.memory_space<vmem>>)
        tpu.yield
      }) : () -> ()
      "tpu.region"() ({
        %run_scoped3A = tpu.sem_alloc : memref<!tpu.dma_semaphore, #tpu.memory_space<semaphore_mem>>
        tpu.enqueue_dma source(%arg10 : memref<144xf32, #tpu.memory_space<hbm>>) target(%arg24 : memref<144xf32, #tpu.memory_space<vmem>>) target_semaphore(%run_scoped3A : memref<!tpu.dma_semaphore, #tpu.memory_space<semaphore_mem>>)
        tpu.wait_dma2 semaphore(%run_scoped3A : memref<!tpu.dma_semaphore, #tpu.memory_space<semaphore_mem>>) src(%arg10 : memref<144xf32, #tpu.memory_space<hbm>>) dst(%arg24 : memref<144xf32, #tpu.memory_space<vmem>>)
        tpu.yield
      }) : () -> ()
      "tpu.region"() ({
        %run_scoped3A = tpu.sem_alloc : memref<!tpu.dma_semaphore, #tpu.memory_space<semaphore_mem>>
        tpu.enqueue_dma source(%arg11 : memref<144xf32, #tpu.memory_space<hbm>>) target(%arg25 : memref<144xf32, #tpu.memory_space<vmem>>) target_semaphore(%run_scoped3A : memref<!tpu.dma_semaphore, #tpu.memory_space<semaphore_mem>>)
        tpu.wait_dma2 semaphore(%run_scoped3A : memref<!tpu.dma_semaphore, #tpu.memory_space<semaphore_mem>>) src(%arg11 : memref<144xf32, #tpu.memory_space<hbm>>) dst(%arg25 : memref<144xf32, #tpu.memory_space<vmem>>)
        tpu.yield
      }) : () -> ()
      "tpu.region"() ({
        %run_scoped3A = tpu.sem_alloc : memref<!tpu.dma_semaphore, #tpu.memory_space<semaphore_mem>>
        tpu.enqueue_dma source(%arg12 : memref<144xf32, #tpu.memory_space<hbm>>) target(%arg26 : memref<144xf32, #tpu.memory_space<vmem>>) target_semaphore(%run_scoped3A : memref<!tpu.dma_semaphore, #tpu.memory_space<semaphore_mem>>)
        tpu.wait_dma2 semaphore(%run_scoped3A : memref<!tpu.dma_semaphore, #tpu.memory_space<semaphore_mem>>) src(%arg12 : memref<144xf32, #tpu.memory_space<hbm>>) dst(%arg26 : memref<144xf32, #tpu.memory_space<vmem>>)
        tpu.yield
      }) : () -> ()
      "tpu.region"() ({
        %run_scoped3A = tpu.sem_alloc : memref<!tpu.dma_semaphore, #tpu.memory_space<semaphore_mem>>
        tpu.enqueue_dma source(%arg13 : memref<16xf32, #tpu.memory_space<hbm>>) target(%arg27 : memref<16xf32, #tpu.memory_space<vmem>>) target_semaphore(%run_scoped3A : memref<!tpu.dma_semaphore, #tpu.memory_space<semaphore_mem>>)
        tpu.wait_dma2 semaphore(%run_scoped3A : memref<!tpu.dma_semaphore, #tpu.memory_space<semaphore_mem>>) src(%arg13 : memref<16xf32, #tpu.memory_space<hbm>>) dst(%arg27 : memref<16xf32, #tpu.memory_space<vmem>>)
        tpu.yield
      }) : () -> ()
      %get3A = arith.constant 0 : index
      %get3A_28 = tpu.vector_load %arg22[%get3A] {strides = array<i32>} : memref<256xf32, #tpu.memory_space<vmem>>, vector<16xf32>,
      %get3A_29 = vector.shape_cast %get3A_28 : vector<16xf32> to vector<16xf32>
      %get3A_30 = arith.constant 16 : index
      %get3A_31 = tpu.vector_load %arg22[%get3A_30] {strides = array<i32>} : memref<256xf32, #tpu.memory_space<vmem>>, vector<16xf32>,
      %get3A_32 = vector.shape_cast %get3A_31 : vector<16xf32> to vector<16xf32>
      %get3A_33 = arith.constant 32 : index
      %get3A_34 = tpu.vector_load %arg22[%get3A_33] {strides = array<i32>} : memref<256xf32, #tpu.memory_space<vmem>>, vector<16xf32>,
      %get3A_35 = vector.shape_cast %get3A_34 : vector<16xf32> to vector<16xf32>
      %get3A_36 = arith.constant 48 : index
      %get3A_37 = tpu.vector_load %arg22[%get3A_36] {strides = array<i32>} : memref<256xf32, #tpu.memory_space<vmem>>, vector<16xf32>,
      %get3A_38 = vector.shape_cast %get3A_37 : vector<16xf32> to vector<16xf32>
      %get3A_39 = arith.constant 64 : index
      %get3A_40 = tpu.vector_load %arg22[%get3A_39] {strides = array<i32>} : memref<256xf32, #tpu.memory_space<vmem>>, vector<16xf32>,
      %get3A_41 = vector.shape_cast %get3A_40 : vector<16xf32> to vector<16xf32>
      %get3A_42 = arith.constant 80 : index
      %get3A_43 = tpu.vector_load %arg22[%get3A_42] {strides = array<i32>} : memref<256xf32, #tpu.memory_space<vmem>>, vector<16xf32>,
      %get3A_44 = vector.shape_cast %get3A_43 : vector<16xf32> to vector<16xf32>
      %get3A_45 = arith.constant 96 : index
      %get3A_46 = tpu.vector_load %arg22[%get3A_45] {strides = array<i32>} : memref<256xf32, #tpu.memory_space<vmem>>, vector<16xf32>,
      %get3A_47 = vector.shape_cast %get3A_46 : vector<16xf32> to vector<16xf32>
      %get3A_48 = arith.constant 112 : index
      %get3A_49 = tpu.vector_load %arg22[%get3A_48] {strides = array<i32>} : memref<256xf32, #tpu.memory_space<vmem>>, vector<16xf32>,
      %get3A_50 = vector.shape_cast %get3A_49 : vector<16xf32> to vector<16xf32>
      %get3A_51 = arith.constant 128 : index
      %get3A_52 = tpu.vector_load %arg22[%get3A_51] {strides = array<i32>} : memref<256xf32, #tpu.memory_space<vmem>>, vector<16xf32>,
      %get3A_53 = vector.shape_cast %get3A_52 : vector<16xf32> to vector<16xf32>
      %get3A_54 = arith.constant 144 : index
      %get3A_55 = tpu.vector_load %arg22[%get3A_54] {strides = array<i32>} : memref<256xf32, #tpu.memory_space<vmem>>, vector<16xf32>,
      %get3A_56 = vector.shape_cast %get3A_55 : vector<16xf32> to vector<16xf32>
      %get3A_57 = arith.constant 160 : index
      %get3A_58 = tpu.vector_load %arg22[%get3A_57] {strides = array<i32>} : memref<256xf32, #tpu.memory_space<vmem>>, vector<16xf32>,
      %get3A_59 = vector.shape_cast %get3A_58 : vector<16xf32> to vector<16xf32>
      %get3A_60 = arith.constant 176 : index
      %get3A_61 = tpu.vector_load %arg22[%get3A_60] {strides = array<i32>} : memref<256xf32, #tpu.memory_space<vmem>>, vector<16xf32>,
      %get3A_62 = vector.shape_cast %get3A_61 : vector<16xf32> to vector<16xf32>
      %get3A_63 = arith.constant 192 : index
      %get3A_64 = tpu.vector_load %arg22[%get3A_63] {strides = array<i32>} : memref<256xf32, #tpu.memory_space<vmem>>, vector<16xf32>,
      %get3A_65 = vector.shape_cast %get3A_64 : vector<16xf32> to vector<16xf32>
      %get3A_66 = arith.constant 208 : index
      %get3A_67 = tpu.vector_load %arg22[%get3A_66] {strides = array<i32>} : memref<256xf32, #tpu.memory_space<vmem>>, vector<16xf32>,
      %get3A_68 = vector.shape_cast %get3A_67 : vector<16xf32> to vector<16xf32>
      %get3A_69 = arith.constant 224 : index
      %get3A_70 = tpu.vector_load %arg22[%get3A_69] {strides = array<i32>} : memref<256xf32, #tpu.memory_space<vmem>>, vector<16xf32>,
      %get3A_71 = vector.shape_cast %get3A_70 : vector<16xf32> to vector<16xf32>
      %get3A_72 = arith.constant 240 : index
      %get3A_73 = tpu.vector_load %arg22[%get3A_72] {strides = array<i32>} : memref<256xf32, #tpu.memory_space<vmem>>, vector<16xf32>,
      %get3A_74 = vector.shape_cast %get3A_73 : vector<16xf32> to vector<16xf32>
      %broadcast_in_dim3A = arith.constant 0.000000e+00 : f32
      %broadcast_in_dim3A_75 = vector.broadcast %broadcast_in_dim3A : f32 to vector<16xf32>
      %broadcast_in_dim3A_76 = arith.constant 0.000000e+00 : f32
      %broadcast_in_dim3A_77 = vector.broadcast %broadcast_in_dim3A_76 : f32 to vector<16xf32>
      %broadcast_in_dim3A_78 = arith.constant 0.000000e+00 : f32
      %broadcast_in_dim3A_79 = vector.broadcast %broadcast_in_dim3A_78 : f32 to vector<16xf32>
      %broadcast_in_dim3A_80 = arith.constant 0.000000e+00 : f32
      %broadcast_in_dim3A_81 = vector.broadcast %broadcast_in_dim3A_80 : f32 to vector<16xf32>
      %broadcast_in_dim3A_82 = arith.constant 0.000000e+00 : f32
      %broadcast_in_dim3A_83 = vector.broadcast %broadcast_in_dim3A_82 : f32 to vector<16xf32>
      %broadcast_in_dim3A_84 = arith.constant 0.000000e+00 : f32
      %broadcast_in_dim3A_85 = vector.broadcast %broadcast_in_dim3A_84 : f32 to vector<16xf32>
      %broadcast_in_dim3A_86 = arith.constant 0.000000e+00 : f32
      %broadcast_in_dim3A_87 = vector.broadcast %broadcast_in_dim3A_86 : f32 to vector<16xf32>
      %broadcast_in_dim3A_88 = arith.constant 0.000000e+00 : f32
      %broadcast_in_dim3A_89 = vector.broadcast %broadcast_in_dim3A_88 : f32 to vector<16xf32>
      %broadcast_in_dim3A_90 = arith.constant 0.000000e+00 : f32
      %broadcast_in_dim3A_91 = vector.broadcast %broadcast_in_dim3A_90 : f32 to vector<16xf32>
      %broadcast_in_dim3A_92 = arith.constant 0.000000e+00 : f32
      %broadcast_in_dim3A_93 = vector.broadcast %broadcast_in_dim3A_92 : f32 to vector<16xf32>
      %broadcast_in_dim3A_94 = arith.constant 0.000000e+00 : f32
      %broadcast_in_dim3A_95 = vector.broadcast %broadcast_in_dim3A_94 : f32 to vector<16xf32>
      %broadcast_in_dim3A_96 = arith.constant 0.000000e+00 : f32
      %broadcast_in_dim3A_97 = vector.broadcast %broadcast_in_dim3A_96 : f32 to vector<16xf32>
      %broadcast_in_dim3A_98 = arith.constant 0.000000e+00 : f32
      %broadcast_in_dim3A_99 = vector.broadcast %broadcast_in_dim3A_98 : f32 to vector<16xf32>
      %broadcast_in_dim3A_100 = arith.constant 0.000000e+00 : f32
      %broadcast_in_dim3A_101 = vector.broadcast %broadcast_in_dim3A_100 : f32 to vector<16xf32>
      %broadcast_in_dim3A_102 = arith.constant 0.000000e+00 : f32
      %broadcast_in_dim3A_103 = vector.broadcast %broadcast_in_dim3A_102 : f32 to vector<16xf32>
      %broadcast_in_dim3A_104 = arith.constant 0.000000e+00 : f32
      %broadcast_in_dim3A_105 = vector.broadcast %broadcast_in_dim3A_104 : f32 to vector<16xf32>
      %scan3A_106 = arith.constant 0 : i32
      %scan3A_107 = arith.constant 128 : i32
      %scan3A_108 = arith.addi %scan3A_106, %scan3A_107 : i32
      %scan3A_109 = arith.constant 1 : i32
      %scan3A_110:16 = scf.for %scan3A_352 = %scan3A_106 to %scan3A_108 step %scan3A_109 iter_args(%scan3A_353 = %broadcast_in_dim3A_75, %scan3A_354 = %broadcast_in_dim3A_77, %scan3A_355 = %broadcast_in_dim3A_79, %scan3A_356 = %broadcast_in_dim3A_81, %scan3A_357 = %broadcast_in_dim3A_83, %scan3A_358 = %broadcast_in_dim3A_85, %scan3A_359 = %broadcast_in_dim3A_87, %scan3A_360 = %broadcast_in_dim3A_89, %scan3A_361 = %broadcast_in_dim3A_91, %scan3A_362 = %broadcast_in_dim3A_93, %scan3A_363 = %broadcast_in_dim3A_95, %scan3A_364 = %broadcast_in_dim3A_97, %scan3A_365 = %broadcast_in_dim3A_99, %scan3A_366 = %broadcast_in_dim3A_101, %scan3A_367 = %broadcast_in_dim3A_103, %scan3A_368 = %broadcast_in_dim3A_105) -> (vector<16xf32>, vector<16xf32>, vector<16xf32>, vector<16xf32>, vector<16xf32>, vector<16xf32>, vector<16xf32>, vector<16xf32>, vector<16xf32>, vector<16xf32>, vector<16xf32>, vector<16xf32>, vector<16xf32>, vector<16xf32>, vector<16xf32>, vector<16xf32>)  : i32 {
        %get3A_369 = arith.index_cast %scan3A_352 : i32 to index
        %get3A_370 = tpu.vector_load %arg24[%get3A_369] {strides = array<i32>} : memref<144xf32, #tpu.memory_space<vmem>>, vector<16xf32>,
        %get3A_371 = vector.shape_cast %get3A_370 : vector<16xf32> to vector<16xf32>
        %slice3A = vector.extract_strided_slice %get3A_371 {offsets = [0], sizes = [1], strides = [1]} : vector<16xf32> to vector<1xf32>
        %squeeze3A = vector.extract %slice3A[0] : f32 from vector<1xf32>
        %get3A_372 = arith.index_cast %scan3A_352 : i32 to index
        %get3A_373 = tpu.vector_load %arg25[%get3A_372] {strides = array<i32>} : memref<144xf32, #tpu.memory_space<vmem>>, vector<16xf32>,
        %get3A_374 = vector.shape_cast %get3A_373 : vector<16xf32> to vector<16xf32>
        %slice3A_375 = vector.extract_strided_slice %get3A_374 {offsets = [0], sizes = [1], strides = [1]} : vector<16xf32> to vector<1xf32>
        %squeeze3A_376 = vector.extract %slice3A_375[0] : f32 from vector<1xf32>
        %get3A_377 = arith.index_cast %scan3A_352 : i32 to index
        %get3A_378 = tpu.vector_load %arg26[%get3A_377] {strides = array<i32>} : memref<144xf32, #tpu.memory_space<vmem>>, vector<16xf32>,
        %get3A_379 = vector.shape_cast %get3A_378 : vector<16xf32> to vector<16xf32>
        %slice3A_380 = vector.extract_strided_slice %get3A_379 {offsets = [0], sizes = [1], strides = [1]} : vector<16xf32> to vector<1xf32>
        %squeeze3A_381 = vector.extract %slice3A_380[0] : f32 from vector<1xf32>
        %mul3A_382 = vector.broadcast %squeeze3A : f32 to vector<16xf32>
        %mul3A_383 = arith.mulf %get3A_29, %mul3A_382 : vector<16xf32>
        %add3A_384 = vector.broadcast %squeeze3A_376 : f32 to vector<16xf32>
        %add3A_385 = arith.addf %mul3A_383, %add3A_384 : vector<16xf32>
        %max3A = arith.constant 0.000000e+00 : f32
        %max3A_386 = vector.broadcast %max3A : f32 to vector<16xf32>
        %max3A_387 = arith.maximumf %add3A_385, %max3A_386 : vector<16xf32>
        %mul3A_388 = vector.broadcast %squeeze3A_381 : f32 to vector<16xf32>
        %mul3A_389 = arith.mulf %max3A_387, %mul3A_388 : vector<16xf32>
        %add3A_390 = arith.addf %scan3A_353, %mul3A_389 : vector<16xf32>
        %mul3A_391 = vector.broadcast %squeeze3A : f32 to vector<16xf32>
        %mul3A_392 = arith.mulf %get3A_32, %mul3A_391 : vector<16xf32>
        %add3A_393 = vector.broadcast %squeeze3A_376 : f32 to vector<16xf32>
        %add3A_394 = arith.addf %mul3A_392, %add3A_393 : vector<16xf32>
        %max3A_395 = arith.constant 0.000000e+00 : f32
        %max3A_396 = vector.broadcast %max3A_395 : f32 to vector<16xf32>
        %max3A_397 = arith.maximumf %add3A_394, %max3A_396 : vector<16xf32>
        %mul3A_398 = vector.broadcast %squeeze3A_381 : f32 to vector<16xf32>
        %mul3A_399 = arith.mulf %max3A_397, %mul3A_398 : vector<16xf32>
        %add3A_400 = arith.addf %scan3A_354, %mul3A_399 : vector<16xf32>
        %mul3A_401 = vector.broadcast %squeeze3A : f32 to vector<16xf32>
        %mul3A_402 = arith.mulf %get3A_35, %mul3A_401 : vector<16xf32>
        %add3A_403 = vector.broadcast %squeeze3A_376 : f32 to vector<16xf32>
        %add3A_404 = arith.addf %mul3A_402, %add3A_403 : vector<16xf32>
        %max3A_405 = arith.constant 0.000000e+00 : f32
        %max3A_406 = vector.broadcast %max3A_405 : f32 to vector<16xf32>
        %max3A_407 = arith.maximumf %add3A_404, %max3A_406 : vector<16xf32>
        %mul3A_408 = vector.broadcast %squeeze3A_381 : f32 to vector<16xf32>
        %mul3A_409 = arith.mulf %max3A_407, %mul3A_408 : vector<16xf32>
        %add3A_410 = arith.addf %scan3A_355, %mul3A_409 : vector<16xf32>
        %mul3A_411 = vector.broadcast %squeeze3A : f32 to vector<16xf32>
        %mul3A_412 = arith.mulf %get3A_38, %mul3A_411 : vector<16xf32>
        %add3A_413 = vector.broadcast %squeeze3A_376 : f32 to vector<16xf32>
        %add3A_414 = arith.addf %mul3A_412, %add3A_413 : vector<16xf32>
        %max3A_415 = arith.constant 0.000000e+00 : f32
        %max3A_416 = vector.broadcast %max3A_415 : f32 to vector<16xf32>
        %max3A_417 = arith.maximumf %add3A_414, %max3A_416 : vector<16xf32>
        %mul3A_418 = vector.broadcast %squeeze3A_381 : f32 to vector<16xf32>
        %mul3A_419 = arith.mulf %max3A_417, %mul3A_418 : vector<16xf32>
        %add3A_420 = arith.addf %scan3A_356, %mul3A_419 : vector<16xf32>
        %mul3A_421 = vector.broadcast %squeeze3A : f32 to vector<16xf32>
        %mul3A_422 = arith.mulf %get3A_41, %mul3A_421 : vector<16xf32>
        %add3A_423 = vector.broadcast %squeeze3A_376 : f32 to vector<16xf32>
        %add3A_424 = arith.addf %mul3A_422, %add3A_423 : vector<16xf32>
        %max3A_425 = arith.constant 0.000000e+00 : f32
        %max3A_426 = vector.broadcast %max3A_425 : f32 to vector<16xf32>
        %max3A_427 = arith.maximumf %add3A_424, %max3A_426 : vector<16xf32>
        %mul3A_428 = vector.broadcast %squeeze3A_381 : f32 to vector<16xf32>
        %mul3A_429 = arith.mulf %max3A_427, %mul3A_428 : vector<16xf32>
        %add3A_430 = arith.addf %scan3A_357, %mul3A_429 : vector<16xf32>
        %mul3A_431 = vector.broadcast %squeeze3A : f32 to vector<16xf32>
        %mul3A_432 = arith.mulf %get3A_44, %mul3A_431 : vector<16xf32>
        %add3A_433 = vector.broadcast %squeeze3A_376 : f32 to vector<16xf32>
        %add3A_434 = arith.addf %mul3A_432, %add3A_433 : vector<16xf32>
        %max3A_435 = arith.constant 0.000000e+00 : f32
        %max3A_436 = vector.broadcast %max3A_435 : f32 to vector<16xf32>
        %max3A_437 = arith.maximumf %add3A_434, %max3A_436 : vector<16xf32>
        %mul3A_438 = vector.broadcast %squeeze3A_381 : f32 to vector<16xf32>
        %mul3A_439 = arith.mulf %max3A_437, %mul3A_438 : vector<16xf32>
        %add3A_440 = arith.addf %scan3A_358, %mul3A_439 : vector<16xf32>
        %mul3A_441 = vector.broadcast %squeeze3A : f32 to vector<16xf32>
        %mul3A_442 = arith.mulf %get3A_47, %mul3A_441 : vector<16xf32>
        %add3A_443 = vector.broadcast %squeeze3A_376 : f32 to vector<16xf32>
        %add3A_444 = arith.addf %mul3A_442, %add3A_443 : vector<16xf32>
        %max3A_445 = arith.constant 0.000000e+00 : f32
        %max3A_446 = vector.broadcast %max3A_445 : f32 to vector<16xf32>
        %max3A_447 = arith.maximumf %add3A_444, %max3A_446 : vector<16xf32>
        %mul3A_448 = vector.broadcast %squeeze3A_381 : f32 to vector<16xf32>
        %mul3A_449 = arith.mulf %max3A_447, %mul3A_448 : vector<16xf32>
        %add3A_450 = arith.addf %scan3A_359, %mul3A_449 : vector<16xf32>
        %mul3A_451 = vector.broadcast %squeeze3A : f32 to vector<16xf32>
        %mul3A_452 = arith.mulf %get3A_50, %mul3A_451 : vector<16xf32>
        %add3A_453 = vector.broadcast %squeeze3A_376 : f32 to vector<16xf32>
        %add3A_454 = arith.addf %mul3A_452, %add3A_453 : vector<16xf32>
        %max3A_455 = arith.constant 0.000000e+00 : f32
        %max3A_456 = vector.broadcast %max3A_455 : f32 to vector<16xf32>
        %max3A_457 = arith.maximumf %add3A_454, %max3A_456 : vector<16xf32>
        %mul3A_458 = vector.broadcast %squeeze3A_381 : f32 to vector<16xf32>
        %mul3A_459 = arith.mulf %max3A_457, %mul3A_458 : vector<16xf32>
        %add3A_460 = arith.addf %scan3A_360, %mul3A_459 : vector<16xf32>
        %mul3A_461 = vector.broadcast %squeeze3A : f32 to vector<16xf32>
        %mul3A_462 = arith.mulf %get3A_53, %mul3A_461 : vector<16xf32>
        %add3A_463 = vector.broadcast %squeeze3A_376 : f32 to vector<16xf32>
        %add3A_464 = arith.addf %mul3A_462, %add3A_463 : vector<16xf32>
        %max3A_465 = arith.constant 0.000000e+00 : f32
        %max3A_466 = vector.broadcast %max3A_465 : f32 to vector<16xf32>
        %max3A_467 = arith.maximumf %add3A_464, %max3A_466 : vector<16xf32>
        %mul3A_468 = vector.broadcast %squeeze3A_381 : f32 to vector<16xf32>
        %mul3A_469 = arith.mulf %max3A_467, %mul3A_468 : vector<16xf32>
        %add3A_470 = arith.addf %scan3A_361, %mul3A_469 : vector<16xf32>
        %mul3A_471 = vector.broadcast %squeeze3A : f32 to vector<16xf32>
        %mul3A_472 = arith.mulf %get3A_56, %mul3A_471 : vector<16xf32>
        %add3A_473 = vector.broadcast %squeeze3A_376 : f32 to vector<16xf32>
        %add3A_474 = arith.addf %mul3A_472, %add3A_473 : vector<16xf32>
        %max3A_475 = arith.constant 0.000000e+00 : f32
        %max3A_476 = vector.broadcast %max3A_475 : f32 to vector<16xf32>
        %max3A_477 = arith.maximumf %add3A_474, %max3A_476 : vector<16xf32>
        %mul3A_478 = vector.broadcast %squeeze3A_381 : f32 to vector<16xf32>
        %mul3A_479 = arith.mulf %max3A_477, %mul3A_478 : vector<16xf32>
        %add3A_480 = arith.addf %scan3A_362, %mul3A_479 : vector<16xf32>
        %mul3A_481 = vector.broadcast %squeeze3A : f32 to vector<16xf32>
        %mul3A_482 = arith.mulf %get3A_59, %mul3A_481 : vector<16xf32>
        %add3A_483 = vector.broadcast %squeeze3A_376 : f32 to vector<16xf32>
        %add3A_484 = arith.addf %mul3A_482, %add3A_483 : vector<16xf32>
        %max3A_485 = arith.constant 0.000000e+00 : f32
        %max3A_486 = vector.broadcast %max3A_485 : f32 to vector<16xf32>
        %max3A_487 = arith.maximumf %add3A_484, %max3A_486 : vector<16xf32>
        %mul3A_488 = vector.broadcast %squeeze3A_381 : f32 to vector<16xf32>
        %mul3A_489 = arith.mulf %max3A_487, %mul3A_488 : vector<16xf32>
        %add3A_490 = arith.addf %scan3A_363, %mul3A_489 : vector<16xf32>
        %mul3A_491 = vector.broadcast %squeeze3A : f32 to vector<16xf32>
        %mul3A_492 = arith.mulf %get3A_62, %mul3A_491 : vector<16xf32>
        %add3A_493 = vector.broadcast %squeeze3A_376 : f32 to vector<16xf32>
        %add3A_494 = arith.addf %mul3A_492, %add3A_493 : vector<16xf32>
        %max3A_495 = arith.constant 0.000000e+00 : f32
        %max3A_496 = vector.broadcast %max3A_495 : f32 to vector<16xf32>
        %max3A_497 = arith.maximumf %add3A_494, %max3A_496 : vector<16xf32>
        %mul3A_498 = vector.broadcast %squeeze3A_381 : f32 to vector<16xf32>
        %mul3A_499 = arith.mulf %max3A_497, %mul3A_498 : vector<16xf32>
        %add3A_500 = arith.addf %scan3A_364, %mul3A_499 : vector<16xf32>
        %mul3A_501 = vector.broadcast %squeeze3A : f32 to vector<16xf32>
        %mul3A_502 = arith.mulf %get3A_65, %mul3A_501 : vector<16xf32>
        %add3A_503 = vector.broadcast %squeeze3A_376 : f32 to vector<16xf32>
        %add3A_504 = arith.addf %mul3A_502, %add3A_503 : vector<16xf32>
        %max3A_505 = arith.constant 0.000000e+00 : f32
        %max3A_506 = vector.broadcast %max3A_505 : f32 to vector<16xf32>
        %max3A_507 = arith.maximumf %add3A_504, %max3A_506 : vector<16xf32>
        %mul3A_508 = vector.broadcast %squeeze3A_381 : f32 to vector<16xf32>
        %mul3A_509 = arith.mulf %max3A_507, %mul3A_508 : vector<16xf32>
        %add3A_510 = arith.addf %scan3A_365, %mul3A_509 : vector<16xf32>
        %mul3A_511 = vector.broadcast %squeeze3A : f32 to vector<16xf32>
        %mul3A_512 = arith.mulf %get3A_68, %mul3A_511 : vector<16xf32>
        %add3A_513 = vector.broadcast %squeeze3A_376 : f32 to vector<16xf32>
        %add3A_514 = arith.addf %mul3A_512, %add3A_513 : vector<16xf32>
        %max3A_515 = arith.constant 0.000000e+00 : f32
        %max3A_516 = vector.broadcast %max3A_515 : f32 to vector<16xf32>
        %max3A_517 = arith.maximumf %add3A_514, %max3A_516 : vector<16xf32>
        %mul3A_518 = vector.broadcast %squeeze3A_381 : f32 to vector<16xf32>
        %mul3A_519 = arith.mulf %max3A_517, %mul3A_518 : vector<16xf32>
        %add3A_520 = arith.addf %scan3A_366, %mul3A_519 : vector<16xf32>
        %mul3A_521 = vector.broadcast %squeeze3A : f32 to vector<16xf32>
        %mul3A_522 = arith.mulf %get3A_71, %mul3A_521 : vector<16xf32>
        %add3A_523 = vector.broadcast %squeeze3A_376 : f32 to vector<16xf32>
        %add3A_524 = arith.addf %mul3A_522, %add3A_523 : vector<16xf32>
        %max3A_525 = arith.constant 0.000000e+00 : f32
        %max3A_526 = vector.broadcast %max3A_525 : f32 to vector<16xf32>
        %max3A_527 = arith.maximumf %add3A_524, %max3A_526 : vector<16xf32>
        %mul3A_528 = vector.broadcast %squeeze3A_381 : f32 to vector<16xf32>
        %mul3A_529 = arith.mulf %max3A_527, %mul3A_528 : vector<16xf32>
        %add3A_530 = arith.addf %scan3A_367, %mul3A_529 : vector<16xf32>
        %mul3A_531 = vector.broadcast %squeeze3A : f32 to vector<16xf32>
        %mul3A_532 = arith.mulf %get3A_74, %mul3A_531 : vector<16xf32>
        %add3A_533 = vector.broadcast %squeeze3A_376 : f32 to vector<16xf32>
        %add3A_534 = arith.addf %mul3A_532, %add3A_533 : vector<16xf32>
        %max3A_535 = arith.constant 0.000000e+00 : f32
        %max3A_536 = vector.broadcast %max3A_535 : f32 to vector<16xf32>
        %max3A_537 = arith.maximumf %add3A_534, %max3A_536 : vector<16xf32>
        %mul3A_538 = vector.broadcast %squeeze3A_381 : f32 to vector<16xf32>
        %mul3A_539 = arith.mulf %max3A_537, %mul3A_538 : vector<16xf32>
        %add3A_540 = arith.addf %scan3A_368, %mul3A_539 : vector<16xf32>
        scf.yield %add3A_390, %add3A_400, %add3A_410, %add3A_420, %add3A_430, %add3A_440, %add3A_450, %add3A_460, %add3A_470, %add3A_480, %add3A_490, %add3A_500, %add3A_510, %add3A_520, %add3A_530, %add3A_540 : vector<16xf32>, vector<16xf32>, vector<16xf32>, vector<16xf32>, vector<16xf32>, vector<16xf32>, vector<16xf32>, vector<16xf32>, vector<16xf32>, vector<16xf32>, vector<16xf32>, vector<16xf32>, vector<16xf32>, vector<16xf32>, vector<16xf32>, vector<16xf32>
      }
      %scan3A_111 = arith.constant 128 : i32
      %get3A_112 = arith.constant 0 : index
      %get3A_113 = tpu.vector_load %arg27[%get3A_112] {strides = array<i32>} : memref<16xf32, #tpu.memory_space<vmem>>, vector<16xf32>,
      %get3A_114 = vector.shape_cast %get3A_113 : vector<16xf32> to vector<16xf32>
      %add3A = arith.addf %scan3A_110#0, %get3A_114 : vector<16xf32>
      %neg3A = arith.constant 0.000000e+00 : f32
      %neg3A_115 = vector.broadcast %neg3A : f32 to vector<16xf32>
      %neg3A_116 = arith.subf %neg3A_115, %add3A : vector<16xf32>
      %exp3A = math.exp %neg3A_116 : vector<16xf32>
      %add3A_117 = arith.constant 1.000000e+00 : f32
      %add3A_118 = vector.broadcast %add3A_117 : f32 to vector<16xf32>
      %add3A_119 = arith.addf %add3A_118, %exp3A : vector<16xf32>
      %div3A = arith.constant 1.000000e+00 : f32
      %div3A_120 = vector.broadcast %div3A : f32 to vector<16xf32>
      %div3A_121 = arith.divf %div3A_120, %add3A_119 : vector<16xf32>
      %swap3A = arith.constant 0 : index
      %swap3A_122 = tpu.vector_load %arg23[%swap3A] {strides = array<i32>} : memref<256xf32, #tpu.memory_space<vmem>>, vector<16xf32>,
      %swap3A_123 = vector.shape_cast %swap3A_122 : vector<16xf32> to vector<16xf32>
      %swap3A_124 = vector.shape_cast %div3A_121 : vector<16xf32> to vector<16xf32>
      tpu.vector_store %arg23[%swap3A], %swap3A_124 {strides = array<i32>} : memref<256xf32, #tpu.memory_space<vmem>>, vector<16xf32>,
      %add3A_125 = arith.addf %scan3A_110#1, %get3A_114 : vector<16xf32>
      %neg3A_126 = arith.constant 0.000000e+00 : f32
      %neg3A_127 = vector.broadcast %neg3A_126 : f32 to vector<16xf32>
      %neg3A_128 = arith.subf %neg3A_127, %add3A_125 : vector<16xf32>
      %exp3A_129 = math.exp %neg3A_128 : vector<16xf32>
      %add3A_130 = arith.constant 1.000000e+00 : f32
      %add3A_131 = vector.broadcast %add3A_130 : f32 to vector<16xf32>
      %add3A_132 = arith.addf %add3A_131, %exp3A_129 : vector<16xf32>
      %div3A_133 = arith.constant 1.000000e+00 : f32
      %div3A_134 = vector.broadcast %div3A_133 : f32 to vector<16xf32>
      %div3A_135 = arith.divf %div3A_134, %add3A_132 : vector<16xf32>
      %swap3A_136 = arith.constant 16 : index
      %swap3A_137 = tpu.vector_load %arg23[%swap3A_136] {strides = array<i32>} : memref<256xf32, #tpu.memory_space<vmem>>, vector<16xf32>,
      %swap3A_138 = vector.shape_cast %swap3A_137 : vector<16xf32> to vector<16xf32>
      %swap3A_139 = vector.shape_cast %div3A_135 : vector<16xf32> to vector<16xf32>
      tpu.vector_store %arg23[%swap3A_136], %swap3A_139 {strides = array<i32>} : memref<256xf32, #tpu.memory_space<vmem>>, vector<16xf32>,
      %add3A_140 = arith.addf %scan3A_110#2, %get3A_114 : vector<16xf32>
      %neg3A_141 = arith.constant 0.000000e+00 : f32
      %neg3A_142 = vector.broadcast %neg3A_141 : f32 to vector<16xf32>
      %neg3A_143 = arith.subf %neg3A_142, %add3A_140 : vector<16xf32>
      %exp3A_144 = math.exp %neg3A_143 : vector<16xf32>
      %add3A_145 = arith.constant 1.000000e+00 : f32
      %add3A_146 = vector.broadcast %add3A_145 : f32 to vector<16xf32>
      %add3A_147 = arith.addf %add3A_146, %exp3A_144 : vector<16xf32>
      %div3A_148 = arith.constant 1.000000e+00 : f32
      %div3A_149 = vector.broadcast %div3A_148 : f32 to vector<16xf32>
      %div3A_150 = arith.divf %div3A_149, %add3A_147 : vector<16xf32>
      %swap3A_151 = arith.constant 32 : index
      %swap3A_152 = tpu.vector_load %arg23[%swap3A_151] {strides = array<i32>} : memref<256xf32, #tpu.memory_space<vmem>>, vector<16xf32>,
      %swap3A_153 = vector.shape_cast %swap3A_152 : vector<16xf32> to vector<16xf32>
      %swap3A_154 = vector.shape_cast %div3A_150 : vector<16xf32> to vector<16xf32>
      tpu.vector_store %arg23[%swap3A_151], %swap3A_154 {strides = array<i32>} : memref<256xf32, #tpu.memory_space<vmem>>, vector<16xf32>,
      %add3A_155 = arith.addf %scan3A_110#3, %get3A_114 : vector<16xf32>
      %neg3A_156 = arith.constant 0.000000e+00 : f32
      %neg3A_157 = vector.broadcast %neg3A_156 : f32 to vector<16xf32>
      %neg3A_158 = arith.subf %neg3A_157, %add3A_155 : vector<16xf32>
      %exp3A_159 = math.exp %neg3A_158 : vector<16xf32>
      %add3A_160 = arith.constant 1.000000e+00 : f32
      %add3A_161 = vector.broadcast %add3A_160 : f32 to vector<16xf32>
      %add3A_162 = arith.addf %add3A_161, %exp3A_159 : vector<16xf32>
      %div3A_163 = arith.constant 1.000000e+00 : f32
      %div3A_164 = vector.broadcast %div3A_163 : f32 to vector<16xf32>
      %div3A_165 = arith.divf %div3A_164, %add3A_162 : vector<16xf32>
      %swap3A_166 = arith.constant 48 : index
      %swap3A_167 = tpu.vector_load %arg23[%swap3A_166] {strides = array<i32>} : memref<256xf32, #tpu.memory_space<vmem>>, vector<16xf32>,
      %swap3A_168 = vector.shape_cast %swap3A_167 : vector<16xf32> to vector<16xf32>
      %swap3A_169 = vector.shape_cast %div3A_165 : vector<16xf32> to vector<16xf32>
      tpu.vector_store %arg23[%swap3A_166], %swap3A_169 {strides = array<i32>} : memref<256xf32, #tpu.memory_space<vmem>>, vector<16xf32>,
      %add3A_170 = arith.addf %scan3A_110#4, %get3A_114 : vector<16xf32>
      %neg3A_171 = arith.constant 0.000000e+00 : f32
      %neg3A_172 = vector.broadcast %neg3A_171 : f32 to vector<16xf32>
      %neg3A_173 = arith.subf %neg3A_172, %add3A_170 : vector<16xf32>
      %exp3A_174 = math.exp %neg3A_173 : vector<16xf32>
      %add3A_175 = arith.constant 1.000000e+00 : f32
      %add3A_176 = vector.broadcast %add3A_175 : f32 to vector<16xf32>
      %add3A_177 = arith.addf %add3A_176, %exp3A_174 : vector<16xf32>
      %div3A_178 = arith.constant 1.000000e+00 : f32
      %div3A_179 = vector.broadcast %div3A_178 : f32 to vector<16xf32>
      %div3A_180 = arith.divf %div3A_179, %add3A_177 : vector<16xf32>
      %swap3A_181 = arith.constant 64 : index
      %swap3A_182 = tpu.vector_load %arg23[%swap3A_181] {strides = array<i32>} : memref<256xf32, #tpu.memory_space<vmem>>, vector<16xf32>,
      %swap3A_183 = vector.shape_cast %swap3A_182 : vector<16xf32> to vector<16xf32>
      %swap3A_184 = vector.shape_cast %div3A_180 : vector<16xf32> to vector<16xf32>
      tpu.vector_store %arg23[%swap3A_181], %swap3A_184 {strides = array<i32>} : memref<256xf32, #tpu.memory_space<vmem>>, vector<16xf32>,
      %add3A_185 = arith.addf %scan3A_110#5, %get3A_114 : vector<16xf32>
      %neg3A_186 = arith.constant 0.000000e+00 : f32
      %neg3A_187 = vector.broadcast %neg3A_186 : f32 to vector<16xf32>
      %neg3A_188 = arith.subf %neg3A_187, %add3A_185 : vector<16xf32>
      %exp3A_189 = math.exp %neg3A_188 : vector<16xf32>
      %add3A_190 = arith.constant 1.000000e+00 : f32
      %add3A_191 = vector.broadcast %add3A_190 : f32 to vector<16xf32>
      %add3A_192 = arith.addf %add3A_191, %exp3A_189 : vector<16xf32>
      %div3A_193 = arith.constant 1.000000e+00 : f32
      %div3A_194 = vector.broadcast %div3A_193 : f32 to vector<16xf32>
      %div3A_195 = arith.divf %div3A_194, %add3A_192 : vector<16xf32>
      %swap3A_196 = arith.constant 80 : index
      %swap3A_197 = tpu.vector_load %arg23[%swap3A_196] {strides = array<i32>} : memref<256xf32, #tpu.memory_space<vmem>>, vector<16xf32>,
      %swap3A_198 = vector.shape_cast %swap3A_197 : vector<16xf32> to vector<16xf32>
      %swap3A_199 = vector.shape_cast %div3A_195 : vector<16xf32> to vector<16xf32>
      tpu.vector_store %arg23[%swap3A_196], %swap3A_199 {strides = array<i32>} : memref<256xf32, #tpu.memory_space<vmem>>, vector<16xf32>,
      %add3A_200 = arith.addf %scan3A_110#6, %get3A_114 : vector<16xf32>
      %neg3A_201 = arith.constant 0.000000e+00 : f32
      %neg3A_202 = vector.broadcast %neg3A_201 : f32 to vector<16xf32>
      %neg3A_203 = arith.subf %neg3A_202, %add3A_200 : vector<16xf32>
      %exp3A_204 = math.exp %neg3A_203 : vector<16xf32>
      %add3A_205 = arith.constant 1.000000e+00 : f32
      %add3A_206 = vector.broadcast %add3A_205 : f32 to vector<16xf32>
      %add3A_207 = arith.addf %add3A_206, %exp3A_204 : vector<16xf32>
      %div3A_208 = arith.constant 1.000000e+00 : f32
      %div3A_209 = vector.broadcast %div3A_208 : f32 to vector<16xf32>
      %div3A_210 = arith.divf %div3A_209, %add3A_207 : vector<16xf32>
      %swap3A_211 = arith.constant 96 : index
      %swap3A_212 = tpu.vector_load %arg23[%swap3A_211] {strides = array<i32>} : memref<256xf32, #tpu.memory_space<vmem>>, vector<16xf32>,
      %swap3A_213 = vector.shape_cast %swap3A_212 : vector<16xf32> to vector<16xf32>
      %swap3A_214 = vector.shape_cast %div3A_210 : vector<16xf32> to vector<16xf32>
      tpu.vector_store %arg23[%swap3A_211], %swap3A_214 {strides = array<i32>} : memref<256xf32, #tpu.memory_space<vmem>>, vector<16xf32>,
      %add3A_215 = arith.addf %scan3A_110#7, %get3A_114 : vector<16xf32>
      %neg3A_216 = arith.constant 0.000000e+00 : f32
      %neg3A_217 = vector.broadcast %neg3A_216 : f32 to vector<16xf32>
      %neg3A_218 = arith.subf %neg3A_217, %add3A_215 : vector<16xf32>
      %exp3A_219 = math.exp %neg3A_218 : vector<16xf32>
      %add3A_220 = arith.constant 1.000000e+00 : f32
      %add3A_221 = vector.broadcast %add3A_220 : f32 to vector<16xf32>
      %add3A_222 = arith.addf %add3A_221, %exp3A_219 : vector<16xf32>
      %div3A_223 = arith.constant 1.000000e+00 : f32
      %div3A_224 = vector.broadcast %div3A_223 : f32 to vector<16xf32>
      %div3A_225 = arith.divf %div3A_224, %add3A_222 : vector<16xf32>
      %swap3A_226 = arith.constant 112 : index
      %swap3A_227 = tpu.vector_load %arg23[%swap3A_226] {strides = array<i32>} : memref<256xf32, #tpu.memory_space<vmem>>, vector<16xf32>,
      %swap3A_228 = vector.shape_cast %swap3A_227 : vector<16xf32> to vector<16xf32>
      %swap3A_229 = vector.shape_cast %div3A_225 : vector<16xf32> to vector<16xf32>
      tpu.vector_store %arg23[%swap3A_226], %swap3A_229 {strides = array<i32>} : memref<256xf32, #tpu.memory_space<vmem>>, vector<16xf32>,
      %add3A_230 = arith.addf %scan3A_110#8, %get3A_114 : vector<16xf32>
      %neg3A_231 = arith.constant 0.000000e+00 : f32
      %neg3A_232 = vector.broadcast %neg3A_231 : f32 to vector<16xf32>
      %neg3A_233 = arith.subf %neg3A_232, %add3A_230 : vector<16xf32>
      %exp3A_234 = math.exp %neg3A_233 : vector<16xf32>
      %add3A_235 = arith.constant 1.000000e+00 : f32
      %add3A_236 = vector.broadcast %add3A_235 : f32 to vector<16xf32>
      %add3A_237 = arith.addf %add3A_236, %exp3A_234 : vector<16xf32>
      %div3A_238 = arith.constant 1.000000e+00 : f32
      %div3A_239 = vector.broadcast %div3A_238 : f32 to vector<16xf32>
      %div3A_240 = arith.divf %div3A_239, %add3A_237 : vector<16xf32>
      %swap3A_241 = arith.constant 128 : index
      %swap3A_242 = tpu.vector_load %arg23[%swap3A_241] {strides = array<i32>} : memref<256xf32, #tpu.memory_space<vmem>>, vector<16xf32>,
      %swap3A_243 = vector.shape_cast %swap3A_242 : vector<16xf32> to vector<16xf32>
      %swap3A_244 = vector.shape_cast %div3A_240 : vector<16xf32> to vector<16xf32>
      tpu.vector_store %arg23[%swap3A_241], %swap3A_244 {strides = array<i32>} : memref<256xf32, #tpu.memory_space<vmem>>, vector<16xf32>,
      %add3A_245 = arith.addf %scan3A_110#9, %get3A_114 : vector<16xf32>
      %neg3A_246 = arith.constant 0.000000e+00 : f32
      %neg3A_247 = vector.broadcast %neg3A_246 : f32 to vector<16xf32>
      %neg3A_248 = arith.subf %neg3A_247, %add3A_245 : vector<16xf32>
      %exp3A_249 = math.exp %neg3A_248 : vector<16xf32>
      %add3A_250 = arith.constant 1.000000e+00 : f32
      %add3A_251 = vector.broadcast %add3A_250 : f32 to vector<16xf32>
      %add3A_252 = arith.addf %add3A_251, %exp3A_249 : vector<16xf32>
      %div3A_253 = arith.constant 1.000000e+00 : f32
      %div3A_254 = vector.broadcast %div3A_253 : f32 to vector<16xf32>
      %div3A_255 = arith.divf %div3A_254, %add3A_252 : vector<16xf32>
      %swap3A_256 = arith.constant 144 : index
      %swap3A_257 = tpu.vector_load %arg23[%swap3A_256] {strides = array<i32>} : memref<256xf32, #tpu.memory_space<vmem>>, vector<16xf32>,
      %swap3A_258 = vector.shape_cast %swap3A_257 : vector<16xf32> to vector<16xf32>
      %swap3A_259 = vector.shape_cast %div3A_255 : vector<16xf32> to vector<16xf32>
      tpu.vector_store %arg23[%swap3A_256], %swap3A_259 {strides = array<i32>} : memref<256xf32, #tpu.memory_space<vmem>>, vector<16xf32>,
      %add3A_260 = arith.addf %scan3A_110#10, %get3A_114 : vector<16xf32>
      %neg3A_261 = arith.constant 0.000000e+00 : f32
      %neg3A_262 = vector.broadcast %neg3A_261 : f32 to vector<16xf32>
      %neg3A_263 = arith.subf %neg3A_262, %add3A_260 : vector<16xf32>
      %exp3A_264 = math.exp %neg3A_263 : vector<16xf32>
      %add3A_265 = arith.constant 1.000000e+00 : f32
      %add3A_266 = vector.broadcast %add3A_265 : f32 to vector<16xf32>
      %add3A_267 = arith.addf %add3A_266, %exp3A_264 : vector<16xf32>
      %div3A_268 = arith.constant 1.000000e+00 : f32
      %div3A_269 = vector.broadcast %div3A_268 : f32 to vector<16xf32>
      %div3A_270 = arith.divf %div3A_269, %add3A_267 : vector<16xf32>
      %swap3A_271 = arith.constant 160 : index
      %swap3A_272 = tpu.vector_load %arg23[%swap3A_271] {strides = array<i32>} : memref<256xf32, #tpu.memory_space<vmem>>, vector<16xf32>,
      %swap3A_273 = vector.shape_cast %swap3A_272 : vector<16xf32> to vector<16xf32>
      %swap3A_274 = vector.shape_cast %div3A_270 : vector<16xf32> to vector<16xf32>
      tpu.vector_store %arg23[%swap3A_271], %swap3A_274 {strides = array<i32>} : memref<256xf32, #tpu.memory_space<vmem>>, vector<16xf32>,
      %add3A_275 = arith.addf %scan3A_110#11, %get3A_114 : vector<16xf32>
      %neg3A_276 = arith.constant 0.000000e+00 : f32
      %neg3A_277 = vector.broadcast %neg3A_276 : f32 to vector<16xf32>
      %neg3A_278 = arith.subf %neg3A_277, %add3A_275 : vector<16xf32>
      %exp3A_279 = math.exp %neg3A_278 : vector<16xf32>
      %add3A_280 = arith.constant 1.000000e+00 : f32
      %add3A_281 = vector.broadcast %add3A_280 : f32 to vector<16xf32>
      %add3A_282 = arith.addf %add3A_281, %exp3A_279 : vector<16xf32>
      %div3A_283 = arith.constant 1.000000e+00 : f32
      %div3A_284 = vector.broadcast %div3A_283 : f32 to vector<16xf32>
      %div3A_285 = arith.divf %div3A_284, %add3A_282 : vector<16xf32>
      %swap3A_286 = arith.constant 176 : index
      %swap3A_287 = tpu.vector_load %arg23[%swap3A_286] {strides = array<i32>} : memref<256xf32, #tpu.memory_space<vmem>>, vector<16xf32>,
      %swap3A_288 = vector.shape_cast %swap3A_287 : vector<16xf32> to vector<16xf32>
      %swap3A_289 = vector.shape_cast %div3A_285 : vector<16xf32> to vector<16xf32>
      tpu.vector_store %arg23[%swap3A_286], %swap3A_289 {strides = array<i32>} : memref<256xf32, #tpu.memory_space<vmem>>, vector<16xf32>,
      %add3A_290 = arith.addf %scan3A_110#12, %get3A_114 : vector<16xf32>
      %neg3A_291 = arith.constant 0.000000e+00 : f32
      %neg3A_292 = vector.broadcast %neg3A_291 : f32 to vector<16xf32>
      %neg3A_293 = arith.subf %neg3A_292, %add3A_290 : vector<16xf32>
      %exp3A_294 = math.exp %neg3A_293 : vector<16xf32>
      %add3A_295 = arith.constant 1.000000e+00 : f32
      %add3A_296 = vector.broadcast %add3A_295 : f32 to vector<16xf32>
      %add3A_297 = arith.addf %add3A_296, %exp3A_294 : vector<16xf32>
      %div3A_298 = arith.constant 1.000000e+00 : f32
      %div3A_299 = vector.broadcast %div3A_298 : f32 to vector<16xf32>
      %div3A_300 = arith.divf %div3A_299, %add3A_297 : vector<16xf32>
      %swap3A_301 = arith.constant 192 : index
      %swap3A_302 = tpu.vector_load %arg23[%swap3A_301] {strides = array<i32>} : memref<256xf32, #tpu.memory_space<vmem>>, vector<16xf32>,
      %swap3A_303 = vector.shape_cast %swap3A_302 : vector<16xf32> to vector<16xf32>
      %swap3A_304 = vector.shape_cast %div3A_300 : vector<16xf32> to vector<16xf32>
      tpu.vector_store %arg23[%swap3A_301], %swap3A_304 {strides = array<i32>} : memref<256xf32, #tpu.memory_space<vmem>>, vector<16xf32>,
      %add3A_305 = arith.addf %scan3A_110#13, %get3A_114 : vector<16xf32>
      %neg3A_306 = arith.constant 0.000000e+00 : f32
      %neg3A_307 = vector.broadcast %neg3A_306 : f32 to vector<16xf32>
      %neg3A_308 = arith.subf %neg3A_307, %add3A_305 : vector<16xf32>
      %exp3A_309 = math.exp %neg3A_308 : vector<16xf32>
      %add3A_310 = arith.constant 1.000000e+00 : f32
      %add3A_311 = vector.broadcast %add3A_310 : f32 to vector<16xf32>
      %add3A_312 = arith.addf %add3A_311, %exp3A_309 : vector<16xf32>
      %div3A_313 = arith.constant 1.000000e+00 : f32
      %div3A_314 = vector.broadcast %div3A_313 : f32 to vector<16xf32>
      %div3A_315 = arith.divf %div3A_314, %add3A_312 : vector<16xf32>
      %swap3A_316 = arith.constant 208 : index
      %swap3A_317 = tpu.vector_load %arg23[%swap3A_316] {strides = array<i32>} : memref<256xf32, #tpu.memory_space<vmem>>, vector<16xf32>,
      %swap3A_318 = vector.shape_cast %swap3A_317 : vector<16xf32> to vector<16xf32>
      %swap3A_319 = vector.shape_cast %div3A_315 : vector<16xf32> to vector<16xf32>
      tpu.vector_store %arg23[%swap3A_316], %swap3A_319 {strides = array<i32>} : memref<256xf32, #tpu.memory_space<vmem>>, vector<16xf32>,
      %add3A_320 = arith.addf %scan3A_110#14, %get3A_114 : vector<16xf32>
      %neg3A_321 = arith.constant 0.000000e+00 : f32
      %neg3A_322 = vector.broadcast %neg3A_321 : f32 to vector<16xf32>
      %neg3A_323 = arith.subf %neg3A_322, %add3A_320 : vector<16xf32>
      %exp3A_324 = math.exp %neg3A_323 : vector<16xf32>
      %add3A_325 = arith.constant 1.000000e+00 : f32
      %add3A_326 = vector.broadcast %add3A_325 : f32 to vector<16xf32>
      %add3A_327 = arith.addf %add3A_326, %exp3A_324 : vector<16xf32>
      %div3A_328 = arith.constant 1.000000e+00 : f32
      %div3A_329 = vector.broadcast %div3A_328 : f32 to vector<16xf32>
      %div3A_330 = arith.divf %div3A_329, %add3A_327 : vector<16xf32>
      %swap3A_331 = arith.constant 224 : index
      %swap3A_332 = tpu.vector_load %arg23[%swap3A_331] {strides = array<i32>} : memref<256xf32, #tpu.memory_space<vmem>>, vector<16xf32>,
      %swap3A_333 = vector.shape_cast %swap3A_332 : vector<16xf32> to vector<16xf32>
      %swap3A_334 = vector.shape_cast %div3A_330 : vector<16xf32> to vector<16xf32>
      tpu.vector_store %arg23[%swap3A_331], %swap3A_334 {strides = array<i32>} : memref<256xf32, #tpu.memory_space<vmem>>, vector<16xf32>,
      %add3A_335 = arith.addf %scan3A_110#15, %get3A_114 : vector<16xf32>
      %neg3A_336 = arith.constant 0.000000e+00 : f32
      %neg3A_337 = vector.broadcast %neg3A_336 : f32 to vector<16xf32>
      %neg3A_338 = arith.subf %neg3A_337, %add3A_335 : vector<16xf32>
      %exp3A_339 = math.exp %neg3A_338 : vector<16xf32>
      %add3A_340 = arith.constant 1.000000e+00 : f32
      %add3A_341 = vector.broadcast %add3A_340 : f32 to vector<16xf32>
      %add3A_342 = arith.addf %add3A_341, %exp3A_339 : vector<16xf32>
      %div3A_343 = arith.constant 1.000000e+00 : f32
      %div3A_344 = vector.broadcast %div3A_343 : f32 to vector<16xf32>
      %div3A_345 = arith.divf %div3A_344, %add3A_342 : vector<16xf32>
      %swap3A_346 = arith.constant 240 : index
      %swap3A_347 = tpu.vector_load %arg23[%swap3A_346] {strides = array<i32>} : memref<256xf32, #tpu.memory_space<vmem>>, vector<16xf32>,
      %swap3A_348 = vector.shape_cast %swap3A_347 : vector<16xf32> to vector<16xf32>
      %swap3A_349 = vector.shape_cast %div3A_345 : vector<16xf32> to vector<16xf32>
      tpu.vector_store %arg23[%swap3A_346], %swap3A_349 {strides = array<i32>} : memref<256xf32, #tpu.memory_space<vmem>>, vector<16xf32>,
      %mul3A_350 = arith.constant 256 : i32
      %mul3A_351 = arith.muli %arg1, %mul3A_350 : i32
      "tpu.region"() ({
        %run_scoped3A = tpu.sem_alloc : memref<!tpu.dma_semaphore, #tpu.memory_space<semaphore_mem>>
        %dma_start3A = tpu.memref_slice %arg35[%mul3A_351] : memref<4096xf32, #tpu.memory_space<vmem_shared>> -> memref<256xf32, #tpu.memory_space<vmem_shared>>
        %dma_start3A_352 = tpu.memref_slice %arg35[%mul3A_351] : memref<4096xf32, #tpu.memory_space<vmem_shared>> -> memref<256xf32, #tpu.memory_space<vmem_shared>>
        tpu.enqueue_dma source(%arg23 : memref<256xf32, #tpu.memory_space<vmem>>) target(%dma_start3A_352 : memref<256xf32, #tpu.memory_space<vmem_shared>>) target_semaphore(%run_scoped3A : memref<!tpu.dma_semaphore, #tpu.memory_space<semaphore_mem>>)
        %dma_wait3A = tpu.memref_slice %arg35[%mul3A_351] : memref<4096xf32, #tpu.memory_space<vmem_shared>> -> memref<256xf32, #tpu.memory_space<vmem_shared>>
        %dma_wait3A_353 = tpu.memref_slice %arg35[%mul3A_351] : memref<4096xf32, #tpu.memory_space<vmem_shared>> -> memref<256xf32, #tpu.memory_space<vmem_shared>>
        tpu.wait_dma2 semaphore(%run_scoped3A : memref<!tpu.dma_semaphore, #tpu.memory_space<semaphore_mem>>) src(%arg23 : memref<256xf32, #tpu.memory_space<vmem>>) dst(%dma_wait3A_353 : memref<256xf32, #tpu.memory_space<vmem_shared>>)
        tpu.yield
      }) : () -> ()
    } else {
    }
    %barrier3A_20 = arith.constant 0 : index
    tpu.barrier barrier_id(%barrier3A_20)
    %eq3A_21 = arith.constant 0 : i32
    %eq3A_22 = arith.cmpi eq, %arg0, %eq3A_21 : i32
    %convert_element_type3A_23 = arith.extui %eq3A_22 : i1 to i32
    %cond3A_24 = arith.constant 0 : i32
    %cond3A_25 = arith.cmpi ne, %convert_element_type3A_23, %cond3A_24 : i32
    scf.if %cond3A_25 {
      %mul3A_26 = arith.constant 1024 : i32
      %mul3A_27 = arith.muli %arg1, %mul3A_26 : i32
      "tpu.region"() ({
        %run_scoped3A = tpu.sem_alloc : memref<!tpu.dma_semaphore, #tpu.memory_space<semaphore_mem>>
        %dma_start3A_39 = tpu.memref_slice %arg7[%mul3A_27] : memref<16384xi32, #tpu.memory_space<hbm>> -> memref<1024xi32, #tpu.memory_space<hbm>>
        %dma_start3A_40 = tpu.memref_slice %arg7[%mul3A_27] : memref<16384xi32, #tpu.memory_space<hbm>> -> memref<1024xi32, #tpu.memory_space<hbm>>
        tpu.enqueue_dma source(%dma_start3A_40 : memref<1024xi32, #tpu.memory_space<hbm>>) target(%arg29 : memref<1024xi32, #tpu.memory_space<vmem>>) target_semaphore(%run_scoped3A : memref<!tpu.dma_semaphore, #tpu.memory_space<semaphore_mem>>)
        %dma_wait3A_41 = tpu.memref_slice %arg7[%mul3A_27] : memref<16384xi32, #tpu.memory_space<hbm>> -> memref<1024xi32, #tpu.memory_space<hbm>>
        %dma_wait3A_42 = tpu.memref_slice %arg7[%mul3A_27] : memref<16384xi32, #tpu.memory_space<hbm>> -> memref<1024xi32, #tpu.memory_space<hbm>>
        tpu.wait_dma2 semaphore(%run_scoped3A : memref<!tpu.dma_semaphore, #tpu.memory_space<semaphore_mem>>) src(%dma_wait3A_42 : memref<1024xi32, #tpu.memory_space<hbm>>) dst(%arg29 : memref<1024xi32, #tpu.memory_space<vmem>>)
        tpu.yield
      }) : () -> ()
      "tpu.region"() ({
        %run_scoped3A = tpu.sem_alloc : memref<!tpu.dma_semaphore, #tpu.memory_space<semaphore_mem>>
        %dma_start3A_39 = tpu.memref_slice %arg8[%mul3A_27] : memref<16384xf32, #tpu.memory_space<hbm>> -> memref<1024xf32, #tpu.memory_space<hbm>>
        %dma_start3A_40 = tpu.memref_slice %arg8[%mul3A_27] : memref<16384xf32, #tpu.memory_space<hbm>> -> memref<1024xf32, #tpu.memory_space<hbm>>
        tpu.enqueue_dma source(%dma_start3A_40 : memref<1024xf32, #tpu.memory_space<hbm>>) target(%arg30 : memref<1024xf32, #tpu.memory_space<vmem>>) target_semaphore(%run_scoped3A : memref<!tpu.dma_semaphore, #tpu.memory_space<semaphore_mem>>)
        %dma_wait3A_41 = tpu.memref_slice %arg8[%mul3A_27] : memref<16384xf32, #tpu.memory_space<hbm>> -> memref<1024xf32, #tpu.memory_space<hbm>>
        %dma_wait3A_42 = tpu.memref_slice %arg8[%mul3A_27] : memref<16384xf32, #tpu.memory_space<hbm>> -> memref<1024xf32, #tpu.memory_space<hbm>>
        tpu.wait_dma2 semaphore(%run_scoped3A : memref<!tpu.dma_semaphore, #tpu.memory_space<semaphore_mem>>) src(%dma_wait3A_42 : memref<1024xf32, #tpu.memory_space<hbm>>) dst(%arg30 : memref<1024xf32, #tpu.memory_space<vmem>>)
        tpu.yield
      }) : () -> ()
      "tpu.region"() ({
        %run_scoped3A = tpu.sem_alloc : memref<!tpu.dma_semaphore, #tpu.memory_space<semaphore_mem>>
        tpu.enqueue_dma source(%arg9 : memref<16xf32, #tpu.memory_space<hbm>>) target(%arg28 : memref<16xf32, #tpu.memory_space<vmem>>) target_semaphore(%run_scoped3A : memref<!tpu.dma_semaphore, #tpu.memory_space<semaphore_mem>>)
        tpu.wait_dma2 semaphore(%run_scoped3A : memref<!tpu.dma_semaphore, #tpu.memory_space<semaphore_mem>>) src(%arg9 : memref<16xf32, #tpu.memory_space<hbm>>) dst(%arg28 : memref<16xf32, #tpu.memory_space<vmem>>)
        tpu.yield
      }) : () -> ()
      %dma_start3A = arith.constant 0 : i32
      %dma_start3A_28 = tpu.memref_slice %arg35[%dma_start3A] : memref<4096xf32, #tpu.memory_space<vmem_shared>> -> memref<4096xf32, #tpu.memory_space<vmem_shared>>
      tpu.enqueue_indirect_dma source(%dma_start3A_28 : memref<4096xf32, #tpu.memory_space<vmem_shared>>) target(%arg32 : memref<1024xf32, #tpu.memory_space<vmem>>) offsets(%arg29 : memref<1024xi32, #tpu.memory_space<vmem>>) semaphore(%arg36 : memref<!tpu.dma_semaphore, #tpu.memory_space<semaphore_mem>>)
      %dma_wait3A = arith.constant 0 : i32
      %dma_wait3A_29 = tpu.memref_slice %arg35[%dma_wait3A] : memref<4096xf32, #tpu.memory_space<vmem_shared>> -> memref<4096xf32, #tpu.memory_space<vmem_shared>>
      tpu.wait_indirect_dma semaphore(%arg36 : memref<!tpu.dma_semaphore, #tpu.memory_space<semaphore_mem>>) src(%dma_wait3A_29 : memref<4096xf32, #tpu.memory_space<vmem_shared>>) dst(%arg32 : memref<1024xf32, #tpu.memory_space<vmem>>)
      %get3A = arith.constant 0 : index
      %get3A_30 = tpu.vector_load %arg28[%get3A] {strides = array<i32>} : memref<16xf32, #tpu.memory_space<vmem>>, vector<16xf32>,
      %get3A_31 = vector.shape_cast %get3A_30 : vector<16xf32> to vector<16xf32>
      %scan3A_32 = arith.constant 0 : i32
      %scan3A_33 = arith.constant 0 : i32
      %scan3A_34 = arith.constant 64 : i32
      %scan3A_35 = arith.addi %scan3A_33, %scan3A_34 : i32
      %scan3A_36 = arith.constant 1 : i32
      %scan3A_37 = scf.for %scan3A_39 = %scan3A_33 to %scan3A_35 step %scan3A_36 iter_args(%scan3A_40 = %scan3A_32) -> (i32)  : i32 {
        %mul3A_41 = arith.constant 16 : i32
        %mul3A_42 = arith.muli %scan3A_39, %mul3A_41 : i32
        %get3A_43 = arith.index_cast %mul3A_42 : i32 to index
        %get3A_44 = tpu.vector_load %arg32[%get3A_43] {strides = array<i32>} : memref<1024xf32, #tpu.memory_space<vmem>>, vector<16xf32>,
        %get3A_45 = vector.shape_cast %get3A_44 : vector<16xf32> to vector<16xf32>
        %mul3A_46 = arith.mulf %get3A_31, %get3A_45 : vector<16xf32>
        %get3A_47 = arith.index_cast %mul3A_42 : i32 to index
        %get3A_48 = tpu.vector_load %arg30[%get3A_47] {strides = array<i32>} : memref<1024xf32, #tpu.memory_space<vmem>>, vector<16xf32>,
        %get3A_49 = vector.shape_cast %get3A_48 : vector<16xf32> to vector<16xf32>
        %add3A = arith.addf %mul3A_46, %get3A_49 : vector<16xf32>
        %swap3A = arith.index_cast %mul3A_42 : i32 to index
        %swap3A_50 = tpu.vector_load %arg31[%swap3A] {strides = array<i32>} : memref<1024xf32, #tpu.memory_space<vmem>>, vector<16xf32>,
        %swap3A_51 = vector.shape_cast %swap3A_50 : vector<16xf32> to vector<16xf32>
        %swap3A_52 = vector.shape_cast %add3A : vector<16xf32> to vector<16xf32>
        tpu.vector_store %arg31[%swap3A], %swap3A_52 {strides = array<i32>} : memref<1024xf32, #tpu.memory_space<vmem>>, vector<16xf32>,
        %scan3A_53 = arith.constant 0 : i32
        scf.yield %scan3A_53 : i32
      }
      %scan3A_38 = arith.constant 64 : i32
      "tpu.region"() ({
        %run_scoped3A = tpu.sem_alloc : memref<!tpu.dma_semaphore, #tpu.memory_space<semaphore_mem>>
        %dma_start3A_39 = tpu.memref_slice %arg14[%mul3A_27] : memref<16384xf32, #tpu.memory_space<hbm>> -> memref<1024xf32, #tpu.memory_space<hbm>>
        %dma_start3A_40 = tpu.memref_slice %arg14[%mul3A_27] : memref<16384xf32, #tpu.memory_space<hbm>> -> memref<1024xf32, #tpu.memory_space<hbm>>
        tpu.enqueue_dma source(%arg31 : memref<1024xf32, #tpu.memory_space<vmem>>) target(%dma_start3A_40 : memref<1024xf32, #tpu.memory_space<hbm>>) target_semaphore(%run_scoped3A : memref<!tpu.dma_semaphore, #tpu.memory_space<semaphore_mem>>)
        %dma_wait3A_41 = tpu.memref_slice %arg14[%mul3A_27] : memref<16384xf32, #tpu.memory_space<hbm>> -> memref<1024xf32, #tpu.memory_space<hbm>>
        %dma_wait3A_42 = tpu.memref_slice %arg14[%mul3A_27] : memref<16384xf32, #tpu.memory_space<hbm>> -> memref<1024xf32, #tpu.memory_space<hbm>>
        tpu.wait_dma2 semaphore(%run_scoped3A : memref<!tpu.dma_semaphore, #tpu.memory_space<semaphore_mem>>) src(%arg31 : memref<1024xf32, #tpu.memory_space<vmem>>) dst(%dma_wait3A_42 : memref<1024xf32, #tpu.memory_space<hbm>>)
        tpu.yield
      }) : () -> ()
    } else {
    }
    return
  }
}

module attributes {stable_mosaic.version = 14 : i64} {
  func.func @_edge_mlp_body(%arg0: i32, %arg1: memref<4096x1xf32, #tpu.memory_space<vmem>>, %arg2: memref<1x128xf32, #tpu.memory_space<vmem>>, %arg3: memref<1x128xf32, #tpu.memory_space<vmem>>, %arg4: memref<128x1xf32, #tpu.memory_space<vmem>>, %arg5: memref<1x1xf32, #tpu.memory_space<vmem>>, %arg6: memref<4096x1xf32, #tpu.memory_space<vmem>>) attributes {dimension_semantics = [#tpu.dimension_semantics<arbitrary>], iteration_bounds = array<i64: 32>, scalar_prefetch = 0 : i64, scratch_operands = 0 : i64, tpu.core_type = #tpu.core_type<tc>, window_params = [{transform_indices = @transform_0, window_bounds = array<i64: 4096, 1>}, {pipeline_mode = #tpu.pipeline_mode<synchronous>, transform_indices = @transform_1, window_bounds = array<i64: 1, 128>}, {pipeline_mode = #tpu.pipeline_mode<synchronous>, transform_indices = @transform_2, window_bounds = array<i64: 1, 128>}, {pipeline_mode = #tpu.pipeline_mode<synchronous>, transform_indices = @transform_3, window_bounds = array<i64: 128, 1>}, {pipeline_mode = #tpu.pipeline_mode<synchronous>, transform_indices = @transform_4, window_bounds = array<i64: 1, 1>}, {transform_indices = @transform_5, window_bounds = array<i64: 4096, 1>}]} {
    %get3A = arith.constant 0 : index
    %get3A_0 = arith.constant 0 : index
    %get3A_1 = vector.load %arg1[%get3A, %get3A_0] : memref<4096x1xf32, #tpu.memory_space<vmem>>, vector<4096x1xf32>
    %get3A_2 = arith.constant 0 : index
    %get3A_3 = arith.constant 0 : index
    %get3A_4 = vector.load %arg2[%get3A_2, %get3A_3] : memref<1x128xf32, #tpu.memory_space<vmem>>, vector<1x128xf32>
    %dot_general3A = arith.constant dense<0.000000e+00> : vector<4096x128xf32>
    %dot_general3A_5 = tpu.matmul %get3A_1, %get3A_4, %dot_general3A {dimension_numbers = #tpu.dot_dimension_numbers<[1], [0], [0], [1], [0, 0, 1, 1], [], []>, transpose_lhs_hint = false} : vector<4096x1xf32>, vector<1x128xf32>, vector<4096x128xf32> -> vector<4096x128xf32>
    %get3A_6 = arith.constant 0 : index
    %get3A_7 = arith.constant 0 : index
    %get3A_8 = vector.load %arg3[%get3A_6, %get3A_7] : memref<1x128xf32, #tpu.memory_space<vmem>>, vector<1x128xf32>
    %add3A = vector.broadcast %get3A_8 : vector<1x128xf32> to vector<4096x128xf32>
    %add3A_9 = arith.addf %dot_general3A_5, %add3A : vector<4096x128xf32>
    %max3A = arith.constant 0.000000e+00 : f32
    %max3A_10 = vector.broadcast %max3A : f32 to vector<4096x128xf32>
    %max3A_11 = arith.maximumf %add3A_9, %max3A_10 : vector<4096x128xf32>
    %get3A_12 = arith.constant 0 : index
    %get3A_13 = arith.constant 0 : index
    %get3A_14 = vector.load %arg4[%get3A_12, %get3A_13] : memref<128x1xf32, #tpu.memory_space<vmem>>, vector<128x1xf32>
    %dot_general3A_15 = arith.constant dense<0.000000e+00> : vector<4096x1xf32>
    %dot_general3A_16 = tpu.matmul %max3A_11, %get3A_14, %dot_general3A_15 {dimension_numbers = #tpu.dot_dimension_numbers<[1], [0], [0], [1], [0, 0, 1, 1], [], []>, transpose_lhs_hint = false} : vector<4096x128xf32>, vector<128x1xf32>, vector<4096x1xf32> -> vector<4096x1xf32>
    %get3A_17 = arith.constant 0 : index
    %get3A_18 = arith.constant 0 : index
    %get3A_19 = vector.load %arg5[%get3A_17, %get3A_18] : memref<1x1xf32, #tpu.memory_space<vmem>>, vector<1x1xf32>
    %get3A_20 = vector.extract %get3A_19[0, 0] : f32 from vector<1x1xf32>
    %add3A_21 = vector.broadcast %get3A_20 : f32 to vector<4096x1xf32>
    %add3A_22 = arith.addf %dot_general3A_16, %add3A_21 : vector<4096x1xf32>
    %swap3A = arith.constant 0 : index
    %swap3A_23 = arith.constant 0 : index
    %swap3A_24 = vector.load %arg6[%swap3A, %swap3A_23] : memref<4096x1xf32, #tpu.memory_space<vmem>>, vector<4096x1xf32>
    tpu.vector_store %arg6[%swap3A, %swap3A_23], %add3A_22 {strides = array<i32>} : memref<4096x1xf32, #tpu.memory_space<vmem>>, vector<4096x1xf32>,
    return
  }
  func.func @transform_0(%arg0: i32) -> (i32, i32) {
    %c0_i32 = arith.constant 0 : i32
    %c0_i32_0 = arith.constant 0 : i32
    return %arg0, %c0_i32 : i32, i32
  }
  func.func @transform_1(%arg0: i32) -> (i32, i32) {
    %c0_i32 = arith.constant 0 : i32
    %c0_i32_0 = arith.constant 0 : i32
    %c0_i32_1 = arith.constant 0 : i32
    return %c0_i32, %c0_i32_0 : i32, i32
  }
  func.func @transform_2(%arg0: i32) -> (i32, i32) {
    %c0_i32 = arith.constant 0 : i32
    %c0_i32_0 = arith.constant 0 : i32
    %c0_i32_1 = arith.constant 0 : i32
    return %c0_i32, %c0_i32_0 : i32, i32
  }
  func.func @transform_3(%arg0: i32) -> (i32, i32) {
    %c0_i32 = arith.constant 0 : i32
    %c0_i32_0 = arith.constant 0 : i32
    %c0_i32_1 = arith.constant 0 : i32
    return %c0_i32, %c0_i32_0 : i32, i32
  }
  func.func @transform_4(%arg0: i32) -> (i32, i32) {
    %c0_i32 = arith.constant 0 : i32
    %c0_i32_0 = arith.constant 0 : i32
    %c0_i32_1 = arith.constant 0 : i32
    return %c0_i32, %c0_i32_0 : i32, i32
  }
  func.func @transform_5(%arg0: i32) -> (i32, i32) {
    %c0_i32 = arith.constant 0 : i32
    %c0_i32_0 = arith.constant 0 : i32
    return %arg0, %c0_i32 : i32, i32
  }
}

module attributes {stable_mosaic.version = 14 : i64} {
  func.func @_edge_dot_body(%arg0: i32, %arg1: memref<2048x128xf32, #tpu.memory_space<vmem>>, %arg2: memref<2048x128xf32, #tpu.memory_space<vmem>>, %arg3: memref<1x128xf32, #tpu.memory_space<vmem>>, %arg4: memref<2048x1xf32, #tpu.memory_space<vmem>>, %arg5: memref<1x16xf32, #tpu.memory_space<vmem>>) attributes {dimension_semantics = [#tpu.dimension_semantics<arbitrary>], iteration_bounds = array<i64: 8>, scalar_prefetch = 0 : i64, scratch_operands = 0 : i64, tpu.core_type = #tpu.core_type<tc>, window_params = [{transform_indices = @transform_0, window_bounds = array<i64: 2048, 128>}, {transform_indices = @transform_1, window_bounds = array<i64: 2048, 128>}, {pipeline_mode = #tpu.pipeline_mode<synchronous>, transform_indices = @transform_2, window_bounds = array<i64: 1, 128>}, {transform_indices = @transform_3, window_bounds = array<i64: 2048, 1>}, {pipeline_mode = #tpu.pipeline_mode<synchronous>, transform_indices = @transform_4, window_bounds = array<i64: 1, 16>}]} {
    %get3A = arith.constant 0 : index
    %get3A_0 = arith.constant 0 : index
    %get3A_1 = vector.load %arg3[%get3A, %get3A_0] : memref<1x128xf32, #tpu.memory_space<vmem>>, vector<1x128xf32>
    %exp3A = math.exp %get3A_1 : vector<1x128xf32>
    %slice3A = vector.extract_strided_slice %exp3A {offsets = [0, 0], sizes = [1, 1], strides = [1, 1]} : vector<1x128xf32> to vector<1x1xf32>
    %squeeze3A = vector.extract %slice3A[0, 0] : f32 from vector<1x1xf32>
    %slice3A_2 = vector.extract_strided_slice %exp3A {offsets = [0, 1], sizes = [1, 1], strides = [1, 1]} : vector<1x128xf32> to vector<1x1xf32>
    %squeeze3A_3 = vector.extract %slice3A_2[0, 0] : f32 from vector<1x1xf32>
    %add3A = arith.addf %squeeze3A, %squeeze3A_3 : f32
    %div3A = arith.divf %squeeze3A_3, %add3A : f32
    %get3A_4 = arith.constant 0 : index
    %get3A_5 = arith.constant 0 : index
    %get3A_6 = vector.load %arg1[%get3A_4, %get3A_5] : memref<2048x128xf32, #tpu.memory_space<vmem>>, vector<2048x128xf32>
    %get3A_7 = arith.constant 0 : index
    %get3A_8 = arith.constant 0 : index
    %get3A_9 = vector.load %arg2[%get3A_7, %get3A_8] : memref<2048x128xf32, #tpu.memory_space<vmem>>, vector<2048x128xf32>
    %mul3A = arith.mulf %get3A_6, %get3A_9 : vector<2048x128xf32>
    %reduce_sum3A = arith.constant dense<0.000000e+00> : vector<2048xf32>
    %reduce_sum3A_10 = vector.multi_reduction <add>, %mul3A, %reduce_sum3A [1] : vector<2048x128xf32> to vector<2048xf32>
    %broadcast_in_dim3A = vector.shape_cast %reduce_sum3A_10 : vector<2048xf32> to vector<2048x1xf32>
    %neg3A = arith.constant 0.000000e+00 : f32
    %neg3A_11 = vector.broadcast %neg3A : f32 to vector<2048x1xf32>
    %neg3A_12 = arith.subf %neg3A_11, %broadcast_in_dim3A : vector<2048x1xf32>
    %exp3A_13 = math.exp %neg3A_12 : vector<2048x1xf32>
    %add3A_14 = arith.constant 1.000000e+00 : f32
    %add3A_15 = vector.broadcast %add3A_14 : f32 to vector<2048x1xf32>
    %add3A_16 = arith.addf %add3A_15, %exp3A_13 : vector<2048x1xf32>
    %div3A_17 = vector.broadcast %div3A : f32 to vector<2048x1xf32>
    %div3A_18 = arith.divf %div3A_17, %add3A_16 : vector<2048x1xf32>
    %add3A_19 = arith.constant 1.000000e-15 : f32
    %add3A_20 = vector.broadcast %add3A_19 : f32 to vector<2048x1xf32>
    %add3A_21 = arith.addf %div3A_18, %add3A_20 : vector<2048x1xf32>
    %swap3A = arith.constant 0 : index
    %swap3A_22 = arith.constant 0 : index
    %swap3A_23 = vector.load %arg4[%swap3A, %swap3A_22] : memref<2048x1xf32, #tpu.memory_space<vmem>>, vector<2048x1xf32>
    tpu.vector_store %arg4[%swap3A, %swap3A_22], %add3A_21 {strides = array<i32>} : memref<2048x1xf32, #tpu.memory_space<vmem>>, vector<2048x1xf32>,
    %div3A_24 = arith.divf %squeeze3A, %add3A : f32
    %broadcast_in_dim3A_25 = vector.broadcast %div3A_24 : f32 to vector<1x16xf32>
    %swap3A_26 = arith.constant 0 : index
    %swap3A_27 = arith.constant 0 : index
    %swap3A_28 = vector.load %arg5[%swap3A_26, %swap3A_27] : memref<1x16xf32, #tpu.memory_space<vmem>>, vector<1x16xf32>
    tpu.vector_store %arg5[%swap3A_26, %swap3A_27], %broadcast_in_dim3A_25 {strides = array<i32>} : memref<1x16xf32, #tpu.memory_space<vmem>>, vector<1x16xf32>,
    return
  }
  func.func @transform_0(%arg0: i32) -> (i32, i32) {
    %c0_i32 = arith.constant 0 : i32
    %c0_i32_0 = arith.constant 0 : i32
    return %arg0, %c0_i32 : i32, i32
  }
  func.func @transform_1(%arg0: i32) -> (i32, i32) {
    %c0_i32 = arith.constant 0 : i32
    %c0_i32_0 = arith.constant 0 : i32
    return %arg0, %c0_i32 : i32, i32
  }
  func.func @transform_2(%arg0: i32) -> (i32, i32) {
    %c0_i32 = arith.constant 0 : i32
    %c0_i32_0 = arith.constant 0 : i32
    %c0_i32_1 = arith.constant 0 : i32
    return %c0_i32, %c0_i32_0 : i32, i32
  }
  func.func @transform_3(%arg0: i32) -> (i32, i32) {
    %c0_i32 = arith.constant 0 : i32
    %c0_i32_0 = arith.constant 0 : i32
    return %arg0, %c0_i32 : i32, i32
  }
  func.func @transform_4(%arg0: i32) -> (i32, i32) {
    %c0_i32 = arith.constant 0 : i32
    %c0_i32_0 = arith.constant 0 : i32
    %c0_i32_1 = arith.constant 0 : i32
    return %c0_i32, %c0_i32_0 : i32, i32
  }
}

module attributes {stable_mosaic.version = 14 : i64} {
  func.func @_node_mlp_body(%arg0: memref<4096x1xf32, #tpu.memory_space<vmem>>, %arg1: memref<1x128xf32, #tpu.memory_space<vmem>>, %arg2: memref<1x128xf32, #tpu.memory_space<vmem>>, %arg3: memref<128x1xf32, #tpu.memory_space<vmem>>, %arg4: memref<1x1xf32, #tpu.memory_space<vmem>>, %arg5: memref<4096x1xf32, #tpu.memory_space<vmem>>) attributes {dimension_semantics = [], scalar_prefetch = 0 : i64, scratch_operands = 0 : i64, tpu.core_type = #tpu.core_type<tc>} {
    %get3A = arith.constant 0 : index
    %get3A_0 = arith.constant 0 : index
    %get3A_1 = vector.load %arg0[%get3A, %get3A_0] : memref<4096x1xf32, #tpu.memory_space<vmem>>, vector<4096x1xf32>
    %get3A_2 = arith.constant 0 : index
    %get3A_3 = arith.constant 0 : index
    %get3A_4 = vector.load %arg1[%get3A_2, %get3A_3] : memref<1x128xf32, #tpu.memory_space<vmem>>, vector<1x128xf32>
    %dot_general3A = arith.constant dense<0.000000e+00> : vector<4096x128xf32>
    %dot_general3A_5 = tpu.matmul %get3A_1, %get3A_4, %dot_general3A {dimension_numbers = #tpu.dot_dimension_numbers<[1], [0], [0], [1], [0, 0, 1, 1], [], []>, transpose_lhs_hint = false} : vector<4096x1xf32>, vector<1x128xf32>, vector<4096x128xf32> -> vector<4096x128xf32>
    %get3A_6 = arith.constant 0 : index
    %get3A_7 = arith.constant 0 : index
    %get3A_8 = vector.load %arg2[%get3A_6, %get3A_7] : memref<1x128xf32, #tpu.memory_space<vmem>>, vector<1x128xf32>
    %add3A = vector.broadcast %get3A_8 : vector<1x128xf32> to vector<4096x128xf32>
    %add3A_9 = arith.addf %dot_general3A_5, %add3A : vector<4096x128xf32>
    %max3A = arith.constant 0.000000e+00 : f32
    %max3A_10 = vector.broadcast %max3A : f32 to vector<4096x128xf32>
    %max3A_11 = arith.maximumf %add3A_9, %max3A_10 : vector<4096x128xf32>
    %get3A_12 = arith.constant 0 : index
    %get3A_13 = arith.constant 0 : index
    %get3A_14 = vector.load %arg3[%get3A_12, %get3A_13] : memref<128x1xf32, #tpu.memory_space<vmem>>, vector<128x1xf32>
    %dot_general3A_15 = arith.constant dense<0.000000e+00> : vector<4096x1xf32>
    %dot_general3A_16 = tpu.matmul %max3A_11, %get3A_14, %dot_general3A_15 {dimension_numbers = #tpu.dot_dimension_numbers<[1], [0], [0], [1], [0, 0, 1, 1], [], []>, transpose_lhs_hint = false} : vector<4096x128xf32>, vector<128x1xf32>, vector<4096x1xf32> -> vector<4096x1xf32>
    %get3A_17 = arith.constant 0 : index
    %get3A_18 = arith.constant 0 : index
    %get3A_19 = vector.load %arg4[%get3A_17, %get3A_18] : memref<1x1xf32, #tpu.memory_space<vmem>>, vector<1x1xf32>
    %get3A_20 = vector.extract %get3A_19[0, 0] : f32 from vector<1x1xf32>
    %add3A_21 = vector.broadcast %get3A_20 : f32 to vector<4096x1xf32>
    %add3A_22 = arith.addf %dot_general3A_16, %add3A_21 : vector<4096x1xf32>
    %mul3A = arith.mulf %add3A_22, %add3A_22 : vector<4096x1xf32>
    %swap3A = arith.constant 0 : index
    %swap3A_23 = arith.constant 0 : index
    %swap3A_24 = vector.load %arg5[%swap3A, %swap3A_23] : memref<4096x1xf32, #tpu.memory_space<vmem>>, vector<4096x1xf32>
    tpu.vector_store %arg5[%swap3A, %swap3A_23], %mul3A {strides = array<i32>} : memref<4096x1xf32, #tpu.memory_space<vmem>>, vector<4096x1xf32>,
    return
  }
}

</mosaic_0001>

<sc_bundles>
// kernel: sc1_scatter_gather.3.cloned.1.call-start
scs
__scs_entry_jumppad:
0x0: {  	(pc) =	sbr.rel $0x88, $3  }
0x1: {  	(tag) =	ssettag $0x0;
	lr =	simm.s32 $0x1  }
0x2: {  	[smem:$0x3F8F] =	sst lr;
	_ =	strace $0xD0000000  }
0x3: {  	_ = 	snop  }
0x4: {  	_ = 	snop  }
0x5: {  	_ = 	snop  }
0x6: {  	_ = 	snop  }
0x7: {  	_ = 	snop  }
__scs_overlays_trampoline_lowered:
0x8: {  	[smem:$0x3F9E] =	sst s0  }
0x9: {  	[smem:$0x3F9F] =	sst s1  }
0xa: {  	[smem:$0x3FA0] =	sst s2  }
0xb: {  	[smem:$0x3FA1] =	sst s3  }
0xc: {  	[smem:$0x3FA2] =	sst s4  }
0xd: {  	[smem:$0x3FA3] =	sst s5  }
0xe: {  	[smem:$0x3FA4] =	sst s6  }
0xf: {  	[smem:$0x3FA5] =	sst s7  }
0x10: {  	[smem:$0x3FA6] =	sst s8  }
0x11: {  	[smem:$0x3FA7] =	sst s9;
	s0 =	simm.s32 @!p0 $0x0  }
0x12: {  	s1 =	sld [smem:$0x3F8D];
	s0 =	simm.s32 @p0 $0x1  }
0x13: {  	[smem:$0x3FA8] =	sst s0;
	s0 =	simm.s32 @!p1 $0x0  }
0x14: {  	s2 =	sld [smem:$0x3F8C];
	s0 =	simm.s32 @p1 $0x1  }
0x15: {  	[smem:$0x3FA9] =	sst s0;
	s0 =	simm.s32 @!p2 $0x0  }
0x16: {  	s3 =	sld [smem:$0x3FDB];
	s0 =	simm.s32 @p2 $0x1  }
0x17: {  	s4 =	simm.s32 $0x1BF5;
	[smem:$0x3FAB] =	sst s0  }
0x18: {  	s0 =	sld [smem:$0x3F8E];
	_ =	swait.ge [sflag:s4], $0x0  }
0x19: {  	s7 =	sld [smem:$0x3F8F]  }
0x1a: {  	s8 =	sadd.s32 $0xFFFFE003, lr  }
0x1b: {  	s9 =	sadd.s32 $0xFFFFFEF7, lr;
	s5 =	simm.s32 $0xFFFFFFFF;
	p2 =	slt.u32 s8, $0xFFFFF086  }
0x1c: {  	p1 =	slt.u32 s9, $0xF7A;
	s5 =	simm.s32 @!p2 $0x0  }
0x1d: {  	s5 =	simm.s32 @p1 $0x1;
	p0 =	seq.s32 s7, s2  }
0x1e: {  	s7 =	smul.u32 @!p0 $0xF7A, s2;
	p2 =	seq.s32 @!p0 s5, $0x0  }
0x1f: {  	s9 =	smul.u32 $0xF7A, s1;
	s8 =	simm.s32 @!p0 $0x1BF5;
	p2 =	por !p2, p0  }
0x20: {  	[sflag:s8] =	ssyncset.s32 @!p0 $0xFFFFF086;
	s6 =	sadd.s32 @!p0 s3, s7;
	s7 =	simm.s32 @!p0 $0x108  }
0x21: {  	s3 =	sadd.s32 s3, s9;
	s6 =	sadd.s32 @!p0 $0x88, s6;
	s7 =	simm.s32 @p2 $0x1082  }
0x22: {  	[simem:s7], [sflag:s8] =	dma.local @!p0 [hbm:s6], $0xF7A  }
0x23: {  	s9 =	sor.u32 $0xD0000000, s2;
	s6 =	simm.s32 $0x108;
	_ =	swait.ge @!p0 [sflag:s8], $0x0  }
0x24: {  	s3 =	sadd.s32 $0x88, s3;
	s6 =	simm.s32 @!p1 $0x1082;
	[sflag:s4] =	ssyncset.s32 $0xFFFFF086  }
0x25: {  	[simem:s6], [sflag:s4] =	dma.local [hbm:s3], $0xF7A  }
0x26: {  	[smem:$0x3F8F] =	sst s1;
	(tag) =	ssettag s2;
	_ =	strace s9  }
0x27: {  	s1 =	sld [smem:$0x3F9F]  }
0x28: {  	s2 =	sld [smem:$0x3FA0]  }
0x29: {  	s4 =	sld [smem:$0x3FA2]  }
0x2a: {  	p0 =	seq.s32 s5, $0x0;
	s5 =	sld [smem:$0x3FA3]  }
0x2b: {  	s6 =	sld [smem:$0x3FA4]  }
0x2c: {  	s7 =	sld [smem:$0x3FA5]  }
0x2d: {  	s3 =	simm.s32 $0x108;
	s8 =	sld [smem:$0x3FA6]  }
0x2e: {  	s3 =	simm.s32 @!p0 $0x1082;
	s9 =	sld [smem:$0x3FA7]  }
0x2f: {  	lr =	sadd.s32 s0, s3;
	s0 =	sld [smem:$0x3F9E]  }
0x30: {  	s3 =	sld [smem:$0x3FA1]  }
0x31: {  	[smem:$0x3FAA] =	sst s10  }
0x32: {  	s10 =	sld [smem:$0x3FA8];
	_ =	sdelay $0x3  }
0x33: {  	p0 =	seq.s32 s10, $0x1;
	s10 =	sld [smem:$0x3FAA];
	_ =	sdelay $0x3  }
0x34: {  	[smem:$0x3FAA] =	sst s10  }
0x35: {  	s10 =	sld [smem:$0x3FA9];
	_ =	sdelay $0x3  }
0x36: {  	p1 =	seq.s32 s10, $0x1;
	s10 =	sld [smem:$0x3FAA];
	_ =	sdelay $0x3  }
0x37: {  	[smem:$0x3FAA] =	sst s10  }
0x38: {  	s10 =	sld [smem:$0x3FAB]  }
0x39: {  	_ = 	snop;
	(pc) =	sbr.ind lr, $3  }
0x3a: {  	_ = 	snop  }
0x3b: {  	_ = 	snop  }
0x3c: {  	p2 =	seq.s32 s10, $0x1;
	s10 =	sld [smem:$0x3FAA]  }
0x3d: {  	_ =	shalt  }
0x3e: {  	_ =	shalt  }
0x3f: {  	_ =	shalt  }
0x40: {  	_ =	shalt  }
0x41: {  	_ =	shalt  }
0x42: {  	_ =	shalt  }
0x43: {  	_ =	shalt  }
0x44: {  	_ =	shalt  }
0x45: {  	_ =	shalt  }
0x46: {  	_ =	shalt  }
0x47: {  	_ =	shalt  }
0x48: {  	_ =	shalt  }
0x49: {  	_ =	shalt  }
0x4a: {  	_ =	shalt  }
0x4b: {  	_ =	shalt  }
0x4c: {  	_ =	shalt  }
0x4d: {  	_ =	shalt  }
0x4e: {  	_ =	shalt  }
0x4f: {  	_ =	shalt  }
0x50: {  	_ =	shalt  }
0x51: {  	_ =	shalt  }
0x52: {  	_ =	shalt  }
0x53: {  	_ =	shalt  }
0x54: {  	_ =	shalt  }
0x55: {  	_ =	shalt  }
0x56: {  	_ =	shalt  }
0x57: {  	_ =	shalt  }
0x58: {  	_ =	shalt  }
0x59: {  	_ =	shalt  }
0x5a: {  	_ =	shalt  }
0x5b: {  	_ =	shalt  }
0x5c: {  	_ =	shalt  }
0x5d: {  	_ =	shalt  }
0x5e: {  	_ =	shalt  }
0x5f: {  	_ =	shalt  }
0x60: {  	_ =	shalt  }
0x61: {  	_ =	shalt  }
0x62: {  	_ =	shalt  }
0x63: {  	_ =	shalt  }
0x64: {  	_ =	shalt  }
0x65: {  	_ =	shalt  }
0x66: {  	_ =	shalt  }
0x67: {  	_ =	shalt  }
0x68: {  	_ =	shalt  }
0x69: {  	_ =	shalt  }
0x6a: {  	_ =	shalt  }
0x6b: {  	_ =	shalt  }
0x6c: {  	_ =	shalt  }
0x6d: {  	_ =	shalt  }
0x6e: {  	_ =	shalt  }
0x6f: {  	_ =	shalt  }
0x70: {  	_ =	shalt  }
0x71: {  	_ =	shalt  }
0x72: {  	_ =	shalt  }
0x73: {  	_ =	shalt  }
0x74: {  	_ =	shalt  }
0x75: {  	_ =	shalt  }
0x76: {  	_ =	shalt  }
0x77: {  	_ =	shalt  }
0x78: {  	_ =	shalt  }
0x79: {  	_ =	shalt  }
0x7a: {  	_ =	shalt  }
0x7b: {  	_ =	shalt  }
0x7c: {  	_ =	shalt  }
0x7d: {  	_ =	shalt  }
0x7e: {  	_ =	shalt  }
0x7f: {  	_ =	shalt  }
0x80: {  	_ =	shalt  }
0x81: {  	_ =	shalt  }
0x82: {  	_ =	shalt  }
0x83: {  	_ =	shalt  }
0x84: {  	_ =	shalt  }
0x85: {  	_ =	shalt  }
0x86: {  	_ =	shalt  }
0x87: {  	_ =	shalt  }
.Lfunc_end0:
.L_simem_size_0:
called_computation_lowered:
.L_overlay_start_0:
0x88: {  	s2 =	sld [smem:$0x3FD9]  }
0x89: {  	s3 =	sld [smem:$0x3FFE];
	_ =	sdelay $0x1  }
0x8a: {  	s1 =	srdreg.scid  }
0x8b: {  	s0 =	sand.u32 $0x1, s1  }
0x8c: {  	s17 =	sshll.u32 s0, $0xA;
	s2 =	sadd.s32 s3, s2  }
0x8d: {  	s2 =	sadd.s32 s2, s17  }
0x8e: {  	[smem:$0x3FB6] =	sst s2  }
0x8f: {  	_ = 	snop  }
0x90: {  	s2 =	sld [smem:$0x3FC8]  }
0x91: {  	s18 =	sld [smem:$0x3FC7]  }
0x92: {  	s4 =	sld [smem:$0x3FC6]  }
0x93: {  	s5 =	sld [smem:$0x3FD0];
	(tm) =	ssettm $0x1  }
0x94: {  	s6 =	sld [smem:$0x3FFB];
	_ =	sdelay $0x3  }
0x95: {  	_ =	strace s6  }
0x96: {  	s6 =	sld [smem:$0x3FFC];
	_ =	sdelay $0x3  }
0x97: {  	_ =	strace s6  }
0x98: {  	s6 =	sld [smem:$0x3FFD];
	_ =	sdelay $0x3  }
0x99: {  	_ =	strace s6  }
0x9a: {  	_ =	strace $0x8FFFFFFF  }
0x9b: {  	s19 =	sld [smem:$0x3FDB];
	_ =	sdelay $0x1  }
0x9c: {  	s7 =	simm.s32 $_scs_section_size  }
0x9d: {  	s8 =	simm.s32 $_size__tile_overlayer_lowered;
	s9 =	simm.s32 $_tile_overlayer_lowered  }
0x9e: {  	s22 =	simm.s32 $0x1BFF;
	s21 =	sshll.u32 s9, $0x1;
	s6 =	sadd.s32 s7, s19  }
0x9f: {  	s10 =	simm.s32 $0x0;
	s20 =	sshll.u32 s8, $0x1;
	s8 =	sadd.s32 s21, s6  }
0xa0: {  	[timem:s10], [sflag:s22] =	dma.local [hbm:s8], s20  }
0xa1: {  	_ =	swait.ge [sflag:s22], s20  }
0xa2: {  	s7 =	ssub.s32 $0x0, s20;
	[sflag:s22] =	ssyncset.done $0x0  }
0xa3: {  	[sflag:s22] =	ssyncadd.s32 s7;
	_ =	sdelay $0x1  }
0xa4: {  	s23 =	simm.s32 $0x1B8B  }
0xa5: {  	_ =	swait.ge [sflag:s23], $0x1  }
0xa6: {  	[sflag:s23] =	ssyncset.done $0x0  }
0xa7: {  	s25 =	simm.s32 $0x1B8E;
	s24 =	sld [smem:$0x3FFE];
	[sflag:s23] =	ssyncadd.s32 $0xFFFFFFFF  }
0xa8: {  	s26 =	simm.s32 $execute0_lowered;
	[smem:$0x3FD2] =	sst s25  }
0xa9: {  	s8 =	sshll.u32 s26, $0x1;
	_ =	strace $0x80000046;
	[dreg:$0x1] =	wrdreg $0xFFFFFFFF  }
0xaa: {  	s28 =	simm.s32 $_size_execute0_lowered;
	s6 =	sadd.s32 s6, s8;
	[dreg:$0x0] =	wrdreg $0x0  }
0xab: {  	s8 =	sshll.u32 s28, $0x1;
	[dreg:$0x2] =	wrdreg s6  }
0xac: {  	[dreg:$0x3] =	wrdreg s8  }
0xad: {  	[dreg:$0x4] =	wrdreg $0xC0  }
0xae: {  	_ =	task [dreg:s10], $0x5FFFF  }
0xaf: {  	[dreg:$0x1] =	wrdreg $0xFFFFFFFF  }
0xb0: {  	[dreg:$0x0] =	wrdreg $0x60  }
0xb1: {  	[dreg:$0x2] =	wrdreg s18  }
0xb2: {  	[dreg:$0x3] =	wrdreg s4  }
0xb3: {  	[dreg:$0x4] =	wrdreg s24  }
0xb4: {  	[dreg:$0x5] =	wrdreg s5  }
0xb5: {  	[dreg:$0x6] =	wrdreg s2  }
0xb6: {  	[dreg:$0x7] =	wrdreg $0x9  }
0xb7: {  	_ =	task.clear_ibuf [dreg:s10], $0x8FFFF;
	_ =	strace $0x90000046  }
0xb8: {  	s29 =	simm.s32 $0x9;
	_ =	strace $0x80000048  }
0xb9: {  	_ =	swait.ge [sflag:s29], $0x1  }
0xba: {  	[sflag:s29] =	ssyncadd.s32 $0xFFFFFFFF  }
0xbb: {  	_ =	strace $0x90000048  }
0xbc: {  	_ =	sfence  }
0xbd: {  	s30 =	sld [smem:$0x0];
	_ =	sdelay $0x2  }
0xbe: {  	s31 =	sshll.u32 s1, $0xD;
	s1 =	sshrl.u32 s1, $0x2  }
0xbf: {  	s3 =	sand.u32 $0x4000, s31;
	s1 =	sadd.s32 s1, s30  }
0xc0: {  	s0 =	sor.u32 s3, s0;
	s1 =	sshll.u32 s1, $0x11  }
0xc1: {  	s0 =	sor.u32 s1, s0  }
0xc2: {  	s0 =	sadd.s32 $0x8F2B, s0  }
0xc3: {  	[sflag:s0] =	ssyncadd.remote.s32 $0x1  }
0xc4: {  	_ =	sfence.sel $0xFFFF  }
0xc5: {  	[dreg:$0x0] =	wrdreg $0xFFFFFFFF;
	(pc) =	sbr.abs _section_cstart, $3  }
0xc6: {  	[dreg:$0x1] =	wrdreg $0xFFFFFFFF  }
0xc7: {  	_ =	task.clear_ibuf [dreg:s10], $0x2FFFF;
	_ =	strace $0x9FFFFFFF  }
0xc8: {  	(tm) =	ssettm $0x7FFFFFFF  }
0xc9: {  	_ =	shalt  }
tec
execute0_lowered:
.L_overlay_start_1:
0x0: {  	(tag) =	ssettag $0x1  }
0x1: {  	s0 =	rddreg [dreg:$0x0]  }
0x2: {  	s6 =	rddreg [dreg:$0x1]  }
0x3: {  	s5 =	rddreg [dreg:$0x2]  }
0x4: {  	s8 =	rddreg [dreg:$0x3]  }
0x5: {  	s2 =	rddreg [dreg:$0x4]  }
0x6: {  	s4 =	srdreg.scid;
	s1 =	stileid.u32;
	s3 =	simm.s32 $0x0  }
0x7: {  	s17 =	simm.s32 $0x2000;
	s18 =	simm.s32 $0x3000;
	s19 =	simm.s32 $0x4000  }
0x8: {  	s20 =	simm.s32 $0x4200;
	s21 =	simm.s32 $0x100;
	s22 =	simm.s32 $0x4400  }
0x9: {  	s23 =	simm.s32 $0x4100;
	s24 =	simm.s32 $0xC400;
	s28 =	simm.s32 $0x4300  }
0xa: {  	s29 =	simm.s32 $0x0;
	s14 =	sand.u32 $0x1, s4;
	s25 =	sshll.u32 s1, $0x1  }
0xb: {  	[smem:$0x7FF] =	sst s3;
	s4 =	sadd.s32 $0x82400, s5;
	s12 =	sadd.s32 $0x2400, s5  }
0xc: {  	s16 =	sadd.s32 $0x42400, s5;
	s31 =	sshll.u32 s1, $0xD;
	s9 =	sor.u32 s14, s25  }
0xd: {  	_ =	strace $0x80000047;
	s11 =	ssub.s32 $0x2, s14;
	s14 =	sshll.u32 s14, $0xC  }
0xe: {  	s25 =	simm.s32 $0x1;
	s10 =	sshll.u32 s9, $0x6;
	s13 =	sshrl.u32 s11, $0x1  }
0xf: {  	s15 =	sshll.u32 s9, $0x9;
	s26 =	sshll.u32 s9, $0xD;
	s14 =	sor.u32 s14, s31  }
0x10: {  	s7 =	sadd.s32 s10, s5;
	s13 =	ssub.s32 s11, s13;
	s5 =	sadd.s32 s0, s15  }
0x11: {  	s6 =	sadd.s32 s6, s15;
	s8 =	sadd.s32 s8, s10;
	s9 =	sadd.s32 s12, s26  }
0x12: {  	s30 =	sor.u32 $0x1000, s26;
	s11 =	sadd.s32 s16, s26;
	s15 =	simm.s32 $0x3  }
0x13: {  	s26 =	simm.s32 $0x2;
	s7 =	sadd.s32 $0x1C00, s7;
	s10 =	sadd.s32 s12, s30  }
0x14: {  	v0 =	vlaneseq.u32;
	s12 =	sadd.s32 s16, s30;
	s13 =	smax.u32 s13, $0x1;
	s16 =	simm.s32 $0x1000  }
.LBB2_1:
0x15: {  	[tilespmem:s3], [sflag:$0x3] =	stream.linear.gather [hbm4b:s5+s3], $0x1000, $0x38;
	[tilespmem:$0x14400] =	vst v63  }
0x16: {  	_ =	swait.ge [sflag:s15], $0x1000  }
0x17: {  	[sflag:s15] =	ssyncset.done $0x0  }
0x18: {  	[sflag:s15] =	ssyncadd.s32 $0xFFFFF000  }
0x19: {  	[tilespmem:s16], [sflag:$0x3] =	stream.linear.gather [hbm4b:s6+s3], $0x1000, $0x38;
	[tilespmem:$0x14400] =	vst v63  }
0x1a: {  	_ =	swait.ge [sflag:s15], $0x1000  }
0x1b: {  	[sflag:s15] =	ssyncset.done $0x0  }
0x1c: {  	s30 =	simm.s32 $0x0;
	[sflag:s15] =	ssyncadd.s32 $0xFFFFF000  }
0x1d: {  	v2 =	vor.u32 s14, v0;
	v1 =	vld [tilespmem:s30+$0x0]  }
0x1e: {  	[tilespmem:s30+$0x3000] =	vst v2;
	v2 =	vld [tilespmem:s30+$0x1000];
	_ =	sdelay $0x2  }
0x1f: {  	s31 =	simm.s32 $0x40;
	s0 =	sadd.s32 $0x10, s14  }
.LBB2_2:
0x20: {  	s1 =	sshra.s32 s31, $0x2;
	v3 =	vor.u32 s0, v0;
	p0 =	sne.s32 s31, $0x3FC0;
	s31 =	sadd.s32 $0x40, s31;
	v4 =	vshll.u32 v1, $0xC  }
.Ltmp0:
0x21: {  	v1 =	vld [tilespmem:s1+$0x0];
	[tilespmem:s1+$0x3000] =	vst v3;
	v3 =	vadd.s32 v2, v4;
	(pc) =	sbr.rel @p0 .LBB2_2-.Ltmp0, $2  }
0x22: {  	v2 =	vld [tilespmem:s1+$0x1000];
	[tilespmem:s30+$0x2000] =	vst v3;
	s30 =	smov.u32 s1;
	_ =	sdelay $0x2  }
0x23: {  	s0 =	sadd.s32 $0x10, s0  }
0x24: {  	v1 =	vshll.u32 v1, $0xC  }
0x25: {  	v1 =	vadd.s32 v2, v1  }
0x26: {  	[tilespmem:s30+$0x2000] =	vst v1  }
0x27: {  	[hbm4b:s4+s16] =	stream.indirect.scatter [tilespmem:s18], [sflag:$0x3], $0x1, s17, s16, $0xb8;
	[tilespmem:$0x14400] =	vst v63  }
0x28: {  	_ =	swait.ge [sflag:s15], $0x1000  }
0x29: {  	[sflag:s15] =	ssyncset.done $0x0  }
0x2a: {  	[sflag:s15] =	ssyncadd.s32 $0xFFFFF000  }
0x2b: {  	[tilespmem:s19], [sflag:$0x3] =	stream.linear.gather [hbm4b:s7+s3], $0x200, $0x38;
	[tilespmem:$0x14400] =	vst v63  }
0x2c: {  	_ =	swait.ge [sflag:s15], $0x200  }
0x2d: {  	[sflag:s15] =	ssyncset.done $0x0  }
0x2e: {  	[sflag:s15] =	ssyncadd.s32 $0xFFFFFE00  }
0x2f: {  	[tilespmem:s20], [sflag:$0x3] =	stream.linear.gather [hbm4b:s8+s3], $0x200, $0x38;
	[tilespmem:$0x14400] =	vst v63  }
0x30: {  	_ =	swait.ge [sflag:s15], $0x200  }
0x31: {  	[sflag:s15] =	ssyncset.done $0x0  }
0x32: {  	[sflag:s15] =	ssyncadd.s32 $0xFFFFFE00  }
0x33: {  	[tilespmem:s22], [sflag:$0x1] =	stream.indirect.gather [hbm4b:s2+s21], $0x80, s19, s21, $0xb8;
	[tilespmem:$0x14400] =	vst v63  }
0x34: {  	_ = 	snop  }
0x35: {  	[tilespmem:s24], [sflag:$0x2] =	stream.indirect.gather [hbm4b:s2+s21], $0x80, s23, s21, $0xb8;
	[tilespmem:$0x14400] =	vst v63  }
0x36: {  	_ =	swait.ge [sflag:s25], $0x8000  }
0x37: {  	[sflag:s25] =	ssyncset.done $0x0  }
0x38: {  	[sflag:s25] =	ssyncadd.s32 $0xFFFF8000  }
0x39: {  	[hbm4b:s9+s3] =	stream.linear.scatter [tilespmem:s22], [sflag:$0x3], $0x8000, $0x38;
	[tilespmem:$0x14400] =	vst v63  }
0x3a: {  	_ =	swait.ge [sflag:s15], $0x8000  }
0x3b: {  	[sflag:s15] =	ssyncset.done $0x0  }
0x3c: {  	[sflag:s15] =	ssyncadd.s32 $0xFFFF8000  }
0x3d: {  	_ =	swait.ge [sflag:s26], $0x8000  }
0x3e: {  	[sflag:s26] =	ssyncset.done $0x0  }
0x3f: {  	[sflag:s26] =	ssyncadd.s32 $0xFFFF8000  }
0x40: {  	[hbm4b:s10+s3] =	stream.linear.scatter [tilespmem:s24], [sflag:$0x3], $0x8000, $0x38;
	[tilespmem:$0x14400] =	vst v63  }
0x41: {  	_ =	swait.ge [sflag:s15], $0x8000  }
0x42: {  	[sflag:s15] =	ssyncset.done $0x0  }
0x43: {  	[sflag:s15] =	ssyncadd.s32 $0xFFFF8000  }
0x44: {  	[tilespmem:s22], [sflag:$0x1] =	stream.indirect.gather [hbm4b:s2+s21], $0x80, s20, s21, $0xb8;
	[tilespmem:$0x14400] =	vst v63  }
0x45: {  	_ = 	snop  }
0x46: {  	[tilespmem:s24], [sflag:$0x2] =	stream.indirect.gather [hbm4b:s2+s21], $0x80, s28, s21, $0xb8;
	[tilespmem:$0x14400] =	vst v63  }
0x47: {  	_ =	swait.ge [sflag:s25], $0x8000  }
0x48: {  	[sflag:s25] =	ssyncset.done $0x0  }
0x49: {  	[sflag:s25] =	ssyncadd.s32 $0xFFFF8000  }
0x4a: {  	[hbm4b:s11+s3] =	stream.linear.scatter [tilespmem:s22], [sflag:$0x3], $0x8000, $0x38;
	[tilespmem:$0x14400] =	vst v63  }
0x4b: {  	_ =	swait.ge [sflag:s15], $0x8000  }
0x4c: {  	[sflag:s15] =	ssyncset.done $0x0  }
0x4d: {  	[sflag:s15] =	ssyncadd.s32 $0xFFFF8000  }
0x4e: {  	s29 =	sadd.s32 $0x1, s29;
	_ =	swait.ge [sflag:s26], $0x8000  }
0x4f: {  	p0 =	sne.s32 s29, s13;
	[sflag:s26] =	ssyncset.done $0x0  }
.Ltmp1:
0x50: {  	[sflag:s26] =	ssyncadd.s32 $0xFFFF8000;
	(pc) =	sbr.rel @p0 .LBB2_1-.Ltmp1, $4  }
0x51: {  	[hbm4b:s12+s3] =	stream.linear.scatter [tilespmem:s24], [sflag:$0x3], $0x8000, $0x38;
	[tilespmem:$0x14400] =	vst v63  }
0x52: {  	_ =	swait.ge [sflag:s15], $0x8000  }
0x53: {  	[sflag:s15] =	ssyncset.done $0x0  }
0x54: {  	[sflag:s15] =	ssyncadd.s32 $0xFFFF8000  }
0x55: {  	_ =	sfence.sel $0x180000  }
0x56: {  	[bflag:$0x0] =	sbarrier.arrive $0xFFFF  }
0x57: {  	_ =	strace $0x90000047  }
0x58: {  	s0 =	stileid.u32;
	[bflag:$0x2] =	sbarrier.arrive $0xFFFF  }
0x59: {  	p0 =	sne.s32 s0, $0x0;
	s0 =	rddreg [dreg:$0x5]  }
0x5a: {  	s0 =	sadd.s32 @!p0 $0x100000, s0  }
0x5b: {  	[sflag:s0] =	ssyncadd.tile.s32 @!p0 $0x1;
	_ =	shalt  }
.Lfunc_end2:
_tile_overlayer_lowered:
.L_overlay_start_2:
0x5c: {  	(tag) =	ssettag $0x2  }
0x5d: {  	s0 =	rddreg [dreg:$0x0];
	s2 =	stileid.u32  }
0x5e: {  	s1 =	rddreg [dreg:$0x1];
	p0 =	sne.s32 s2, $0x0  }
0x5f: {  	s3 =	rddreg [dreg:$0x2];
	[bflag:$0x3] =	sbarrier.arrive $0xFFFF;
	s2 =	simm.s32 @!p0 $0x1C03  }
0x60: {  	[timem:s3], [sflag:s2] =	dma.local @!p0 [hbm:s0], s1  }
0x61: {  	s0 =	simm.s32 @!p0 $0x3  }
0x62: {  	_ =	swait.ge @!p0 [sflag:s0], s1  }
0x63: {  	s1 =	ssub.s32 @!p0 $0x0, s1;
	[sflag:s0] =	ssyncset.done @!p0 $0x0  }
0x64: {  	[sflag:s0] =	ssyncadd.s32 @!p0 s1  }
0x65: {  	[bflag:$0x3] =	sbarrier.arrive $0xFFFF  }
0x66: {  	_ =	shalt  }

// kernel: sc2_dedup.3.cloned.1.call-start
scs
__scs_entry_jumppad:
0x0: {  	(pc) =	sbr.rel $0x88, $3  }
0x1: {  	(tag) =	ssettag $0x0;
	lr =	simm.s32 $0x1  }
0x2: {  	[smem:$0x3F8F] =	sst lr;
	_ =	strace $0xD0000000  }
0x3: {  	_ = 	snop  }
0x4: {  	_ = 	snop  }
0x5: {  	_ = 	snop  }
0x6: {  	_ = 	snop  }
0x7: {  	_ = 	snop  }
__scs_overlays_trampoline_lowered:
0x8: {  	[smem:$0x3F9E] =	sst s0  }
0x9: {  	[smem:$0x3F9F] =	sst s1  }
0xa: {  	[smem:$0x3FA0] =	sst s2  }
0xb: {  	[smem:$0x3FA1] =	sst s3  }
0xc: {  	[smem:$0x3FA2] =	sst s4  }
0xd: {  	[smem:$0x3FA3] =	sst s5  }
0xe: {  	[smem:$0x3FA4] =	sst s6  }
0xf: {  	[smem:$0x3FA5] =	sst s7  }
0x10: {  	[smem:$0x3FA6] =	sst s8  }
0x11: {  	[smem:$0x3FA7] =	sst s9;
	s0 =	simm.s32 @!p0 $0x0  }
0x12: {  	s1 =	sld [smem:$0x3F8D];
	s0 =	simm.s32 @p0 $0x1  }
0x13: {  	[smem:$0x3FA8] =	sst s0;
	s0 =	simm.s32 @!p1 $0x0  }
0x14: {  	s2 =	sld [smem:$0x3F8C];
	s0 =	simm.s32 @p1 $0x1  }
0x15: {  	[smem:$0x3FA9] =	sst s0;
	s0 =	simm.s32 @!p2 $0x0  }
0x16: {  	s3 =	sld [smem:$0x3FDB];
	s0 =	simm.s32 @p2 $0x1  }
0x17: {  	s4 =	simm.s32 $0x1BF5;
	[smem:$0x3FAB] =	sst s0  }
0x18: {  	s0 =	sld [smem:$0x3F8E];
	_ =	swait.ge [sflag:s4], $0x0  }
0x19: {  	s7 =	sld [smem:$0x3F8F]  }
0x1a: {  	s8 =	sadd.s32 $0xFFFFE003, lr  }
0x1b: {  	s9 =	sadd.s32 $0xFFFFFEF7, lr;
	s5 =	simm.s32 $0xFFFFFFFF;
	p2 =	slt.u32 s8, $0xFFFFF086  }
0x1c: {  	p1 =	slt.u32 s9, $0xF7A;
	s5 =	simm.s32 @!p2 $0x0  }
0x1d: {  	s5 =	simm.s32 @p1 $0x1;
	p0 =	seq.s32 s7, s2  }
0x1e: {  	s7 =	smul.u32 @!p0 $0xF7A, s2;
	p2 =	seq.s32 @!p0 s5, $0x0  }
0x1f: {  	s9 =	smul.u32 $0xF7A, s1;
	s8 =	simm.s32 @!p0 $0x1BF5;
	p2 =	por !p2, p0  }
0x20: {  	[sflag:s8] =	ssyncset.s32 @!p0 $0xFFFFF086;
	s6 =	sadd.s32 @!p0 s3, s7;
	s7 =	simm.s32 @!p0 $0x108  }
0x21: {  	s3 =	sadd.s32 s3, s9;
	s6 =	sadd.s32 @!p0 $0x88, s6;
	s7 =	simm.s32 @p2 $0x1082  }
0x22: {  	[simem:s7], [sflag:s8] =	dma.local @!p0 [hbm:s6], $0xF7A  }
0x23: {  	s9 =	sor.u32 $0xD0000000, s2;
	s6 =	simm.s32 $0x108;
	_ =	swait.ge @!p0 [sflag:s8], $0x0  }
0x24: {  	s3 =	sadd.s32 $0x88, s3;
	s6 =	simm.s32 @!p1 $0x1082;
	[sflag:s4] =	ssyncset.s32 $0xFFFFF086  }
0x25: {  	[simem:s6], [sflag:s4] =	dma.local [hbm:s3], $0xF7A  }
0x26: {  	[smem:$0x3F8F] =	sst s1;
	(tag) =	ssettag s2;
	_ =	strace s9  }
0x27: {  	s1 =	sld [smem:$0x3F9F]  }
0x28: {  	s2 =	sld [smem:$0x3FA0]  }
0x29: {  	s4 =	sld [smem:$0x3FA2]  }
0x2a: {  	p0 =	seq.s32 s5, $0x0;
	s5 =	sld [smem:$0x3FA3]  }
0x2b: {  	s6 =	sld [smem:$0x3FA4]  }
0x2c: {  	s7 =	sld [smem:$0x3FA5]  }
0x2d: {  	s3 =	simm.s32 $0x108;
	s8 =	sld [smem:$0x3FA6]  }
0x2e: {  	s3 =	simm.s32 @!p0 $0x1082;
	s9 =	sld [smem:$0x3FA7]  }
0x2f: {  	lr =	sadd.s32 s0, s3;
	s0 =	sld [smem:$0x3F9E]  }
0x30: {  	s3 =	sld [smem:$0x3FA1]  }
0x31: {  	[smem:$0x3FAA] =	sst s10  }
0x32: {  	s10 =	sld [smem:$0x3FA8];
	_ =	sdelay $0x3  }
0x33: {  	p0 =	seq.s32 s10, $0x1;
	s10 =	sld [smem:$0x3FAA];
	_ =	sdelay $0x3  }
0x34: {  	[smem:$0x3FAA] =	sst s10  }
0x35: {  	s10 =	sld [smem:$0x3FA9];
	_ =	sdelay $0x3  }
0x36: {  	p1 =	seq.s32 s10, $0x1;
	s10 =	sld [smem:$0x3FAA];
	_ =	sdelay $0x3  }
0x37: {  	[smem:$0x3FAA] =	sst s10  }
0x38: {  	s10 =	sld [smem:$0x3FAB]  }
0x39: {  	_ = 	snop;
	(pc) =	sbr.ind lr, $3  }
0x3a: {  	_ = 	snop  }
0x3b: {  	_ = 	snop  }
0x3c: {  	p2 =	seq.s32 s10, $0x1;
	s10 =	sld [smem:$0x3FAA]  }
0x3d: {  	_ =	shalt  }
0x3e: {  	_ =	shalt  }
0x3f: {  	_ =	shalt  }
0x40: {  	_ =	shalt  }
0x41: {  	_ =	shalt  }
0x42: {  	_ =	shalt  }
0x43: {  	_ =	shalt  }
0x44: {  	_ =	shalt  }
0x45: {  	_ =	shalt  }
0x46: {  	_ =	shalt  }
0x47: {  	_ =	shalt  }
0x48: {  	_ =	shalt  }
0x49: {  	_ =	shalt  }
0x4a: {  	_ =	shalt  }
0x4b: {  	_ =	shalt  }
0x4c: {  	_ =	shalt  }
0x4d: {  	_ =	shalt  }
0x4e: {  	_ =	shalt  }
0x4f: {  	_ =	shalt  }
0x50: {  	_ =	shalt  }
0x51: {  	_ =	shalt  }
0x52: {  	_ =	shalt  }
0x53: {  	_ =	shalt  }
0x54: {  	_ =	shalt  }
0x55: {  	_ =	shalt  }
0x56: {  	_ =	shalt  }
0x57: {  	_ =	shalt  }
0x58: {  	_ =	shalt  }
0x59: {  	_ =	shalt  }
0x5a: {  	_ =	shalt  }
0x5b: {  	_ =	shalt  }
0x5c: {  	_ =	shalt  }
0x5d: {  	_ =	shalt  }
0x5e: {  	_ =	shalt  }
0x5f: {  	_ =	shalt  }
0x60: {  	_ =	shalt  }
0x61: {  	_ =	shalt  }
0x62: {  	_ =	shalt  }
0x63: {  	_ =	shalt  }
0x64: {  	_ =	shalt  }
0x65: {  	_ =	shalt  }
0x66: {  	_ =	shalt  }
0x67: {  	_ =	shalt  }
0x68: {  	_ =	shalt  }
0x69: {  	_ =	shalt  }
0x6a: {  	_ =	shalt  }
0x6b: {  	_ =	shalt  }
0x6c: {  	_ =	shalt  }
0x6d: {  	_ =	shalt  }
0x6e: {  	_ =	shalt  }
0x6f: {  	_ =	shalt  }
0x70: {  	_ =	shalt  }
0x71: {  	_ =	shalt  }
0x72: {  	_ =	shalt  }
0x73: {  	_ =	shalt  }
0x74: {  	_ =	shalt  }
0x75: {  	_ =	shalt  }
0x76: {  	_ =	shalt  }
0x77: {  	_ =	shalt  }
0x78: {  	_ =	shalt  }
0x79: {  	_ =	shalt  }
0x7a: {  	_ =	shalt  }
0x7b: {  	_ =	shalt  }
0x7c: {  	_ =	shalt  }
0x7d: {  	_ =	shalt  }
0x7e: {  	_ =	shalt  }
0x7f: {  	_ =	shalt  }
0x80: {  	_ =	shalt  }
0x81: {  	_ =	shalt  }
0x82: {  	_ =	shalt  }
0x83: {  	_ =	shalt  }
0x84: {  	_ =	shalt  }
0x85: {  	_ =	shalt  }
0x86: {  	_ =	shalt  }
0x87: {  	_ =	shalt  }
.Lfunc_end0:
.L_simem_size_0:
called_computation.1_lowered:
.L_overlay_start_0:
0x88: {  	s2 =	sld [smem:$0x3FD9]  }
0x89: {  	s3 =	sld [smem:$0x3FFE];
	_ =	sdelay $0x1  }
0x8a: {  	s1 =	srdreg.scid  }
0x8b: {  	s0 =	sand.u32 $0x1, s1  }
0x8c: {  	s17 =	sshll.u32 s0, $0xA;
	s2 =	sadd.s32 s3, s2  }
0x8d: {  	s2 =	sadd.s32 s2, s17  }
0x8e: {  	[smem:$0x3FB6] =	sst s2  }
0x8f: {  	_ = 	snop  }
0x90: {  	s2 =	sld [smem:$0x3FC7]  }
0x91: {  	s18 =	sld [smem:$0x3FC6]  }
0x92: {  	s4 =	sld [smem:$0x3FC5]  }
0x93: {  	s5 =	sld [smem:$0x3FD0];
	(tm) =	ssettm $0x1  }
0x94: {  	s6 =	sld [smem:$0x3FFB];
	_ =	sdelay $0x3  }
0x95: {  	_ =	strace s6  }
0x96: {  	s6 =	sld [smem:$0x3FFC];
	_ =	sdelay $0x3  }
0x97: {  	_ =	strace s6  }
0x98: {  	s6 =	sld [smem:$0x3FFD];
	_ =	sdelay $0x3  }
0x99: {  	_ =	strace s6  }
0x9a: {  	_ =	strace $0x8FFFFFFF  }
0x9b: {  	s19 =	sld [smem:$0x3FDB];
	_ =	sdelay $0x1  }
0x9c: {  	s7 =	simm.s32 $_scs_section_size  }
0x9d: {  	s8 =	simm.s32 $_size__tile_overlayer_lowered;
	s9 =	simm.s32 $_tile_overlayer_lowered  }
0x9e: {  	s22 =	simm.s32 $0x1BFF;
	s21 =	sshll.u32 s9, $0x1;
	s6 =	sadd.s32 s7, s19  }
0x9f: {  	s10 =	simm.s32 $0x0;
	s20 =	sshll.u32 s8, $0x1;
	s8 =	sadd.s32 s21, s6  }
0xa0: {  	[timem:s10], [sflag:s22] =	dma.local [hbm:s8], s20  }
0xa1: {  	_ =	swait.ge [sflag:s22], s20  }
0xa2: {  	s7 =	ssub.s32 $0x0, s20;
	[sflag:s22] =	ssyncset.done $0x0  }
0xa3: {  	[sflag:s22] =	ssyncadd.s32 s7;
	_ =	sdelay $0x1  }
0xa4: {  	s23 =	simm.s32 $0x1B8B  }
0xa5: {  	_ =	swait.ge [sflag:s23], $0x1  }
0xa6: {  	[sflag:s23] =	ssyncset.done $0x0  }
0xa7: {  	s25 =	simm.s32 $0x1B8E;
	s24 =	sld [smem:$0x3FFE];
	[sflag:s23] =	ssyncadd.s32 $0xFFFFFFFF  }
0xa8: {  	s26 =	simm.s32 $execute0_lowered;
	[smem:$0x3FD2] =	sst s25  }
0xa9: {  	s8 =	sshll.u32 s26, $0x1;
	_ =	strace $0x80000049;
	[dreg:$0x1] =	wrdreg $0xFFFFFFFF  }
0xaa: {  	s28 =	simm.s32 $_size_execute0_lowered;
	s6 =	sadd.s32 s6, s8;
	[dreg:$0x0] =	wrdreg $0x0  }
0xab: {  	s8 =	sshll.u32 s28, $0x1;
	[dreg:$0x2] =	wrdreg s6  }
0xac: {  	[dreg:$0x3] =	wrdreg s8  }
0xad: {  	[dreg:$0x4] =	wrdreg $0xC0  }
0xae: {  	_ =	task [dreg:s10], $0x5FFFF  }
0xaf: {  	[dreg:$0x1] =	wrdreg $0xFFFFFFFF  }
0xb0: {  	[dreg:$0x0] =	wrdreg $0x60  }
0xb1: {  	[dreg:$0x2] =	wrdreg s2  }
0xb2: {  	[dreg:$0x3] =	wrdreg s18  }
0xb3: {  	[dreg:$0x4] =	wrdreg s4  }
0xb4: {  	[dreg:$0x5] =	wrdreg s24  }
0xb5: {  	[dreg:$0x6] =	wrdreg s5  }
0xb6: {  	[dreg:$0x7] =	wrdreg $0xC8000  }
0xb7: {  	[dreg:$0x8] =	wrdreg $0xE8000  }
0xb8: {  	[dreg:$0x9] =	wrdreg $0x9  }
0xb9: {  	_ =	task.clear_ibuf [dreg:s10], $0xAFFFF;
	_ =	strace $0x90000049  }
0xba: {  	s29 =	simm.s32 $0x9;
	_ =	strace $0x8000004B  }
0xbb: {  	_ =	swait.ge [sflag:s29], $0x1  }
0xbc: {  	[sflag:s29] =	ssyncadd.s32 $0xFFFFFFFF  }
0xbd: {  	_ =	strace $0x9000004B  }
0xbe: {  	_ =	sfence  }
0xbf: {  	s30 =	sld [smem:$0x0];
	_ =	sdelay $0x2  }
0xc0: {  	s31 =	sshll.u32 s1, $0xD;
	s1 =	sshrl.u32 s1, $0x2  }
0xc1: {  	s3 =	sand.u32 $0x4000, s31;
	s1 =	sadd.s32 s1, s30  }
0xc2: {  	s0 =	sor.u32 s3, s0;
	s1 =	sshll.u32 s1, $0x11  }
0xc3: {  	s0 =	sor.u32 s1, s0  }
0xc4: {  	s0 =	sadd.s32 $0x8F2B, s0  }
0xc5: {  	[sflag:s0] =	ssyncadd.remote.s32 $0x1  }
0xc6: {  	_ =	sfence.sel $0xFFFF  }
0xc7: {  	[dreg:$0x0] =	wrdreg $0xFFFFFFFF;
	(pc) =	sbr.abs _section_cstart, $3  }
0xc8: {  	[dreg:$0x1] =	wrdreg $0xFFFFFFFF  }
0xc9: {  	_ =	task.clear_ibuf [dreg:s10], $0x2FFFF;
	_ =	strace $0x9FFFFFFF  }
0xca: {  	(tm) =	ssettm $0x7FFFFFFF  }
0xcb: {  	_ =	shalt  }
tec
execute0_lowered:
.L_overlay_start_1:
0x0: {  	(tag) =	ssettag $0x1  }
0x1: {  	s14 =	rddreg [dreg:$0x0]  }
0x2: {  	s8 =	rddreg [dreg:$0x1]  }
0x3: {  	s15 =	rddreg [dreg:$0x2]  }
0x4: {  	s6 =	rddreg [dreg:$0x3]  }
0x5: {  	s10 =	rddreg [dreg:$0x4]  }
0x6: {  	s1 =	rddreg [dreg:$0x5]  }
0x7: {  	s2 =	rddreg [dreg:$0x6]  }
0x8: {  	s0 =	rddreg [dreg:$0x7];
	s3 =	simm.s32 $0x0;
	s4 =	srdreg.scid  }
0x9: {  	s20 =	simm.s32 $0x2000;
	s21 =	simm.s32 $0x4000;
	s22 =	simm.s32 $0x6000  }
0xa: {  	s23 =	simm.s32 $0x1;
	s24 =	simm.s32 $0x8000;
	s25 =	simm.s32 $0xA000  }
0xb: {  	s26 =	simm.s32 $0x0;
	[smem:$0x7FF] =	sst s3;
	s18 =	sand.u32 $0x1, s4  }
0xc: {  	s4 =	stileid.u32;
	s5 =	sadd.s32 $0x82400, s6;
	_ =	strace $0x8000004A  }
0xd: {  	s7 =	ssub.s32 $0x2, s18;
	s16 =	sshll.u32 s4, $0xA;
	s31 =	sshll.u32 s4, $0xD  }
0xe: {  	s11 =	sshll.u32 s4, $0x5;
	p0 =	sne.s32 s18, $0x0;
	s18 =	simm.s32 $0xC000  }
0xf: {  	s9 =	sshrl.u32 s7, $0x1;
	s17 =	sadd.s32 s16, s6;
	s30 =	sshrl.u32 s16, $0x2  }
.Ltmp0:
0x10: {  	s8 =	sadd.s32 s8, s16;
	s10 =	sadd.s32 s10, s11;
	(pc) =	sbr.rel .LBB2_1-.Ltmp0, $4  }
0x11: {  	s14 =	sadd.s32 s14, s16;
	s15 =	sadd.s32 s15, s16;
	s19 =	ssub.s32 s7, s9  }
0x12: {  	s6 =	sadd.s32 s30, s2;
	s7 =	sadd.s32 $0x282400, s17;
	s9 =	sadd.s32 s31, s1  }
0x13: {  	s16 =	sadd.s32 $0x286400, s17;
	s11 =	sadd.s32 $0x800, s9;
	s12 =	sadd.s32 $0x1000, s9  }
0x14: {  	v0 =	vimm.f32 $0.0e+00;
	s13 =	sadd.s32 $0x1800, s9;
	s17 =	smax.u32 s19, $0x1;
	s19 =	simm.s32 $0x2  }
.LBB2_7:
0x15: {  	[spmem:s6] =	stream.linear.scatter [tilespmem:s18], [sflag:$0x2], $0x100, $0x38;
	[tilespmem:$0xE900] =	vst v63  }
0x16: {  	_ =	swait.ge [sflag:s19], $0x100  }
0x17: {  	[sflag:s19] =	ssyncset.done $0x0  }
0x18: {  	[sflag:s19] =	ssyncadd.s32 $0xFFFFFF00  }
0x19: {  	[tilespmem:s24], [sflag:$0x2] =	stream.linear.gather [hbm4b:s7+s3], $0x2000, $0x38;
	[tilespmem:$0xE900] =	vst v63  }
0x1a: {  	_ =	swait.ge [sflag:s19], $0x2000  }
0x1b: {  	[sflag:s19] =	ssyncset.done $0x0  }
0x1c: {  	[sflag:s19] =	ssyncadd.s32 $0xFFFFE000  }
0x1d: {  	[tilespmem:s20], [sflag:$0x2] =	stream.linear.gather [hbm4b:s8+s3], $0x2000, $0x38;
	[tilespmem:$0xE900] =	vst v63  }
0x1e: {  	_ =	swait.ge [sflag:s19], $0x2000  }
0x1f: {  	[sflag:s19] =	ssyncset.done $0x0  }
0x20: {  	[sflag:s19] =	ssyncadd.s32 $0xFFFFE000  }
0x21: {  	[bflag:$0x0] =	sbarrier.arrive $0xFFFF  }
0x22: {  	[spmem:s2] =	stream.indirect.scatter.add.f32 [tilespmem:s24], [sflag:$0x2], $0x1, s20, s20, $0xb8;
	[tilespmem:$0xE900] =	vst v63  }
0x23: {  	_ =	swait.ge [sflag:s19], $0x2000  }
0x24: {  	[sflag:s19] =	ssyncset.done $0x0  }
0x25: {  	s28 =	sshll.u32 s4, $0x6;
	[sflag:s19] =	ssyncadd.s32 $0xFFFFE000  }
0x26: {  	s29 =	sshrl.u32 s6, $0x3;
	s28 =	sor.u32 $0x1C02, s28;
	[bflag:$0x0] =	sbarrier.arrive $0xFFFF  }
0x27: {  	[hbm:s10], [sflag:s28] =	dma.local [spmem:s29], $0x20  }
0x28: {  	_ =	swait.ge [sflag:s19], $0x20  }
0x29: {  	[sflag:s19] =	ssyncset.done $0x0  }
0x2a: {  	[sflag:s19] =	ssyncadd.s32 $0xFFFFFFE0  }
.LBB2_8:
0x2b: {  	s26 =	sadd.s32 $0x1, s26  }
0x2c: {  	p1 =	sne.s32 s26, s17  }
.Ltmp1:
0x2d: {  	_ = 	snop;
	(pc) =	sbr.rel @!p1 .LBB2_9-.Ltmp1, $1  }
0x2e: {  	_ =	sdelay $0x3  }
.LBB2_1:
0x2f: {  	s28 =	simm.s32 $0x40;
	s29 =	simm.s32 $0x0  }
.LBB2_2:
0x30: {  	p1 =	sne.s32 s28, $0x1FC0;
	[tilespmem:s29+$0xC000] =	vst v0;
	s29 =	smov.u32 s28;
	s28 =	sadd.s32 $0x40, s28  }
.Ltmp2:
0x31: {  	(pc) =	sbr.rel @p1 .LBB2_2-.Ltmp2, $2  }
0x32: {  	_ =	sdelay $0x2  }
0x33: {  	s29 =	sshra.s32 s29, $0x2  }
.Ltmp3:
0x34: {  	(pc) =	sbr.rel @p0 .LBB2_7-.Ltmp3, $2  }
0x35: {  	_ =	sdelay $0x2  }
0x36: {  	[tilespmem:s29+$0xC000] =	vst v0  }
0x37: {  	[spmem:s9] =	stream.linear.scatter [tilespmem:s18], [sflag:$0x2], $0x800, $0x38;
	[tilespmem:$0xE900] =	vst v63  }
0x38: {  	_ =	swait.ge [sflag:s19], $0x800  }
0x39: {  	[sflag:s19] =	ssyncset.done $0x0  }
0x3a: {  	[sflag:s19] =	ssyncadd.s32 $0xFFFFF800  }
0x3b: {  	[spmem:s11] =	stream.linear.scatter [tilespmem:s18], [sflag:$0x2], $0x800, $0x38;
	[tilespmem:$0xE900] =	vst v63  }
0x3c: {  	_ =	swait.ge [sflag:s19], $0x800  }
0x3d: {  	[sflag:s19] =	ssyncset.done $0x0  }
0x3e: {  	[sflag:s19] =	ssyncadd.s32 $0xFFFFF800  }
0x3f: {  	[spmem:s12] =	stream.linear.scatter [tilespmem:s18], [sflag:$0x2], $0x800, $0x38;
	[tilespmem:$0xE900] =	vst v63  }
0x40: {  	_ =	swait.ge [sflag:s19], $0x800  }
0x41: {  	[sflag:s19] =	ssyncset.done $0x0  }
0x42: {  	[sflag:s19] =	ssyncadd.s32 $0xFFFFF800  }
0x43: {  	[spmem:s13] =	stream.linear.scatter [tilespmem:s18], [sflag:$0x2], $0x800, $0x38;
	[tilespmem:$0xE900] =	vst v63  }
0x44: {  	_ =	swait.ge [sflag:s19], $0x800  }
0x45: {  	[sflag:s19] =	ssyncset.done $0x0  }
0x46: {  	s28 =	simm.s32 $0x0;
	[sflag:s19] =	ssyncadd.s32 $0xFFFFF800  }
0x47: {  	[tilespmem:s28], [sflag:$0x2] =	stream.linear.gather [hbm4b:s14+s28], $0x2000, $0x38;
	[tilespmem:$0xE900] =	vst v63  }
0x48: {  	_ =	swait.ge [sflag:s19], $0x2000  }
0x49: {  	[sflag:s19] =	ssyncset.done $0x0  }
0x4a: {  	[sflag:s19] =	ssyncadd.s32 $0xFFFFE000  }
0x4b: {  	[tilespmem:s20], [sflag:$0x2] =	stream.linear.gather [hbm4b:s8+s28], $0x2000, $0x38;
	[tilespmem:$0xE900] =	vst v63  }
0x4c: {  	_ =	swait.ge [sflag:s19], $0x2000  }
0x4d: {  	[sflag:s19] =	ssyncset.done $0x0  }
0x4e: {  	s28 =	simm.s32 $0x0;
	[sflag:s19] =	ssyncadd.s32 $0xFFFFE000  }
0x4f: {  	v1 =	vld [tilespmem:s28+$0x0]  }
0x50: {  	s29 =	simm.s32 $0x40;
	v2 =	vld [tilespmem:s28+$0x2000]  }
.LBB2_5:
0x51: {  	p1 =	sne.s32 s29, $0x7FC0  }
.Ltmp4:
0x52: {  	_ = 	snop;
	(pc) =	sbr.rel @p1 .LBB2_5-.Ltmp4, $4  }
0x53: {  	_ = 	snop  }
0x54: {  	s30 =	sshra.s32 s29, $0x2;
	s29 =	sadd.s32 $0x40, s29;
	v3 =	vshll.u32 v1, $0xC  }
0x55: {  	v1 =	vld [tilespmem:s30+$0x0];
	v3 =	vadd.s32 v2, v3  }
0x56: {  	v2 =	vld [tilespmem:s30+$0x2000];
	[tilespmem:s28+$0x4000] =	vst v3;
	s28 =	smov.u32 s30  }
0x57: {  	_ =	sdelay $0x2  }
0x58: {  	v1 =	vshll.u32 v1, $0xC  }
0x59: {  	v1 =	vadd.s32 v2, v1  }
0x5a: {  	[tilespmem:s28+$0x4000] =	vst v1  }
0x5b: {  	[tilespmem:s22], [sflag:$0x1] =	stream.indirect.gather [hbm4b:s5+s20], $0x1, s21, s20, $0xb8;
	[tilespmem:$0xE900] =	vst v63  }
0x5c: {  	_ =	swait.ge [sflag:s23], $0x2000  }
0x5d: {  	[sflag:s23] =	ssyncset.done $0x0  }
0x5e: {  	[sflag:s23] =	ssyncadd.s32 $0xFFFFE000  }
0x5f: {  	[tilespmem:s24], [sflag:$0x2] =	stream.linear.gather [hbm4b:s15+s3], $0x2000, $0x38;
	[tilespmem:$0xE900] =	vst v63  }
0x60: {  	_ =	swait.ge [sflag:s19], $0x2000  }
0x61: {  	[sflag:s19] =	ssyncset.done $0x0  }
0x62: {  	[sflag:s19] =	ssyncadd.s32 $0xFFFFE000  }
0x63: {  	[bflag:$0x0] =	sbarrier.arrive $0xFFFF  }
0x64: {  	[spmem:s1] =	stream.indirect.scatter.add.f32 [tilespmem:s24], [sflag:$0x2], $0x1, s22, s20, $0xb8;
	[tilespmem:$0xE900] =	vst v63  }
0x65: {  	_ =	swait.ge [sflag:s19], $0x2000  }
0x66: {  	[sflag:s19] =	ssyncset.done $0x0  }
0x67: {  	[sflag:s19] =	ssyncadd.s32 $0xFFFFE000  }
0x68: {  	[bflag:$0x0] =	sbarrier.arrive $0xFFFF  }
0x69: {  	[tilespmem:s25], [sflag:$0x1] =	stream.indirect.gather [spmem:s1], $0x1, s22, s20, $0xb8;
	[tilespmem:$0xE900] =	vst v63  }
0x6a: {  	_ =	swait.ge [sflag:s23], $0x2000  }
0x6b: {  	[sflag:s23] =	ssyncset.done $0x0  }
.Ltmp5:
0x6c: {  	[sflag:s23] =	ssyncadd.s32 $0xFFFFE000;
	(pc) =	sbr.rel .LBB2_8-.Ltmp5, $4  }
0x6d: {  	[hbm4b:s16+s3] =	stream.linear.scatter [tilespmem:s25], [sflag:$0x2], $0x2000, $0x38;
	[tilespmem:$0xE900] =	vst v63  }
0x6e: {  	_ =	swait.ge [sflag:s19], $0x2000  }
0x6f: {  	[sflag:s19] =	ssyncset.done $0x0  }
0x70: {  	[sflag:s19] =	ssyncadd.s32 $0xFFFFE000  }
.LBB2_9:
0x71: {  	_ =	sfence.sel $0x180000  }
0x72: {  	[bflag:$0x0] =	sbarrier.arrive $0xFFFF  }
0x73: {  	p0 =	sne.s32 s4, $0x0;
	_ =	strace $0x9000004A  }
0x74: {  	s0 =	sadd.s32 @!p0 $0x100000, s0;
	[bflag:$0x2] =	sbarrier.arrive $0xFFFF  }
0x75: {  	[sflag:s0] =	ssyncadd.tile.s32 @!p0 $0x1;
	_ =	shalt  }
.Lfunc_end2:
_tile_overlayer_lowered:
.L_overlay_start_2:
0x76: {  	(tag) =	ssettag $0x2  }
0x77: {  	s0 =	rddreg [dreg:$0x0];
	s2 =	stileid.u32  }
0x78: {  	s1 =	rddreg [dreg:$0x1];
	p0 =	sne.s32 s2, $0x0  }
0x79: {  	s3 =	rddreg [dreg:$0x2];
	[bflag:$0x3] =	sbarrier.arrive $0xFFFF;
	s2 =	simm.s32 @!p0 $0x1C02  }
0x7a: {  	[timem:s3], [sflag:s2] =	dma.local @!p0 [hbm:s0], s1  }
0x7b: {  	s0 =	simm.s32 @!p0 $0x2  }
0x7c: {  	_ =	swait.ge @!p0 [sflag:s0], s1  }
0x7d: {  	s1 =	ssub.s32 @!p0 $0x0, s1;
	[sflag:s0] =	ssyncset.done @!p0 $0x0  }
0x7e: {  	[sflag:s0] =	ssyncadd.s32 @!p0 s1  }
0x7f: {  	[bflag:$0x3] =	sbarrier.arrive $0xFFFF  }
0x80: {  	_ =	shalt  }

// kernel: sc3_final.3.cloned.1.call-start
scs
__scs_entry_jumppad:
0x0: {  	(pc) =	sbr.rel $0x88, $3  }
0x1: {  	(tag) =	ssettag $0x0;
	lr =	simm.s32 $0x1  }
0x2: {  	[smem:$0x3F8F] =	sst lr;
	_ =	strace $0xD0000000  }
0x3: {  	_ = 	snop  }
0x4: {  	_ = 	snop  }
0x5: {  	_ = 	snop  }
0x6: {  	_ = 	snop  }
0x7: {  	_ = 	snop  }
__scs_overlays_trampoline_lowered:
0x8: {  	[smem:$0x3F9E] =	sst s0  }
0x9: {  	[smem:$0x3F9F] =	sst s1  }
0xa: {  	[smem:$0x3FA0] =	sst s2  }
0xb: {  	[smem:$0x3FA1] =	sst s3  }
0xc: {  	[smem:$0x3FA2] =	sst s4  }
0xd: {  	[smem:$0x3FA3] =	sst s5  }
0xe: {  	[smem:$0x3FA4] =	sst s6  }
0xf: {  	[smem:$0x3FA5] =	sst s7  }
0x10: {  	[smem:$0x3FA6] =	sst s8  }
0x11: {  	[smem:$0x3FA7] =	sst s9;
	s0 =	simm.s32 @!p0 $0x0  }
0x12: {  	s1 =	sld [smem:$0x3F8D];
	s0 =	simm.s32 @p0 $0x1  }
0x13: {  	[smem:$0x3FA8] =	sst s0;
	s0 =	simm.s32 @!p1 $0x0  }
0x14: {  	s2 =	sld [smem:$0x3F8C];
	s0 =	simm.s32 @p1 $0x1  }
0x15: {  	[smem:$0x3FA9] =	sst s0;
	s0 =	simm.s32 @!p2 $0x0  }
0x16: {  	s3 =	sld [smem:$0x3FDB];
	s0 =	simm.s32 @p2 $0x1  }
0x17: {  	s4 =	simm.s32 $0x1BF5;
	[smem:$0x3FAB] =	sst s0  }
0x18: {  	s0 =	sld [smem:$0x3F8E];
	_ =	swait.ge [sflag:s4], $0x0  }
0x19: {  	s7 =	sld [smem:$0x3F8F]  }
0x1a: {  	s8 =	sadd.s32 $0xFFFFE003, lr  }
0x1b: {  	s9 =	sadd.s32 $0xFFFFFEF7, lr;
	s5 =	simm.s32 $0xFFFFFFFF;
	p2 =	slt.u32 s8, $0xFFFFF086  }
0x1c: {  	p1 =	slt.u32 s9, $0xF7A;
	s5 =	simm.s32 @!p2 $0x0  }
0x1d: {  	s5 =	simm.s32 @p1 $0x1;
	p0 =	seq.s32 s7, s2  }
0x1e: {  	s7 =	smul.u32 @!p0 $0xF7A, s2;
	p2 =	seq.s32 @!p0 s5, $0x0  }
0x1f: {  	s9 =	smul.u32 $0xF7A, s1;
	s8 =	simm.s32 @!p0 $0x1BF5;
	p2 =	por !p2, p0  }
0x20: {  	[sflag:s8] =	ssyncset.s32 @!p0 $0xFFFFF086;
	s6 =	sadd.s32 @!p0 s3, s7;
	s7 =	simm.s32 @!p0 $0x108  }
0x21: {  	s3 =	sadd.s32 s3, s9;
	s6 =	sadd.s32 @!p0 $0x88, s6;
	s7 =	simm.s32 @p2 $0x1082  }
0x22: {  	[simem:s7], [sflag:s8] =	dma.local @!p0 [hbm:s6], $0xF7A  }
0x23: {  	s9 =	sor.u32 $0xD0000000, s2;
	s6 =	simm.s32 $0x108;
	_ =	swait.ge @!p0 [sflag:s8], $0x0  }
0x24: {  	s3 =	sadd.s32 $0x88, s3;
	s6 =	simm.s32 @!p1 $0x1082;
	[sflag:s4] =	ssyncset.s32 $0xFFFFF086  }
0x25: {  	[simem:s6], [sflag:s4] =	dma.local [hbm:s3], $0xF7A  }
0x26: {  	[smem:$0x3F8F] =	sst s1;
	(tag) =	ssettag s2;
	_ =	strace s9  }
0x27: {  	s1 =	sld [smem:$0x3F9F]  }
0x28: {  	s2 =	sld [smem:$0x3FA0]  }
0x29: {  	s4 =	sld [smem:$0x3FA2]  }
0x2a: {  	p0 =	seq.s32 s5, $0x0;
	s5 =	sld [smem:$0x3FA3]  }
0x2b: {  	s6 =	sld [smem:$0x3FA4]  }
0x2c: {  	s7 =	sld [smem:$0x3FA5]  }
0x2d: {  	s3 =	simm.s32 $0x108;
	s8 =	sld [smem:$0x3FA6]  }
0x2e: {  	s3 =	simm.s32 @!p0 $0x1082;
	s9 =	sld [smem:$0x3FA7]  }
0x2f: {  	lr =	sadd.s32 s0, s3;
	s0 =	sld [smem:$0x3F9E]  }
0x30: {  	s3 =	sld [smem:$0x3FA1]  }
0x31: {  	[smem:$0x3FAA] =	sst s10  }
0x32: {  	s10 =	sld [smem:$0x3FA8];
	_ =	sdelay $0x3  }
0x33: {  	p0 =	seq.s32 s10, $0x1;
	s10 =	sld [smem:$0x3FAA];
	_ =	sdelay $0x3  }
0x34: {  	[smem:$0x3FAA] =	sst s10  }
0x35: {  	s10 =	sld [smem:$0x3FA9];
	_ =	sdelay $0x3  }
0x36: {  	p1 =	seq.s32 s10, $0x1;
	s10 =	sld [smem:$0x3FAA];
	_ =	sdelay $0x3  }
0x37: {  	[smem:$0x3FAA] =	sst s10  }
0x38: {  	s10 =	sld [smem:$0x3FAB]  }
0x39: {  	_ = 	snop;
	(pc) =	sbr.ind lr, $3  }
0x3a: {  	_ = 	snop  }
0x3b: {  	_ = 	snop  }
0x3c: {  	p2 =	seq.s32 s10, $0x1;
	s10 =	sld [smem:$0x3FAA]  }
0x3d: {  	_ =	shalt  }
0x3e: {  	_ =	shalt  }
0x3f: {  	_ =	shalt  }
0x40: {  	_ =	shalt  }
0x41: {  	_ =	shalt  }
0x42: {  	_ =	shalt  }
0x43: {  	_ =	shalt  }
0x44: {  	_ =	shalt  }
0x45: {  	_ =	shalt  }
0x46: {  	_ =	shalt  }
0x47: {  	_ =	shalt  }
0x48: {  	_ =	shalt  }
0x49: {  	_ =	shalt  }
0x4a: {  	_ =	shalt  }
0x4b: {  	_ =	shalt  }
0x4c: {  	_ =	shalt  }
0x4d: {  	_ =	shalt  }
0x4e: {  	_ =	shalt  }
0x4f: {  	_ =	shalt  }
0x50: {  	_ =	shalt  }
0x51: {  	_ =	shalt  }
0x52: {  	_ =	shalt  }
0x53: {  	_ =	shalt  }
0x54: {  	_ =	shalt  }
0x55: {  	_ =	shalt  }
0x56: {  	_ =	shalt  }
0x57: {  	_ =	shalt  }
0x58: {  	_ =	shalt  }
0x59: {  	_ =	shalt  }
0x5a: {  	_ =	shalt  }
0x5b: {  	_ =	shalt  }
0x5c: {  	_ =	shalt  }
0x5d: {  	_ =	shalt  }
0x5e: {  	_ =	shalt  }
0x5f: {  	_ =	shalt  }
0x60: {  	_ =	shalt  }
0x61: {  	_ =	shalt  }
0x62: {  	_ =	shalt  }
0x63: {  	_ =	shalt  }
0x64: {  	_ =	shalt  }
0x65: {  	_ =	shalt  }
0x66: {  	_ =	shalt  }
0x67: {  	_ =	shalt  }
0x68: {  	_ =	shalt  }
0x69: {  	_ =	shalt  }
0x6a: {  	_ =	shalt  }
0x6b: {  	_ =	shalt  }
0x6c: {  	_ =	shalt  }
0x6d: {  	_ =	shalt  }
0x6e: {  	_ =	shalt  }
0x6f: {  	_ =	shalt  }
0x70: {  	_ =	shalt  }
0x71: {  	_ =	shalt  }
0x72: {  	_ =	shalt  }
0x73: {  	_ =	shalt  }
0x74: {  	_ =	shalt  }
0x75: {  	_ =	shalt  }
0x76: {  	_ =	shalt  }
0x77: {  	_ =	shalt  }
0x78: {  	_ =	shalt  }
0x79: {  	_ =	shalt  }
0x7a: {  	_ =	shalt  }
0x7b: {  	_ =	shalt  }
0x7c: {  	_ =	shalt  }
0x7d: {  	_ =	shalt  }
0x7e: {  	_ =	shalt  }
0x7f: {  	_ =	shalt  }
0x80: {  	_ =	shalt  }
0x81: {  	_ =	shalt  }
0x82: {  	_ =	shalt  }
0x83: {  	_ =	shalt  }
0x84: {  	_ =	shalt  }
0x85: {  	_ =	shalt  }
0x86: {  	_ =	shalt  }
0x87: {  	_ =	shalt  }
.Lfunc_end0:
.L_simem_size_0:
called_computation.2_lowered:
.L_overlay_start_0:
0x88: {  	s2 =	sld [smem:$0x3FD9]  }
0x89: {  	s3 =	sld [smem:$0x3FFE];
	_ =	sdelay $0x1  }
0x8a: {  	s1 =	srdreg.scid  }
0x8b: {  	s0 =	sand.u32 $0x1, s1  }
0x8c: {  	s17 =	sshll.u32 s0, $0xA;
	s2 =	sadd.s32 s3, s2  }
0x8d: {  	s2 =	sadd.s32 s2, s17  }
0x8e: {  	[smem:$0x3FB6] =	sst s2  }
0x8f: {  	_ = 	snop  }
0x90: {  	s2 =	sld [smem:$0x3FC7]  }
0x91: {  	s18 =	sld [smem:$0x3FC6]  }
0x92: {  	s4 =	sld [smem:$0x3FC5]  }
0x93: {  	s5 =	sld [smem:$0x3FD0];
	(tm) =	ssettm $0x1  }
0x94: {  	s6 =	sld [smem:$0x3FFB];
	_ =	sdelay $0x3  }
0x95: {  	_ =	strace s6  }
0x96: {  	s6 =	sld [smem:$0x3FFC];
	_ =	sdelay $0x3  }
0x97: {  	_ =	strace s6  }
0x98: {  	s6 =	sld [smem:$0x3FFD];
	_ =	sdelay $0x3  }
0x99: {  	_ =	strace s6  }
0x9a: {  	_ =	strace $0x8FFFFFFF  }
0x9b: {  	s19 =	sld [smem:$0x3FDB];
	_ =	sdelay $0x1  }
0x9c: {  	s7 =	simm.s32 $_scs_section_size  }
0x9d: {  	s8 =	simm.s32 $_size__tile_overlayer_lowered;
	s9 =	simm.s32 $_tile_overlayer_lowered  }
0x9e: {  	s22 =	simm.s32 $0x1BFF;
	s21 =	sshll.u32 s9, $0x1;
	s6 =	sadd.s32 s7, s19  }
0x9f: {  	s10 =	simm.s32 $0x0;
	s20 =	sshll.u32 s8, $0x1;
	s8 =	sadd.s32 s21, s6  }
0xa0: {  	[timem:s10], [sflag:s22] =	dma.local [hbm:s8], s20  }
0xa1: {  	_ =	swait.ge [sflag:s22], s20  }
0xa2: {  	s7 =	ssub.s32 $0x0, s20;
	[sflag:s22] =	ssyncset.done $0x0  }
0xa3: {  	[sflag:s22] =	ssyncadd.s32 s7;
	_ =	sdelay $0x1  }
0xa4: {  	s23 =	simm.s32 $0x1B8B  }
0xa5: {  	_ =	swait.ge [sflag:s23], $0x1  }
0xa6: {  	[sflag:s23] =	ssyncset.done $0x0  }
0xa7: {  	s25 =	simm.s32 $0x1B8E;
	s24 =	sld [smem:$0x3FFE];
	[sflag:s23] =	ssyncadd.s32 $0xFFFFFFFF  }
0xa8: {  	s26 =	simm.s32 $execute0_lowered;
	[smem:$0x3FD2] =	sst s25  }
0xa9: {  	s8 =	sshll.u32 s26, $0x1;
	_ =	strace $0x8000004C;
	[dreg:$0x1] =	wrdreg $0xFFFFFFFF  }
0xaa: {  	s28 =	simm.s32 $_size_execute0_lowered;
	s6 =	sadd.s32 s6, s8;
	[dreg:$0x0] =	wrdreg $0x0  }
0xab: {  	s8 =	sshll.u32 s28, $0x1;
	[dreg:$0x2] =	wrdreg s6  }
0xac: {  	[dreg:$0x3] =	wrdreg s8  }
0xad: {  	[dreg:$0x4] =	wrdreg $0xC0  }
0xae: {  	_ =	task [dreg:s10], $0x5FFFF  }
0xaf: {  	[dreg:$0x1] =	wrdreg $0xFFFFFFFF  }
0xb0: {  	[dreg:$0x0] =	wrdreg $0x60  }
0xb1: {  	[dreg:$0x2] =	wrdreg s2  }
0xb2: {  	[dreg:$0x3] =	wrdreg s18  }
0xb3: {  	[dreg:$0x4] =	wrdreg s4  }
0xb4: {  	[dreg:$0x5] =	wrdreg s24  }
0xb5: {  	[dreg:$0x6] =	wrdreg s5  }
0xb6: {  	[dreg:$0x7] =	wrdreg $0xDF000  }
0xb7: {  	[dreg:$0x8] =	wrdreg $0xDE000  }
0xb8: {  	[dreg:$0x9] =	wrdreg $0xE0000  }
0xb9: {  	[dreg:$0xa] =	wrdreg $0x9  }
0xba: {  	_ =	task.clear_ibuf [dreg:s10], $0xBFFFF;
	_ =	strace $0x9000004C  }
0xbb: {  	s29 =	simm.s32 $0x9;
	_ =	strace $0x8000004E  }
0xbc: {  	_ =	swait.ge [sflag:s29], $0x1  }
0xbd: {  	[sflag:s29] =	ssyncadd.s32 $0xFFFFFFFF  }
0xbe: {  	_ =	strace $0x9000004E  }
0xbf: {  	_ =	sfence  }
0xc0: {  	s30 =	sld [smem:$0x0];
	_ =	sdelay $0x2  }
0xc1: {  	s31 =	sshll.u32 s1, $0xD;
	s1 =	sshrl.u32 s1, $0x2  }
0xc2: {  	s3 =	sand.u32 $0x4000, s31;
	s1 =	sadd.s32 s1, s30  }
0xc3: {  	s0 =	sor.u32 s3, s0;
	s1 =	sshll.u32 s1, $0x11  }
0xc4: {  	s0 =	sor.u32 s1, s0  }
0xc5: {  	s0 =	sadd.s32 $0x8F2B, s0  }
0xc6: {  	[sflag:s0] =	ssyncadd.remote.s32 $0x1  }
0xc7: {  	_ =	sfence.sel $0xFFFF  }
0xc8: {  	[dreg:$0x0] =	wrdreg $0xFFFFFFFF;
	(pc) =	sbr.abs _section_cstart, $3  }
0xc9: {  	[dreg:$0x1] =	wrdreg $0xFFFFFFFF  }
0xca: {  	_ =	task.clear_ibuf [dreg:s10], $0x2FFFF;
	_ =	strace $0x9FFFFFFF  }
0xcb: {  	(tm) =	ssettm $0x7FFFFFFF  }
tec
execute0_lowered:
.L_overlay_start_1:
0x0: {  	(tag) =	ssettag $0x1  }
0x1: {  	s0 =	rddreg [dreg:$0x0]  }
0x2: {  	s1 =	rddreg [dreg:$0x1]  }
0x3: {  	s2 =	rddreg [dreg:$0x2]  }
0x4: {  	s4 =	rddreg [dreg:$0x3]  }
0x5: {  	s5 =	rddreg [dreg:$0x4]  }
0x6: {  	s13 =	rddreg [dreg:$0x5]  }
0x7: {  	s14 =	rddreg [dreg:$0x6]  }
0x8: {  	s18 =	rddreg [dreg:$0x7];
	s3 =	simm.s32 $0x0  }
0x9: {  	s8 =	srdreg.scid;
	s23 =	simm.s32 $0x2;
	s25 =	simm.s32 $0x2000  }
0xa: {  	s30 =	simm.s32 $0x1;
	s28 =	simm.s32 $0xD200;
	s29 =	simm.s32 $0xCD80  }
0xb: {  	s31 =	simm.s32 $0x400;
	[smem:$0x7FF] =	sst s3;
	s7 =	sadd.s32 $0x28A600, s4  }
0xc: {  	s22 =	sand.u32 $0x1, s8;
	s8 =	sadd.s32 $0x28A800, s4;
	s9 =	sadd.s32 $0x28AA00, s4  }
0xd: {  	s3 =	stileid.u32;
	s10 =	sadd.s32 $0x28A400, s4;
	_ =	strace $0x8000004D  }
0xe: {  	s15 =	sshll.u32 s3, $0xA;
	s6 =	sshll.u32 s3, $0x5;
	s20 =	sshll.u32 s3, $0x7  }
0xf: {  	s11 =	ssub.s32 $0x2, s22;
	s17 =	sshll.u32 s3, $0x8;
	p0 =	sne.s32 s22, $0x0  }
0x10: {  	s16 =	sadd.s32 s15, s4;
	s12 =	sadd.s32 s6, s4;
	s19 =	sadd.s32 s20, s4  }
0x11: {  	s6 =	sadd.s32 $0x2400, s4;
	s26 =	sshrl.u32 s11, $0x1;
	s24 =	sadd.s32 s17, s14  }
0x12: {  	s14 =	sadd.s32 s1, s15;
	s20 =	sadd.s32 s5, s20;
	s1 =	simm.s32 $0xD600  }
.Ltmp0:
0x13: {  	s4 =	ssub.s32 s11, s26;
	s11 =	sadd.s32 s17, s13;
	(pc) =	sbr.rel .LBB2_1-.Ltmp0, $4  }
0x14: {  	s12 =	sadd.s32 $0x2E00, s12;
	s13 =	sadd.s32 s0, s15;
	s15 =	sadd.s32 s2, s15  }
0x15: {  	s16 =	sadd.s32 $0x286400, s16;
	s17 =	sadd.s32 s17, s18;
	s18 =	sadd.s32 $0x1C00, s19  }
0x16: {  	s19 =	sadd.s32 $0x2600, s19;
	s24 =	sshrl.u32 s24, $0x3;
	s26 =	simm.s32 $0xCE00  }
0x17: {  	v0 =	vimm.f32 $0.0e+00;
	s0 =	simm.s32 $0xDA00;
	s2 =	simm.s32 $0x0;
	s21 =	smax.u32 s4, $0x1  }
.LBB2_13:
0x18: {  	[bflag:$0x0] =	sbarrier.arrive $0xFFFF  }
0x19: {  	[bflag:$0x0] =	sbarrier.arrive $0xFFFF  }
0x1a: {  	[bflag:$0x0] =	sbarrier.arrive $0xFFFF  }
.LBB2_11:
0x1b: {  	s2 =	sadd.s32 $0x1, s2  }
0x1c: {  	p1 =	sne.s32 s2, s21  }
.Ltmp1:
0x1d: {  	_ = 	snop;
	(pc) =	sbr.rel @!p1 .LBB2_12-.Ltmp1, $1  }
0x1e: {  	_ =	sdelay $0x3  }
.LBB2_1:
0x1f: {  	s4 =	simm.s32 $0x40;
	s22 =	simm.s32 $0x0  }
.LBB2_2:
0x20: {  	p1 =	sne.s32 s4, $0x1FC0;
	[tilespmem:s22+$0xC000] =	vst v0;
	s22 =	smov.u32 s4;
	s4 =	sadd.s32 $0x40, s4  }
.Ltmp2:
0x21: {  	(pc) =	sbr.rel @p1 .LBB2_2-.Ltmp2, $2  }
0x22: {  	_ =	sdelay $0x2  }
0x23: {  	s22 =	sshra.s32 s22, $0x2  }
.Ltmp3:
0x24: {  	(pc) =	sbr.rel @p0 .LBB2_13-.Ltmp3, $2  }
0x25: {  	_ =	sdelay $0x2  }
0x26: {  	[tilespmem:s22+$0xC000] =	vst v0  }
0x27: {  	s4 =	simm.s32 $0xC000  }
0x28: {  	[spmem:s11] =	stream.linear.scatter [tilespmem:s4], [sflag:$0x2], $0x100, $0x38;
	[tilespmem:$0xE100] =	vst v63  }
0x29: {  	_ =	swait.ge [sflag:s23], $0x100  }
0x2a: {  	s5 =	sshll.u32 s3, $0x6;
	[sflag:s23] =	ssyncset.done $0x0  }
0x2b: {  	s4 =	sor.u32 $0x1C02, s5;
	[sflag:s23] =	ssyncadd.s32 $0xFFFFFF00  }
0x2c: {  	[spmem:s24], [sflag:s4] =	dma.local [hbm:s12], $0x20  }
0x2d: {  	_ =	swait.ge [sflag:s23], $0x20  }
0x2e: {  	[sflag:s23] =	ssyncset.done $0x0  }
0x2f: {  	s4 =	simm.s32 $0x0;
	[sflag:s23] =	ssyncadd.s32 $0xFFFFFFE0  }
0x30: {  	[tilespmem:s4], [sflag:$0x2] =	stream.linear.gather [hbm4b:s13+s4], $0x2000, $0x38;
	[tilespmem:$0xE100] =	vst v63  }
0x31: {  	_ =	swait.ge [sflag:s23], $0x2000  }
0x32: {  	[sflag:s23] =	ssyncset.done $0x0  }
0x33: {  	[sflag:s23] =	ssyncadd.s32 $0xFFFFE000  }
0x34: {  	[tilespmem:s25], [sflag:$0x2] =	stream.linear.gather [hbm4b:s14+s4], $0x2000, $0x38;
	[tilespmem:$0xE100] =	vst v63  }
0x35: {  	_ =	swait.ge [sflag:s23], $0x2000  }
0x36: {  	[sflag:s23] =	ssyncset.done $0x0  }
0x37: {  	s5 =	simm.s32 $0x4000;
	[sflag:s23] =	ssyncadd.s32 $0xFFFFE000  }
0x38: {  	[tilespmem:s5], [sflag:$0x2] =	stream.linear.gather [hbm4b:s15+s4], $0x2000, $0x38;
	[tilespmem:$0xE100] =	vst v63  }
0x39: {  	_ =	swait.ge [sflag:s23], $0x2000  }
0x3a: {  	[sflag:s23] =	ssyncset.done $0x0  }
0x3b: {  	s22 =	simm.s32 $0x6000;
	[sflag:s23] =	ssyncadd.s32 $0xFFFFE000  }
0x3c: {  	[tilespmem:s22], [sflag:$0x2] =	stream.linear.gather [hbm4b:s16+s4], $0x2000, $0x38;
	[tilespmem:$0xE100] =	vst v63  }
0x3d: {  	_ =	swait.ge [sflag:s23], $0x2000  }
0x3e: {  	[sflag:s23] =	ssyncset.done $0x0  }
0x3f: {  	[sflag:s23] =	ssyncadd.s32 $0xFFFFE000  }
0x40: {  	[bflag:$0x0] =	sbarrier.arrive $0xFFFF  }
0x41: {  	s22 =	simm.s32 $0xA000;
	s5 =	rddreg [dreg:$0x6]  }
0x42: {  	[tilespmem:s22], [sflag:$0x1] =	stream.indirect.gather [spmem:s5], $0x1, s25, s25, $0xb8;
	[tilespmem:$0xE100] =	vst v63  }
0x43: {  	_ =	swait.ge [sflag:s30], $0x2000  }
0x44: {  	[sflag:s30] =	ssyncset.done $0x0  }
0x45: {  	s4 =	simm.s32 $0x0;
	[sflag:s30] =	ssyncadd.s32 $0xFFFFE000  }
0x46: {  	v1 =	vld [tilespmem:s4+$0x4000]  }
0x47: {  	v2 =	vld [tilespmem:s4+$0x6000];
	_ =	sdelay $0x1  }
0x48: {  	v3 =	vld [tilespmem:s4+$0xA000]  }
0x49: {  	s22 =	simm.s32 $0x40  }
.LBB2_5:
0x4a: {  	s5 =	sshra.s32 s22, $0x2;
	p1 =	seq.s32 s22, $0x7FC0  }
.Ltmp4:
0x4b: {  	s22 =	sadd.s32 $0x40, s22;
	v4 =	vmul.f32 v2, v1;
	v1 =	vld [tilespmem:s5+$0x4000];
	(pc) =	sbr.rel @!p1 .LBB2_5-.Ltmp4, $4  }
0x4c: {  	v2 =	vld [tilespmem:s5+$0x6000]  }
0x4d: {  	v4 =	vmul.f32 v3, v4  }
0x4e: {  	v3 =	vld [tilespmem:s5+$0xA000]  }
0x4f: {  	[tilespmem:s4+$0x8000] =	vst v4;
	s4 =	smov.u32 s5  }
0x50: {  	_ = 	snop  }
0x51: {  	v1 =	vmul.f32 v2, v1;
	_ =	sdelay $0x1  }
0x52: {  	v1 =	vmul.f32 v3, v1;
	_ =	sdelay $0x1  }
0x53: {  	s5 =	rddreg [dreg:$0x5];
	s22 =	simm.s32 $0x8000;
	[tilespmem:s4+$0x8000] =	vst v1;
	s4 =	simm.s32 $0x0  }
0x54: {  	[spmem:s5] =	stream.indirect.scatter.add.f32 [tilespmem:s22], [sflag:$0x2], $0x1, s4, s25, $0xb8;
	[tilespmem:$0xE100] =	vst v63  }
0x55: {  	_ =	swait.ge [sflag:s23], $0x2000  }
0x56: {  	[sflag:s23] =	ssyncset.done $0x0  }
0x57: {  	[sflag:s23] =	ssyncadd.s32 $0xFFFFE000  }
0x58: {  	s22 =	simm.s32 $0xC800;
	[bflag:$0x0] =	sbarrier.arrive $0xFFFF  }
0x59: {  	[tilespmem:s22], [sflag:$0x2] =	stream.linear.gather [spmem:s11], $0x100, $0x38;
	[tilespmem:$0xE100] =	vst v63  }
0x5a: {  	_ =	swait.ge [sflag:s23], $0x100  }
0x5b: {  	[sflag:s23] =	ssyncset.done $0x0  }
0x5c: {  	s22 =	simm.s32 $0xCA00;
	[sflag:s23] =	ssyncadd.s32 $0xFFFFFF00  }
0x5d: {  	[tilespmem:s22], [sflag:$0x2] =	stream.linear.gather [hbm4b:s7+s4], $0x100, $0x38;
	[tilespmem:$0xE100] =	vst v63  }
0x5e: {  	_ =	swait.ge [sflag:s23], $0x100  }
0x5f: {  	[sflag:s23] =	ssyncset.done $0x0  }
0x60: {  	s22 =	simm.s32 $0xCB00;
	[sflag:s23] =	ssyncadd.s32 $0xFFFFFF00  }
0x61: {  	[tilespmem:s22], [sflag:$0x2] =	stream.linear.gather [hbm4b:s8+s4], $0x100, $0x38;
	[tilespmem:$0xE100] =	vst v63  }
0x62: {  	_ =	swait.ge [sflag:s23], $0x100  }
0x63: {  	[sflag:s23] =	ssyncset.done $0x0  }
0x64: {  	s22 =	simm.s32 $0xCC00;
	[sflag:s23] =	ssyncadd.s32 $0xFFFFFF00  }
0x65: {  	[tilespmem:s22], [sflag:$0x2] =	stream.linear.gather [hbm4b:s9+s4], $0x100, $0x38;
	[tilespmem:$0xE100] =	vst v63  }
0x66: {  	_ =	swait.ge [sflag:s23], $0x100  }
0x67: {  	[sflag:s23] =	ssyncset.done $0x0  }
0x68: {  	s22 =	simm.s32 $0xCD00;
	[sflag:s23] =	ssyncadd.s32 $0xFFFFFF00  }
0x69: {  	[tilespmem:s22], [sflag:$0x2] =	stream.linear.gather [hbm4b:s10+s4], $0x80, $0x38;
	[tilespmem:$0xE100] =	vst v63  }
0x6a: {  	_ =	swait.ge [sflag:s23], $0x80  }
0x6b: {  	[sflag:s23] =	ssyncset.done $0x0  }
0x6c: {  	[sflag:s23] =	ssyncadd.s32 $0xFFFFFF80  }
0x6d: {  	v12 =	vld [tilespmem:$0xC800]  }
0x6e: {  	v13 =	vld [tilespmem:$0xC810]  }
0x6f: {  	v14 =	vld [tilespmem:$0xC820]  }
0x70: {  	v16 =	vld [tilespmem:$0xC840]  }
0x71: {  	v17 =	vld [tilespmem:$0xC850]  }
0x72: {  	v18 =	vld [tilespmem:$0xC860]  }
0x73: {  	s22 =	simm.s32 $0x0;
	v20 =	vld [tilespmem:$0xC8C0]  }
0x74: {  	v3 =	vld.msk [tilespmem:s22+$0xCA00 ss:$0x0], $0xffff  }
0x75: {  	v19 =	vld [tilespmem:$0xC870]  }
0x76: {  	v22 =	vld [tilespmem:$0xC880]  }
0x77: {  	v24 =	vld [tilespmem:$0xC8B0]  }
0x78: {  	v23 =	vld [tilespmem:$0xC890]  }
0x79: {  	v2 =	vld.msk [tilespmem:s22+$0xCB00 ss:$0x0], $0xffff;
	v4 =	vmul.f32 v3, v12;
	v6 =	vmul.f32 v3, v20  }
0x7a: {  	v25 =	vld [tilespmem:$0xC8A0];
	v7 =	vmul.f32 v3, v13;
	v8 =	vmul.f32 v3, v14  }
0x7b: {  	v15 =	vld [tilespmem:$0xC830];
	v9 =	vmul.f32 v3, v16;
	v10 =	vmul.f32 v3, v19  }
0x7c: {  	v5 =	vimm.f32 $0.0e+00;
	v27 =	vld [tilespmem:$0xC8F0];
	v11 =	vmul.f32 v3, v18;
	v21 =	vmul.f32 v3, v24  }
0x7d: {  	v39 =	vimm.f32 $0.0e+00;
	v28 =	vld [tilespmem:$0xC8E0];
	v26 =	vmul.f32 v3, v22;
	v29 =	vmul.f32 v3, v23  }
0x7e: {  	v30 =	vmul.f32 v3, v17;
	v4 =	vadd.f32 v2, v4;
	v9 =	vadd.f32 v2, v9  }
0x7f: {  	v32 =	vmul.f32 v3, v25;
	v29 =	vadd.f32 v2, v29;
	v7 =	vadd.f32 v2, v7  }
0x80: {  	v33 =	vmul.f32 v3, v15;
	v36 =	vadd.f32 v2, v11;
	v43 =	vadd.f32 v2, v8  }
0x81: {  	v34 =	vmul.f32 v3, v27;
	v8 =	vadd.f32 v2, v30;
	v10 =	vadd.f32 v2, v10  }
0x82: {  	v1 =	vld.msk [tilespmem:s22+$0xCC00 ss:$0x0], $0xffff;
	v61 =	vmul.f32 v3, v28;
	v63 =	vadd.f32 v2, v26;
	v6 =	vadd.f32 v2, v6  }
0x83: {  	v31 =	vld [tilespmem:$0xC8D0];
	v33 =	vadd.f32 v2, v33;
	v35 =	vmax.f32 v9, $0.0e+00;
	v9 =	vadd.f32 v2, v32  }
0x84: {  	v11 =	vmax.f32 v29, $0.0e+00;
	v32 =	vadd.f32 v2, v61;
	v42 =	vmax.f32 v7, $0.0e+00  }
0x85: {  	v37 =	vmax.f32 v36, $0.0e+00;
	v4 =	vmax.f32 v4, $0.0e+00;
	v41 =	vmax.f32 v8, $0.0e+00  }
0x86: {  	v8 =	vmax.f32 v10, $0.0e+00;
	v40 =	vmax.f32 v63, $0.0e+00;
	v44 =	vmax.f32 v33, $0.0e+00  }
0x87: {  	v10 =	vimm.f32 $0.0e+00;
	v33 =	vimm.f32 $0.0e+00;
	v29 =	vmul.f32 v11, v1  }
0x88: {  	v11 =	vmul.f32 v3, v31;
	v3 =	vadd.f32 v2, v34;
	v62 =	vmul.f32 v35, v1  }
0x89: {  	v4 =	vmul.f32 v4, v1;
	v34 =	vmax.f32 v6, $0.0e+00;
	v9 =	vmax.f32 v9, $0.0e+00  }
0x8a: {  	v35 =	vimm.f32 $0.0e+00;
	v6 =	vimm.f32 $0.0e+00;
	v38 =	vmul.f32 v9, v1  }
0x8b: {  	v9 =	vadd.f32 v29, v5;
	v29 =	vmax.f32 v32, $0.0e+00;
	v36 =	vadd.f32 v4, v5  }
0x8c: {  	v4 =	vmul.f32 v8, v1;
	v26 =	vmax.f32 v3, $0.0e+00;
	v8 =	vimm.f32 $0.0e+00  }
0x8d: {  	v3 =	vimm.f32 $0.0e+00;
	v30 =	vmul.f32 v29, v1;
	v29 =	vadd.f32 v62, v5  }
0x8e: {  	v32 =	vimm.f32 $0.0e+00;
	v7 =	vadd.f32 v38, v5;
	v38 =	vadd.f32 v2, v21  }
0x8f: {  	s4 =	simm.s32 $0x4;
	v21 =	vadd.f32 v4, v5;
	v4 =	vadd.f32 v30, v5;
	v30 =	vimm.f32 $0.0e+00  }
.LBB2_7:
0x90: {  	s5 =	sshra.s32 s4, $0x2;
	p1 =	sne.s32 s4, $0x1FC;
	s4 =	sadd.s32 $0x4, s4;
	v43 =	vmax.f32 v43, $0.0e+00;
	v40 =	vmul.f32 v40, v1;
	v2 =	vadd.f32 v2, v11  }
0x91: {  	v42 =	vmul.f32 v42, v1;
	v38 =	vmax.f32 v38, $0.0e+00;
	v34 =	vmul.f32 v34, v1;
	v11 =	vld.msk [tilespmem:s5+$0xCA00 ss:$0x0], $0xffff  }
0x92: {  	v37 =	vmul.f32 v37, v1;
	v38 =	vmul.f32 v38, v1;
	v5 =	vadd.f32 v40, v5  }
0x93: {  	v26 =	vmul.f32 v26, v1;
	v40 =	vmul.f32 v43, v1;
	v8 =	vadd.f32 v34, v8  }
0x94: {  	v34 =	vmul.f32 v41, v1;
	v10 =	vadd.f32 v38, v10;
	v38 =	vmax.f32 v2, $0.0e+00  }
0x95: {  	v3 =	vadd.f32 v26, v3;
	v35 =	vadd.f32 v40, v35;
	v38 =	vmul.f32 v38, v1;
	v2 =	vld.msk [tilespmem:s5+$0xCB00 ss:$0x0], $0xffff  }
0x96: {  	v39 =	vadd.f32 v42, v39;
	v30 =	vadd.f32 v37, v30;
	v1 =	vmul.f32 v44, v1  }
0x97: {  	v32 =	vadd.f32 v34, v32;
	v26 =	vmul.f32 v11, v12;
	v40 =	vmul.f32 v11, v20  }
0x98: {  	v34 =	vmul.f32 v11, v13;
	v41 =	vmul.f32 v11, v14;
	v33 =	vadd.f32 v1, v33  }
0x99: {  	v37 =	vmul.f32 v11, v16;
	v44 =	vmul.f32 v11, v19;
	v6 =	vadd.f32 v38, v6  }
0x9a: {  	v38 =	vmul.f32 v11, v18;
	v45 =	vmul.f32 v11, v24;
	v1 =	vld.msk [tilespmem:s5+$0xCC00 ss:$0x0], $0xffff  }
0x9b: {  	v46 =	vmul.f32 v11, v22;
	v42 =	vmul.f32 v11, v23;
	v26 =	vadd.f32 v2, v26  }
0x9c: {  	v47 =	vmul.f32 v11, v17;
	v43 =	vmul.f32 v11, v25;
	v37 =	vadd.f32 v2, v37  }
0x9d: {  	v48 =	vmul.f32 v11, v15;
	v49 =	vmul.f32 v11, v27;
	v42 =	vadd.f32 v2, v42  }
0x9e: {  	v50 =	vmul.f32 v11, v28;
	v43 =	vadd.f32 v2, v43;
	v37 =	vmax.f32 v37, $0.0e+00  }
0x9f: {  	v34 =	vadd.f32 v2, v34;
	v38 =	vadd.f32 v2, v38;
	v42 =	vmax.f32 v42, $0.0e+00  }
0xa0: {  	v51 =	vmul.f32 v42, v1;
	v42 =	vmax.f32 v43, $0.0e+00;
	v43 =	vadd.f32 v2, v50  }
0xa1: {  	v11 =	vmul.f32 v11, v31;
	v49 =	vadd.f32 v2, v49;
	v50 =	vmul.f32 v42, v1  }
0xa2: {  	v42 =	vmax.f32 v34, $0.0e+00;
	v9 =	vadd.f32 v51, v9;
	v34 =	vmax.f32 v43, $0.0e+00  }
0xa3: {  	v51 =	vmul.f32 v37, v1;
	v37 =	vmax.f32 v38, $0.0e+00;
	v7 =	vadd.f32 v50, v7  }
0xa4: {  	v43 =	vadd.f32 v2, v41;
	v38 =	vadd.f32 v2, v47;
	v47 =	vmul.f32 v34, v1  }
0xa5: {  	v26 =	vmax.f32 v26, $0.0e+00;
	v34 =	vadd.f32 v2, v44;
	v29 =	vadd.f32 v51, v29  }
.Ltmp5:
0xa6: {  	v26 =	vmul.f32 v26, v1;
	v44 =	vadd.f32 v2, v46;
	v46 =	vadd.f32 v2, v40;
	(pc) =	sbr.rel @p1 .LBB2_7-.Ltmp5, $4  }
0xa7: {  	v48 =	vadd.f32 v2, v48;
	v41 =	vmax.f32 v38, $0.0e+00;
	v34 =	vmax.f32 v34, $0.0e+00  }
0xa8: {  	v36 =	vadd.f32 v26, v36;
	v26 =	vmax.f32 v49, $0.0e+00;
	v50 =	vmul.f32 v34, v1  }
0xa9: {  	v38 =	vadd.f32 v2, v45;
	v40 =	vmax.f32 v44, $0.0e+00;
	v34 =	vmax.f32 v46, $0.0e+00  }
0xaa: {  	v44 =	vmax.f32 v48, $0.0e+00;
	v4 =	vadd.f32 v47, v4;
	v21 =	vadd.f32 v50, v21  }
0xab: {  	v12 =	vld [tilespmem:$0xCD00];
	_ =	sdelay $0x4  }
0xac: {  	v13 =	vadd.f32 v12, v36;
	_ =	sdelay $0x1  }
0xad: {  	v13 =	vsub.f32 $0.0e+00, v13;
	_ =	sdelay $0x1  }
0xae: {  	v13 =	vmul.f32 $1.442695020e+00, v13;
	_ =	sdelay $0x1  }
0xaf: {  	(erf) = vpow2.f32 v13;
	_ =	sdelay $0x2  }
0xb0: {  	v36 =	vmul.f32 v42, v1;
	_ =	sdelay $0x1  }
0xb1: {  	v13 =	vadd.f32 v36, v39;
	_ =	sdelay $0x1  }
0xb2: {  	v13 =	vadd.f32 v12, v13;
	_ =	sdelay $0x1  }
0xb3: {  	v13 =	vsub.f32 $0.0e+00, v13;
	v14 =	vpop (erf)  }
0xb4: {  	v14 =	vadd.f32 $1.000000000e+00, v14  }
0xb5: {  	v13 =	vmul.f32 $1.442695020e+00, v13  }
0xb6: {  	(erf) = vrcp.f32 v14  }
0xb7: {  	(erf) = vpow2.f32 v13;
	_ =	sdelay $0x1  }
0xb8: {  	v42 =	vmax.f32 v43, $0.0e+00  }
0xb9: {  	v13 =	vmul.f32 v42, v1;
	_ =	sdelay $0x1  }
0xba: {  	v13 =	vadd.f32 v13, v35;
	_ =	sdelay $0x1  }
0xbb: {  	v43 =	vadd.f32 v12, v13  }
0xbc: {  	v45 =	vpop (erf)  }
0xbd: {  	v14 =	vsub.f32 $0.0e+00, v43;
	v15 =	vpop (erf)  }
0xbe: {  	v15 =	vadd.f32 $1.000000000e+00, v15  }
0xbf: {  	v14 =	vmul.f32 $1.442695020e+00, v14  }
0xc0: {  	(erf) = vrcp.f32 v15  }
0xc1: {  	(erf) = vpow2.f32 v14;
	_ =	sdelay $0x2  }
0xc2: {  	v46 =	vmul.f32 v44, v1;
	_ =	sdelay $0x1  }
0xc3: {  	v14 =	vadd.f32 v46, v33;
	_ =	sdelay $0x1  }
0xc4: {  	v14 =	vadd.f32 v12, v14  }
0xc5: {  	v15 =	vpop (erf)  }
0xc6: {  	v14 =	vsub.f32 $0.0e+00, v14;
	v16 =	vpop (erf)  }
0xc7: {  	v16 =	vadd.f32 $1.000000000e+00, v16  }
0xc8: {  	v14 =	vmul.f32 $1.442695020e+00, v14  }
0xc9: {  	(erf) = vrcp.f32 v16  }
0xca: {  	(erf) = vpow2.f32 v14;
	_ =	sdelay $0x6  }
0xcb: {  	v47 =	vadd.f32 v12, v29  }
0xcc: {  	v16 =	vpop (erf)  }
0xcd: {  	v14 =	vsub.f32 $0.0e+00, v47;
	v17 =	vpop (erf)  }
0xce: {  	v17 =	vadd.f32 $1.000000000e+00, v17  }
0xcf: {  	v14 =	vmul.f32 $1.442695020e+00, v14  }
0xd0: {  	(erf) = vrcp.f32 v17  }
0xd1: {  	(erf) = vpow2.f32 v14;
	_ =	sdelay $0x2  }
0xd2: {  	v48 =	vmul.f32 v41, v1;
	_ =	sdelay $0x1  }
0xd3: {  	v14 =	vadd.f32 v48, v32;
	_ =	sdelay $0x1  }
0xd4: {  	v14 =	vadd.f32 v12, v14  }
0xd5: {  	v17 =	vpop (erf)  }
0xd6: {  	v14 =	vsub.f32 $0.0e+00, v14;
	v18 =	vpop (erf)  }
0xd7: {  	v18 =	vadd.f32 $1.000000000e+00, v18  }
0xd8: {  	v14 =	vmul.f32 $1.442695020e+00, v14  }
0xd9: {  	(erf) = vrcp.f32 v18  }
0xda: {  	(erf) = vpow2.f32 v14;
	_ =	sdelay $0x2  }
0xdb: {  	v49 =	vmul.f32 v37, v1;
	_ =	sdelay $0x1  }
0xdc: {  	v14 =	vadd.f32 v49, v30;
	_ =	sdelay $0x1  }
0xdd: {  	v14 =	vadd.f32 v12, v14  }
0xde: {  	v18 =	vpop (erf)  }
0xdf: {  	v14 =	vsub.f32 $0.0e+00, v14;
	v19 =	vpop (erf)  }
0xe0: {  	v19 =	vadd.f32 $1.000000000e+00, v19  }
0xe1: {  	v14 =	vmul.f32 $1.442695020e+00, v14  }
0xe2: {  	(erf) = vrcp.f32 v19  }
0xe3: {  	(erf) = vpow2.f32 v14;
	_ =	sdelay $0x6  }
0xe4: {  	v50 =	vadd.f32 v12, v21  }
0xe5: {  	v19 =	vpop (erf)  }
0xe6: {  	v14 =	vsub.f32 $0.0e+00, v50;
	v20 =	vpop (erf)  }
0xe7: {  	v20 =	vadd.f32 $1.000000000e+00, v20  }
0xe8: {  	v14 =	vmul.f32 $1.442695020e+00, v14  }
0xe9: {  	(erf) = vrcp.f32 v20  }
0xea: {  	(erf) = vpow2.f32 v14;
	_ =	sdelay $0x2  }
0xeb: {  	v51 =	vmul.f32 v40, v1;
	_ =	sdelay $0x1  }
0xec: {  	v5 =	vadd.f32 v51, v5;
	_ =	sdelay $0x1  }
0xed: {  	v5 =	vadd.f32 v12, v5  }
0xee: {  	v52 =	vpop (erf)  }
0xef: {  	v5 =	vsub.f32 $0.0e+00, v5;
	v53 =	vpop (erf)  }
0xf0: {  	v20 =	vadd.f32 $1.000000000e+00, v53  }
0xf1: {  	v5 =	vmul.f32 $1.442695020e+00, v5  }
0xf2: {  	(erf) = vrcp.f32 v20  }
0xf3: {  	(erf) = vpow2.f32 v5;
	_ =	sdelay $0x6  }
0xf4: {  	v5 =	vadd.f32 v12, v9  }
0xf5: {  	v54 =	vpop (erf)  }
0xf6: {  	v5 =	vsub.f32 $0.0e+00, v5;
	v55 =	vpop (erf)  }
0xf7: {  	v20 =	vadd.f32 $1.000000000e+00, v55  }
0xf8: {  	v5 =	vmul.f32 $1.442695020e+00, v5  }
0xf9: {  	(erf) = vrcp.f32 v20  }
0xfa: {  	(erf) = vpow2.f32 v5;
	_ =	sdelay $0x6  }
0xfb: {  	v5 =	vadd.f32 v12, v7  }
0xfc: {  	v56 =	vpop (erf)  }
0xfd: {  	v5 =	vsub.f32 $0.0e+00, v5;
	v57 =	vpop (erf)  }
0xfe: {  	v20 =	vadd.f32 $1.000000000e+00, v57  }
0xff: {  	v5 =	vmul.f32 $1.442695020e+00, v5  }
0x100: {  	(erf) = vrcp.f32 v20  }
0x101: {  	(erf) = vpow2.f32 v5;
	_ =	sdelay $0x1  }
0x102: {  	v5 =	vmax.f32 v38, $0.0e+00  }
0x103: {  	v5 =	vmul.f32 v5, v1;
	_ =	sdelay $0x1  }
0x104: {  	v5 =	vadd.f32 v5, v10;
	_ =	sdelay $0x1  }
0x105: {  	v5 =	vadd.f32 v12, v5  }
0x106: {  	v58 =	vpop (erf)  }
0x107: {  	v5 =	vsub.f32 $0.0e+00, v5;
	v59 =	vpop (erf)  }
0x108: {  	v20 =	vadd.f32 $1.000000000e+00, v59  }
0x109: {  	v5 =	vmul.f32 $1.442695020e+00, v5  }
0x10a: {  	(erf) = vrcp.f32 v20  }
0x10b: {  	(erf) = vpow2.f32 v5;
	_ =	sdelay $0x2  }
0x10c: {  	v5 =	vmul.f32 v34, v1;
	_ =	sdelay $0x1  }
0x10d: {  	v5 =	vadd.f32 v5, v8;
	_ =	sdelay $0x1  }
0x10e: {  	v5 =	vadd.f32 v12, v5  }
0x10f: {  	v60 =	vpop (erf)  }
0x110: {  	v5 =	vsub.f32 $0.0e+00, v5;
	v61 =	vpop (erf)  }
0x111: {  	v20 =	vadd.f32 $1.000000000e+00, v61  }
0x112: {  	v5 =	vmul.f32 $1.442695020e+00, v5  }
0x113: {  	(erf) = vrcp.f32 v20  }
0x114: {  	v2 =	vadd.f32 v2, v11;
	(erf) = vpow2.f32 v5;
	_ =	sdelay $0x1  }
0x115: {  	v2 =	vmax.f32 v2, $0.0e+00  }
0x116: {  	v2 =	vmul.f32 v2, v1;
	_ =	sdelay $0x1  }
0x117: {  	v2 =	vadd.f32 v2, v6;
	_ =	sdelay $0x1  }
0x118: {  	v2 =	vadd.f32 v12, v2  }
0x119: {  	v5 =	vpop (erf)  }
0x11a: {  	v2 =	vsub.f32 $0.0e+00, v2;
	v62 =	vpop (erf)  }
0x11b: {  	v6 =	vadd.f32 $1.000000000e+00, v62  }
0x11c: {  	v2 =	vmul.f32 $1.442695020e+00, v2  }
0x11d: {  	(erf) = vrcp.f32 v6  }
0x11e: {  	(erf) = vpow2.f32 v2;
	_ =	sdelay $0x6  }
0x11f: {  	v2 =	vadd.f32 v12, v4  }
0x120: {  	v4 =	vpop (erf)  }
0x121: {  	v2 =	vsub.f32 $0.0e+00, v2;
	v63 =	vpop (erf)  }
0x122: {  	v6 =	vadd.f32 $1.000000000e+00, v63  }
0x123: {  	v2 =	vmul.f32 $1.442695020e+00, v2  }
0x124: {  	(erf) = vrcp.f32 v6  }
0x125: {  	(erf) = vpow2.f32 v2;
	_ =	sdelay $0x2  }
0x126: {  	v1 =	vmul.f32 v26, v1;
	_ =	sdelay $0x1  }
0x127: {  	v1 =	vadd.f32 v1, v3;
	_ =	sdelay $0x1  }
0x128: {  	v1 =	vadd.f32 v12, v1  }
0x129: {  	v2 =	vpop (erf)  }
0x12a: {  	v1 =	vsub.f32 $0.0e+00, v1;
	v3 =	vpop (erf)  }
0x12b: {  	v3 =	vadd.f32 $1.000000000e+00, v3  }
0x12c: {  	v1 =	vmul.f32 $1.442695020e+00, v1  }
0x12d: {  	(erf) = vrcp.f32 v3  }
0x12e: {  	(erf) = vpow2.f32 v1;
	_ =	sdelay $0x6  }
0x12f: {  	[tilespmem:$0xC900] =	vst v45  }
0x130: {  	[tilespmem:$0xC910] =	vst v15;
	v1 =	vpop (erf)  }
0x131: {  	[tilespmem:$0xC920] =	vst v16;
	v3 =	vpop (erf)  }
0x132: {  	[tilespmem:$0xC930] =	vst v17;
	v3 =	vadd.f32 $1.000000000e+00, v3  }
0x133: {  	[tilespmem:$0xC940] =	vst v18  }
0x134: {  	[tilespmem:$0xC950] =	vst v19;
	(erf) = vrcp.f32 v3  }
0x135: {  	[tilespmem:$0xC960] =	vst v52  }
0x136: {  	[tilespmem:$0xC970] =	vst v54  }
0x137: {  	[tilespmem:$0xC980] =	vst v56  }
0x138: {  	[tilespmem:$0xC990] =	vst v58  }
0x139: {  	[tilespmem:$0xC9A0] =	vst v60  }
0x13a: {  	[tilespmem:$0xC9B0] =	vst v5  }
0x13b: {  	[tilespmem:$0xC9C0] =	vst v4  }
0x13c: {  	[tilespmem:$0xC9D0] =	vst v2  }
0x13d: {  	[tilespmem:$0xC9E0] =	vst v1;
	v1 =	vpop (erf)  }
0x13e: {  	s4 =	simm.s32 $0xC900;
	[tilespmem:$0xC9F0] =	vst v1  }
0x13f: {  	[spmem:s17] =	stream.linear.scatter [tilespmem:s4], [sflag:$0x2], $0x100, $0x38;
	[tilespmem:$0xE100] =	vst v63  }
0x140: {  	_ =	swait.ge [sflag:s23], $0x100  }
0x141: {  	[sflag:s23] =	ssyncset.done $0x0  }
0x142: {  	[sflag:s23] =	ssyncadd.s32 $0xFFFFFF00  }
0x143: {  	s5 =	simm.s32 $0x0;
	[bflag:$0x0] =	sbarrier.arrive $0xFFFF  }
0x144: {  	[tilespmem:s26], [sflag:$0x2] =	stream.linear.gather [hbm4b:s18+s5], $0x400, $0x38;
	[tilespmem:$0xE100] =	vst v63  }
0x145: {  	_ =	swait.ge [sflag:s23], $0x400  }
0x146: {  	[sflag:s23] =	ssyncset.done $0x0  }
0x147: {  	[sflag:s23] =	ssyncadd.s32 $0xFFFFFC00  }
0x148: {  	[tilespmem:s28], [sflag:$0x2] =	stream.linear.gather [hbm4b:s19+s5], $0x400, $0x38;
	[tilespmem:$0xE100] =	vst v63  }
0x149: {  	_ =	swait.ge [sflag:s23], $0x400  }
0x14a: {  	[sflag:s23] =	ssyncset.done $0x0  }
0x14b: {  	[sflag:s23] =	ssyncadd.s32 $0xFFFFFC00  }
0x14c: {  	[tilespmem:s29], [sflag:$0x2] =	stream.linear.gather [hbm4b:s6+s5], $0x80, $0x38;
	[tilespmem:$0xE100] =	vst v63  }
0x14d: {  	_ =	swait.ge [sflag:s23], $0x80  }
0x14e: {  	[sflag:s23] =	ssyncset.done $0x0  }
0x14f: {  	[sflag:s23] =	ssyncadd.s32 $0xFFFFFF80  }
0x150: {  	s22 =	rddreg [dreg:$0x7]  }
0x151: {  	[tilespmem:s0], [sflag:$0x1] =	stream.indirect.gather [spmem:s22], $0x1, s26, s31, $0xb8;
	[tilespmem:$0xE100] =	vst v63  }
0x152: {  	_ =	swait.ge [sflag:s30], $0x400  }
0x153: {  	[sflag:s30] =	ssyncset.done $0x0  }
0x154: {  	[sflag:s30] =	ssyncadd.s32 $0xFFFFFC00  }
0x155: {  	s4 =	simm.s32 $0x0;
	v1 =	vld [tilespmem:$0xCD80]  }
0x156: {  	v2 =	vld [tilespmem:s4+$0xDA00];
	_ =	sdelay $0x1  }
0x157: {  	v3 =	vld [tilespmem:s4+$0xD200]  }
0x158: {  	s22 =	simm.s32 $0x40  }
.LBB2_9:
0x159: {  	p1 =	sne.s32 s22, $0xFC0  }
.Ltmp6:
0x15a: {  	s5 =	sshra.s32 s22, $0x2;
	s22 =	sadd.s32 $0x40, s22;
	v4 =	vmul.f32 v2, v1;
	(pc) =	sbr.rel @p1 .LBB2_9-.Ltmp6, $4  }
0x15b: {  	v2 =	vld [tilespmem:s5+$0xDA00]  }
0x15c: {  	v4 =	vadd.f32 v3, v4  }
0x15d: {  	v3 =	vld [tilespmem:s5+$0xD200]  }
0x15e: {  	[tilespmem:s4+$0xD600] =	vst v4;
	s4 =	smov.u32 s5  }
0x15f: {  	_ = 	snop  }
0x160: {  	v1 =	vmul.f32 v2, v1;
	_ =	sdelay $0x1  }
0x161: {  	v1 =	vadd.f32 v3, v1;
	_ =	sdelay $0x1  }
.Ltmp7:
0x162: {  	s22 =	simm.s32 $0x0;
	[tilespmem:s4+$0xD600] =	vst v1;
	(pc) =	sbr.rel .LBB2_11-.Ltmp7, $4  }
0x163: {  	[hbm4b:s20+s22] =	stream.linear.scatter [tilespmem:s1], [sflag:$0x2], $0x400, $0x38;
	[tilespmem:$0xE100] =	vst v63  }
0x164: {  	_ =	swait.ge [sflag:s23], $0x400  }
0x165: {  	[sflag:s23] =	ssyncset.done $0x0  }
0x166: {  	[sflag:s23] =	ssyncadd.s32 $0xFFFFFC00  }
.LBB2_12:
0x167: {  	_ =	sfence.sel $0x180000  }
0x168: {  	[bflag:$0x0] =	sbarrier.arrive $0xFFFF  }
0x169: {  	_ =	strace $0x9000004D  }
0x16a: {  	[bflag:$0x2] =	sbarrier.arrive $0xFFFF  }
0x16b: {  	p0 =	sne.s32 s3, $0x0;
	s0 =	rddreg [dreg:$0x8]  }
0x16c: {  	s0 =	sadd.s32 @!p0 $0x100000, s0  }
0x16d: {  	[sflag:s0] =	ssyncadd.tile.s32 @!p0 $0x1;
	_ =	shalt  }
.Lfunc_end2:
_tile_overlayer_lowered:
.L_overlay_start_2:
0x16e: {  	(tag) =	ssettag $0x2  }
0x16f: {  	s0 =	rddreg [dreg:$0x0];
	s2 =	stileid.u32  }
0x170: {  	s1 =	rddreg [dreg:$0x1];
	p0 =	sne.s32 s2, $0x0  }
0x171: {  	s3 =	rddreg [dreg:$0x2];
	[bflag:$0x3] =	sbarrier.arrive $0xFFFF;
	s2 =	simm.s32 @!p0 $0x1C02  }
0x172: {  	[timem:s3], [sflag:s2] =	dma.local @!p0 [hbm:s0], s1  }
0x173: {  	s0 =	simm.s32 @!p0 $0x2  }
0x174: {  	_ =	swait.ge @!p0 [sflag:s0], s1  }
0x175: {  	s1 =	ssub.s32 @!p0 $0x0, s1;
	[sflag:s0] =	ssyncset.done @!p0 $0x0  }
0x176: {  	[sflag:s0] =	ssyncadd.s32 @!p0 s1  }
0x177: {  	[bflag:$0x3] =	sbarrier.arrive $0xFFFF  }
0x178: {  	_ =	shalt  }

</sc_bundles>
